<compile_context>
chip_gen: v7x
topology: tpu7x:2x2x1
jax: 0.10.2.dev20260603
libtpu: 0.0.44.dev20260713+nightly
codegen_flags: <defaults>
</compile_context>

<pallas_src>
import functools

import jax
import jax.numpy as jnp
from jax import lax
from jax.experimental import pallas as pl
from jax.experimental.pallas import tpu as pltpu
from jax.experimental.pallas import tpu_sc as plsc

H = 768
V = 5000
B = 128
S = 32
OCR = 50
L = 16
NCH = H // L
NC = 2
NS = 16
NW = NC * NS
B_PER_W = B // NW
NH = 2 * B_PER_W
HR = S // 2
EPS = 1e-5



def _prep_body(pos_ref, type_ref, embw_ref, embb_ref, ansb_ref, ocrb_ref,
               posb_ref):
    x = pos_ref[0:S, :] + type_ref[0, :][None, :]
    mu = jnp.mean(x, axis=-1, keepdims=True)
    var = jnp.mean((x - mu) ** 2, axis=-1, keepdims=True)
    pn = (x - mu) * lax.rsqrt(var + EPS) * embw_ref[...][None, :] + embb_ref[...][None, :]
    posb_ref[0, :, :] = pn + ansb_ref[...][None, :]
    posb_ref[1, :, :] = pn + ocrb_ref[...][None, :]


def _prep_posb(pos_table, type_table, emb_w, emb_b, ans_b, ocr_b):
    return pl.pallas_call(
        _prep_body,
        out_shape=jax.ShapeDtypeStruct((2, S, H), jnp.float32),
    )(pos_table, type_table, emb_w, emb_b, ans_b, ocr_b)



def _sc_body(boff, ans_hbm, prev_hbm, ocr_hbm, raw_hbm, tm_hbm,
             idx_sb, idx_v, aidx_v, oidx_v, bufs_v, ocr_buf, tm_v,
             sem_o, sems_g, sems_w):
    cid = lax.axis_index("c")
    sid = lax.axis_index("s")
    wid = sid * NC + cid
    pltpu.sync_copy(prev_hbm, idx_sb)
    lane_iota = lax.iota(jnp.int32, 16)

    for g in range(NH_SP):
        b = boff + wid * BW_SP + g // 2
        row_ids = lane_iota + (g % 2) * HR
        col_ids = jnp.full((L,), b, jnp.int32)
        ii = plsc.load_gather(idx_sb, [row_ids, col_ids])
        idx_v[pl.ds(g * HR, HR)] = ii
        aidx_v[pl.ds(g * HR, HR)] = jnp.minimum(ii, V - 1)
        oidx_v[pl.ds(g * HR, HR)] = jnp.clip(ii - V, 0, OCR - 1) * B + b
        tm_v[g // 2, pl.ds((g % 2) * HR, HR)] = jnp.where(
            ii >= V, 1.0, 0.0)

    gathers = [
        pltpu.async_copy(ans_hbm.at[aidx_v.at[pl.ds(g * HR, HR)]],
                         bufs_v.at[pl.ds(g * HR, HR)], sems_g[g])
        for g in range(NH_SP)
    ]
    writes = {}
    for g in range(NH_SP):
        buf = bufs_v.at[pl.ds(g * HR, HR)]
        gathers[g].wait()
        iv_f = idx_v[pl.ds(g * HR, HR)].astype(jnp.float32)
        n_ocr = jnp.sum(jnp.where(iv_f >= V, 1.0, 0.0))

        @pl.when(n_ocr > 0.5)
        def _():
            pltpu.async_copy(ocr_hbm.at[oidx_v.at[pl.ds(g * HR, HR)]],
                             ocr_buf, sem_o).wait()

            @plsc.parallel_loop(0, HR, 1)
            def patch_row(r):
                idx_rf = jnp.sum(jnp.where(lane_iota == r, iv_f, 0.0))

                @pl.when(idx_rf >= V)
                def _():
                    @plsc.parallel_loop(0, NCH, 1, unroll=4)
                    def copy_chunk(c):
                        buf[r, pl.ds(c * L, L)] = ocr_buf[r, pl.ds(c * L, L)]

        bl = wid * BW_SP + g // 2
        s_base = (g % 2) * HR
        writes[g] = pltpu.async_copy(
            buf, raw_hbm.at[bl, pl.ds(s_base, HR)], sems_w[g])
    pltpu.sync_copy(tm_v, tm_hbm.at[pl.ds(wid * BW_SP, BW_SP)])
    for g in writes:
        writes[g].wait()


NSPLIT = 1
B_SP = B // NSPLIT
BW_SP = B_SP // NW
NH_SP = 2 * BW_SP


def _make_sc(boff):
    return functools.partial(
        pl.kernel,
        out_type=(jax.ShapeDtypeStruct((B_SP, S, H), jnp.float32),
                  jax.ShapeDtypeStruct((B_SP, S), jnp.float32)),
        mesh=plsc.VectorSubcoreMesh(core_axis_name="c", subcore_axis_name="s"),
        compiler_params=pltpu.CompilerParams(needs_layout_passes=False,
                                             skip_device_barrier=True),
        scratch_types=[
            pltpu.VMEM((S, B), jnp.int32),
            pltpu.VMEM((NH_SP * HR,), jnp.int32),
            pltpu.VMEM((NH_SP * HR,), jnp.int32),
            pltpu.VMEM((NH_SP * HR,), jnp.int32),
            pltpu.VMEM((NH_SP * HR, H), jnp.float32),
            pltpu.VMEM((HR, H), jnp.float32),
            pltpu.VMEM((BW_SP, S), jnp.float32),
            pltpu.SemaphoreType.DMA,
            [pltpu.SemaphoreType.DMA] * NH_SP,
            [pltpu.SemaphoreType.DMA] * NH_SP,
        ],
    )(functools.partial(_sc_body, boff))


_sc_kernels = [_make_sc(i * B_SP) for i in range(NSPLIT)]



BB = 16


def _fin_body(raw_ref, tm_ref, posb_ref, wa_ref, wo_ref, out_ref):
    x = raw_ref[...]
    mu = jnp.mean(x, axis=-1, keepdims=True)
    var = jnp.mean((x - mu) ** 2, axis=-1, keepdims=True)
    t = tm_ref[...][..., None]
    wa = wa_ref[...][None, None, :]
    wo = wo_ref[...][None, None, :]
    w = wa + t * (wo - wa)
    pb = posb_ref[0][None] + t * (posb_ref[1][None] - posb_ref[0][None])
    out_ref[...] = (x - mu) * lax.rsqrt(var + EPS) * w + pb


def _fin(raw, tm, posb, wa, wo):
    nb = raw.shape[0]
    return pl.pallas_call(
        _fin_body,
        grid=(nb // BB,),
        in_specs=[
            pl.BlockSpec((BB, S, H), lambda i: (i, 0, 0)),
            pl.BlockSpec((BB, S), lambda i: (i, 0)),
            pl.BlockSpec((2, S, H), lambda i: (0, 0, 0)),
            pl.BlockSpec((H,), lambda i: (0,)),
            pl.BlockSpec((H,), lambda i: (0,)),
        ],
        out_specs=pl.BlockSpec((BB, S, H), lambda i: (i, 0, 0)),
        out_shape=jax.ShapeDtypeStruct((nb, S, H), jnp.float32),
    )(raw, tm, posb, wa, wo)


def kernel(ans_emb, prev_inds, ocr_embedding, pos_table, type_table,
           ans_ln_w, ans_ln_b, ocr_ln_w, ocr_ln_b, emb_ln_w, emb_ln_b):
    posb = _prep_posb(pos_table, type_table, emb_ln_w, emb_ln_b,
                      ans_ln_b, ocr_ln_b)
    ocr2 = jnp.transpose(ocr_embedding, (1, 0, 2)).reshape(OCR * B, H)
    prev_t = jnp.transpose(prev_inds)
    outs = []
    for i in range(NSPLIT):
        raw, tm = _sc_kernels[i](ans_emb, prev_t, ocr2)
        outs.append(_fin(raw, tm, posb, ans_ln_w, ocr_ln_w))
    return jnp.concatenate(outs, axis=0)

# --- scband reference (transcript-rebuilt; emitter-appended) ---
"""Pipeline reference for scband-prev-embedding-66451734004294 (READ-ONLY COPY).

The authoritative reference and input builder live on the scoring server;
editing this copy changes nothing except your own understanding.
"""

import jax, jax.numpy as jnp
import numpy as np

H = 768
V = 5000
B = 128
S = 32
OCR = 50
DEC_LENGTH = 100


def layer_norm(x, w, b, eps=1e-5):
    mu = jnp.mean(x, axis=-1, keepdims=True)
    var = jnp.var(x, axis=-1, keepdims=True)
    return (x - mu) / jnp.sqrt(var + eps) * w + b


def setup_inputs(seed: int = 0) -> dict:
    key = jax.random.key(seed)
    ks = jax.random.split(key, 12)
    ans_emb = jax.random.normal(ks[0], (V, H), dtype=jnp.float32)
    prev_inds = jax.random.randint(ks[1], (B, S), 0, V + OCR, dtype=jnp.int32)
    ocr_embedding = jax.random.normal(ks[2], (B, OCR, H), dtype=jnp.float32)
    # learned parameters
    pos_table = jax.random.normal(ks[3], (DEC_LENGTH, H), dtype=jnp.float32) * 0.02
    type_table = jax.random.normal(ks[4], (2, H), dtype=jnp.float32) * 0.02
    ans_ln_w = jnp.ones((H,), dtype=jnp.float32)
    ans_ln_b = jnp.zeros((H,), dtype=jnp.float32)
    ocr_ln_w = jnp.ones((H,), dtype=jnp.float32)
    ocr_ln_b = jnp.zeros((H,), dtype=jnp.float32)
    emb_ln_w = jnp.ones((H,), dtype=jnp.float32)
    emb_ln_b = jnp.zeros((H,), dtype=jnp.float32)
    return {
        "ans_emb": ans_emb,
        "prev_inds": prev_inds,
        "ocr_embedding": ocr_embedding,
        "pos_table": pos_table,
        "type_table": type_table,
        "ans_ln_w": ans_ln_w,
        "ans_ln_b": ans_ln_b,
        "ocr_ln_w": ocr_ln_w,
        "ocr_ln_b": ocr_ln_b,
        "emb_ln_w": emb_ln_w,
        "emb_ln_b": emb_ln_b,
    }


def reference(ans_emb, prev_inds, ocr_embedding, pos_table, type_table,
              ans_ln_w, ans_ln_b, ocr_ln_w, ocr_ln_b, emb_ln_w, emb_ln_b):
    batch_size, current_seq_length = prev_inds.shape
    vocab_size = ans_emb.shape[0]
    # normalize both halves of the lookup table
    ans_n = layer_norm(ans_emb, ans_ln_w, ans_ln_b)          # [V, H]
    ocr_n = layer_norm(ocr_embedding, ocr_ln_w, ocr_ln_b)    # [B, OCR, H]
    # _batch_gather over the (logically) concatenated table [B, V+OCR, H]
    # done without materializing the broadcasted ans half (torch expand is zero-copy)
    ans_idx = jnp.clip(prev_inds, 0, vocab_size - 1)
    ans_gathered = jnp.take(ans_n, ans_idx, axis=0)          # [B, S, H]
    ocr_idx = jnp.clip(prev_inds - vocab_size, 0, ocr_n.shape[1] - 1)
    ocr_gathered = jnp.take_along_axis(ocr_n, ocr_idx[..., None], axis=1)  # [B, S, H]
    is_ans = (prev_inds < vocab_size)[..., None]
    last_word_embeddings = jnp.where(is_ans, ans_gathered, ocr_gathered)
    # positional + token-type embeddings
    position_ids = jnp.arange(current_seq_length, dtype=jnp.int32)
    position_ids = jnp.broadcast_to(position_ids[None, :], (batch_size, current_seq_length))
    position_embeddings = jnp.take(pos_table, position_ids, axis=0)
    type_ids = (position_ids >= vocab_size).astype(jnp.int32)
    token_type_embeddings = jnp.take(type_table, type_ids, axis=0)
    pos_type = position_embeddings + token_type_embeddings
    pos_type = layer_norm(pos_type, emb_ln_w, emb_ln_b)
    # dropout is identity in eval mode
    prev_emb = last_word_embeddings + pos_type
    return prev_emb

if __name__ == "__main__":
    import jax
    _d = setup_inputs()
    print(jax.jit(kernel)(*tuple(_d.values())))

</pallas_src>

<mosaic_0001>
#map = affine_map<(d0, d1) -> (0, 0)>
#map1 = affine_map<(d0, d1) -> (0, 0, 0)>
module attributes {stable_mosaic.version = 14 : i64} {
  func.func @_sc_body(%arg0: i32, %arg1: i32, %arg2: memref<5000x768xf32, #tpu.memory_space<hbm>>, %arg3: memref<32x128xi32, #tpu.memory_space<hbm>>, %arg4: memref<6400x768xf32, #tpu.memory_space<hbm>>, %arg5: memref<128x32x768xf32, #tpu.memory_space<hbm>>, %arg6: memref<128x32xf32, #tpu.memory_space<hbm>>, %arg7: memref<32x128xi32, #tpu.memory_space<vmem>>, %arg8: memref<128xi32, #tpu.memory_space<vmem>>, %arg9: memref<128xi32, #tpu.memory_space<vmem>>, %arg10: memref<128xi32, #tpu.memory_space<vmem>>, %arg11: memref<128x768xf32, #tpu.memory_space<vmem>>, %arg12: memref<16x768xf32, #tpu.memory_space<vmem>>, %arg13: memref<4x32xf32, #tpu.memory_space<vmem>>, %arg14: memref<!tpu.dma_semaphore, #tpu.memory_space<semaphore_mem>>, %arg15: memref<!tpu.dma_semaphore, #tpu.memory_space<semaphore_mem>>, %arg16: memref<!tpu.dma_semaphore, #tpu.memory_space<semaphore_mem>>, %arg17: memref<!tpu.dma_semaphore, #tpu.memory_space<semaphore_mem>>, %arg18: memref<!tpu.dma_semaphore, #tpu.memory_space<semaphore_mem>>, %arg19: memref<!tpu.dma_semaphore, #tpu.memory_space<semaphore_mem>>, %arg20: memref<!tpu.dma_semaphore, #tpu.memory_space<semaphore_mem>>, %arg21: memref<!tpu.dma_semaphore, #tpu.memory_space<semaphore_mem>>, %arg22: memref<!tpu.dma_semaphore, #tpu.memory_space<semaphore_mem>>, %arg23: memref<!tpu.dma_semaphore, #tpu.memory_space<semaphore_mem>>, %arg24: memref<!tpu.dma_semaphore, #tpu.memory_space<semaphore_mem>>, %arg25: memref<!tpu.dma_semaphore, #tpu.memory_space<semaphore_mem>>, %arg26: memref<!tpu.dma_semaphore, #tpu.memory_space<semaphore_mem>>, %arg27: memref<!tpu.dma_semaphore, #tpu.memory_space<semaphore_mem>>, %arg28: memref<!tpu.dma_semaphore, #tpu.memory_space<semaphore_mem>>, %arg29: memref<!tpu.dma_semaphore, #tpu.memory_space<semaphore_mem>>, %arg30: memref<!tpu.dma_semaphore, #tpu.memory_space<semaphore_mem>>) attributes {dimension_semantics = [#tpu.dimension_semantics<core_parallel>, #tpu.dimension_semantics<subcore_parallel>], iteration_bounds = array<i64: 2, 16>, scalar_prefetch = 0 : i64, scratch_operands = 24 : i64, tpu.core_type = #tpu.core_type<sc_vector_subcore>, window_params = [{transform_indices = #map}, {transform_indices = #map}, {transform_indices = #map}, {transform_indices = #map1}, {transform_indices = #map}]} {
    %mul3A = arith.constant 2 : i32
    %mul3A_0 = arith.muli %arg1, %mul3A : i32
    %add3A = arith.addi %mul3A_0, %arg0 : i32
    "tpu.region"() ({
      %run_scoped3A = tpu.sem_alloc : memref<!tpu.dma_semaphore, #tpu.memory_space<semaphore_mem>>
      tpu.enqueue_dma source(%arg3 : memref<32x128xi32, #tpu.memory_space<hbm>>) target(%arg7 : memref<32x128xi32, #tpu.memory_space<vmem>>) target_semaphore(%run_scoped3A : memref<!tpu.dma_semaphore, #tpu.memory_space<semaphore_mem>>)
      tpu.wait_dma2 semaphore(%run_scoped3A : memref<!tpu.dma_semaphore, #tpu.memory_space<semaphore_mem>>) src(%arg3 : memref<32x128xi32, #tpu.memory_space<hbm>>) dst(%arg7 : memref<32x128xi32, #tpu.memory_space<vmem>>)
      tpu.yield
    }) : () -> ()
    %iota3A = tpu.iota {dimensions = array<i32: 0>} : vector<16xi32>
    %mul3A_1 = arith.constant 4 : i32
    %mul3A_2 = arith.muli %add3A, %mul3A_1 : i32
    %add3A_3 = arith.constant 0 : i32
    %add3A_4 = arith.addi %add3A_3, %mul3A_2 : i32
    %add3A_5 = arith.constant 0 : i32
    %add3A_6 = arith.addi %add3A_4, %add3A_5 : i32
    %add3A_7 = arith.constant 0 : i32
    %add3A_8 = vector.broadcast %add3A_7 : i32 to vector<16xi32>
    %add3A_9 = arith.addi %iota3A, %add3A_8 : vector<16xi32>
    %broadcast_in_dim3A = vector.broadcast %add3A_6 : i32 to vector<16xi32>
    %gather3A = tpu.vector_load_idx %arg7[%add3A_9, %broadcast_in_dim3A] : memref<32x128xi32, #tpu.memory_space<vmem>>[vector<16xi32>, vector<16xi32>], vector<16xi32>,
    %swap3A = arith.constant 0 : index
    %swap3A_10 = tpu.vector_load %arg8[%swap3A] {strides = array<i32>} : memref<128xi32, #tpu.memory_space<vmem>>, vector<16xi32>,
    tpu.vector_store %arg8[%swap3A], %gather3A {strides = array<i32>} : memref<128xi32, #tpu.memory_space<vmem>>, vector<16xi32>,
    %min3A = arith.constant 4999 : i32
    %min3A_11 = vector.broadcast %min3A : i32 to vector<16xi32>
    %min3A_12 = arith.minsi %gather3A, %min3A_11 : vector<16xi32>
    %swap3A_13 = arith.constant 0 : index
    %swap3A_14 = tpu.vector_load %arg9[%swap3A_13] {strides = array<i32>} : memref<128xi32, #tpu.memory_space<vmem>>, vector<16xi32>,
    tpu.vector_store %arg9[%swap3A_13], %min3A_12 {strides = array<i32>} : memref<128xi32, #tpu.memory_space<vmem>>, vector<16xi32>,
    %sub3A = arith.constant 5000 : i32
    %sub3A_15 = vector.broadcast %sub3A : i32 to vector<16xi32>
    %sub3A_16 = arith.subi %gather3A, %sub3A_15 : vector<16xi32>
    %jit3A = arith.constant 0 : i32
    %jit3A_17 = arith.constant 49 : i32
    %max3A = vector.broadcast %jit3A : i32 to vector<16xi32>
    %max3A_18 = arith.maxsi %max3A, %sub3A_16 : vector<16xi32>
    %min3A_19 = vector.broadcast %jit3A_17 : i32 to vector<16xi32>
    %min3A_20 = arith.minsi %min3A_19, %max3A_18 : vector<16xi32>
    %mul3A_21 = arith.constant 128 : i32
    %mul3A_22 = vector.broadcast %mul3A_21 : i32 to vector<16xi32>
    %mul3A_23 = arith.muli %min3A_20, %mul3A_22 : vector<16xi32>
    %add3A_24 = vector.broadcast %add3A_6 : i32 to vector<16xi32>
    %add3A_25 = arith.addi %mul3A_23, %add3A_24 : vector<16xi32>
    %swap3A_26 = arith.constant 0 : index
    %swap3A_27 = tpu.vector_load %arg10[%swap3A_26] {strides = array<i32>} : memref<128xi32, #tpu.memory_space<vmem>>, vector<16xi32>,
    tpu.vector_store %arg10[%swap3A_26], %add3A_25 {strides = array<i32>} : memref<128xi32, #tpu.memory_space<vmem>>, vector<16xi32>,
    %ge3A = arith.constant 5000 : i32
    %ge3A_28 = vector.broadcast %ge3A : i32 to vector<16xi32>
    %ge3A_29 = arith.cmpi sge, %gather3A, %ge3A_28 : vector<16xi32>
    %jit3A_30 = arith.constant 1.000000e+00 : f32
    %jit3A_31 = arith.constant 0.000000e+00 : f32
    %broadcast_in_dim3A_32 = vector.broadcast %jit3A_30 : f32 to vector<16xf32>
    %broadcast_in_dim3A_33 = vector.broadcast %jit3A_31 : f32 to vector<16xf32>
    %select_n3A = arith.select %ge3A_29, %broadcast_in_dim3A_32, %broadcast_in_dim3A_33 : vector<16xi1>, vector<16xf32>
    %swap3A_34 = arith.constant 0 : i32
    %swap3A_35 = arith.index_cast %swap3A_34 : i32 to index
    %swap3A_36 = arith.constant 0 : index
    %swap3A_37 = tpu.vector_load %arg13[%swap3A_35, %swap3A_36] {strides = array<i32>} : memref<4x32xf32, #tpu.memory_space<vmem>>, vector<16xf32>,
    tpu.vector_store %arg13[%swap3A_35, %swap3A_36], %select_n3A {strides = array<i32>} : memref<4x32xf32, #tpu.memory_space<vmem>>, vector<16xf32>,
    %mul3A_38 = arith.constant 4 : i32
    %mul3A_39 = arith.muli %add3A, %mul3A_38 : i32
    %add3A_40 = arith.constant 0 : i32
    %add3A_41 = arith.addi %add3A_40, %mul3A_39 : i32
    %add3A_42 = arith.constant 0 : i32
    %add3A_43 = arith.addi %add3A_41, %add3A_42 : i32
    %add3A_44 = arith.constant 16 : i32
    %add3A_45 = vector.broadcast %add3A_44 : i32 to vector<16xi32>
    %add3A_46 = arith.addi %iota3A, %add3A_45 : vector<16xi32>
    %broadcast_in_dim3A_47 = vector.broadcast %add3A_43 : i32 to vector<16xi32>
    %gather3A_48 = tpu.vector_load_idx %arg7[%add3A_46, %broadcast_in_dim3A_47] : memref<32x128xi32, #tpu.memory_space<vmem>>[vector<16xi32>, vector<16xi32>], vector<16xi32>,
    %swap3A_49 = arith.constant 16 : index
    %swap3A_50 = tpu.vector_load %arg8[%swap3A_49] {strides = array<i32>} : memref<128xi32, #tpu.memory_space<vmem>>, vector<16xi32>,
    tpu.vector_store %arg8[%swap3A_49], %gather3A_48 {strides = array<i32>} : memref<128xi32, #tpu.memory_space<vmem>>, vector<16xi32>,
    %min3A_51 = arith.constant 4999 : i32
    %min3A_52 = vector.broadcast %min3A_51 : i32 to vector<16xi32>
    %min3A_53 = arith.minsi %gather3A_48, %min3A_52 : vector<16xi32>
    %swap3A_54 = arith.constant 16 : index
    %swap3A_55 = tpu.vector_load %arg9[%swap3A_54] {strides = array<i32>} : memref<128xi32, #tpu.memory_space<vmem>>, vector<16xi32>,
    tpu.vector_store %arg9[%swap3A_54], %min3A_53 {strides = array<i32>} : memref<128xi32, #tpu.memory_space<vmem>>, vector<16xi32>,
    %sub3A_56 = arith.constant 5000 : i32
    %sub3A_57 = vector.broadcast %sub3A_56 : i32 to vector<16xi32>
    %sub3A_58 = arith.subi %gather3A_48, %sub3A_57 : vector<16xi32>
    %jit3A_59 = arith.constant 0 : i32
    %jit3A_60 = arith.constant 49 : i32
    %max3A_61 = vector.broadcast %jit3A_59 : i32 to vector<16xi32>
    %max3A_62 = arith.maxsi %max3A_61, %sub3A_58 : vector<16xi32>
    %min3A_63 = vector.broadcast %jit3A_60 : i32 to vector<16xi32>
    %min3A_64 = arith.minsi %min3A_63, %max3A_62 : vector<16xi32>
    %mul3A_65 = arith.constant 128 : i32
    %mul3A_66 = vector.broadcast %mul3A_65 : i32 to vector<16xi32>
    %mul3A_67 = arith.muli %min3A_64, %mul3A_66 : vector<16xi32>
    %add3A_68 = vector.broadcast %add3A_43 : i32 to vector<16xi32>
    %add3A_69 = arith.addi %mul3A_67, %add3A_68 : vector<16xi32>
    %swap3A_70 = arith.constant 16 : index
    %swap3A_71 = tpu.vector_load %arg10[%swap3A_70] {strides = array<i32>} : memref<128xi32, #tpu.memory_space<vmem>>, vector<16xi32>,
    tpu.vector_store %arg10[%swap3A_70], %add3A_69 {strides = array<i32>} : memref<128xi32, #tpu.memory_space<vmem>>, vector<16xi32>,
    %ge3A_72 = arith.constant 5000 : i32
    %ge3A_73 = vector.broadcast %ge3A_72 : i32 to vector<16xi32>
    %ge3A_74 = arith.cmpi sge, %gather3A_48, %ge3A_73 : vector<16xi32>
    %jit3A_75 = arith.constant 1.000000e+00 : f32
    %jit3A_76 = arith.constant 0.000000e+00 : f32
    %broadcast_in_dim3A_77 = vector.broadcast %jit3A_75 : f32 to vector<16xf32>
    %broadcast_in_dim3A_78 = vector.broadcast %jit3A_76 : f32 to vector<16xf32>
    %select_n3A_79 = arith.select %ge3A_74, %broadcast_in_dim3A_77, %broadcast_in_dim3A_78 : vector<16xi1>, vector<16xf32>
    %swap3A_80 = arith.constant 0 : i32
    %swap3A_81 = arith.index_cast %swap3A_80 : i32 to index
    %swap3A_82 = arith.constant 16 : index
    %swap3A_83 = tpu.vector_load %arg13[%swap3A_81, %swap3A_82] {strides = array<i32>} : memref<4x32xf32, #tpu.memory_space<vmem>>, vector<16xf32>,
    tpu.vector_store %arg13[%swap3A_81, %swap3A_82], %select_n3A_79 {strides = array<i32>} : memref<4x32xf32, #tpu.memory_space<vmem>>, vector<16xf32>,
    %mul3A_84 = arith.constant 4 : i32
    %mul3A_85 = arith.muli %add3A, %mul3A_84 : i32
    %add3A_86 = arith.constant 0 : i32
    %add3A_87 = arith.addi %add3A_86, %mul3A_85 : i32
    %add3A_88 = arith.constant 1 : i32
    %add3A_89 = arith.addi %add3A_87, %add3A_88 : i32
    %add3A_90 = arith.constant 0 : i32
    %add3A_91 = vector.broadcast %add3A_90 : i32 to vector<16xi32>
    %add3A_92 = arith.addi %iota3A, %add3A_91 : vector<16xi32>
    %broadcast_in_dim3A_93 = vector.broadcast %add3A_89 : i32 to vector<16xi32>
    %gather3A_94 = tpu.vector_load_idx %arg7[%add3A_92, %broadcast_in_dim3A_93] : memref<32x128xi32, #tpu.memory_space<vmem>>[vector<16xi32>, vector<16xi32>], vector<16xi32>,
    %swap3A_95 = arith.constant 32 : index
    %swap3A_96 = tpu.vector_load %arg8[%swap3A_95] {strides = array<i32>} : memref<128xi32, #tpu.memory_space<vmem>>, vector<16xi32>,
    tpu.vector_store %arg8[%swap3A_95], %gather3A_94 {strides = array<i32>} : memref<128xi32, #tpu.memory_space<vmem>>, vector<16xi32>,
    %min3A_97 = arith.constant 4999 : i32
    %min3A_98 = vector.broadcast %min3A_97 : i32 to vector<16xi32>
    %min3A_99 = arith.minsi %gather3A_94, %min3A_98 : vector<16xi32>
    %swap3A_100 = arith.constant 32 : index
    %swap3A_101 = tpu.vector_load %arg9[%swap3A_100] {strides = array<i32>} : memref<128xi32, #tpu.memory_space<vmem>>, vector<16xi32>,
    tpu.vector_store %arg9[%swap3A_100], %min3A_99 {strides = array<i32>} : memref<128xi32, #tpu.memory_space<vmem>>, vector<16xi32>,
    %sub3A_102 = arith.constant 5000 : i32
    %sub3A_103 = vector.broadcast %sub3A_102 : i32 to vector<16xi32>
    %sub3A_104 = arith.subi %gather3A_94, %sub3A_103 : vector<16xi32>
    %jit3A_105 = arith.constant 0 : i32
    %jit3A_106 = arith.constant 49 : i32
    %max3A_107 = vector.broadcast %jit3A_105 : i32 to vector<16xi32>
    %max3A_108 = arith.maxsi %max3A_107, %sub3A_104 : vector<16xi32>
    %min3A_109 = vector.broadcast %jit3A_106 : i32 to vector<16xi32>
    %min3A_110 = arith.minsi %min3A_109, %max3A_108 : vector<16xi32>
    %mul3A_111 = arith.constant 128 : i32
    %mul3A_112 = vector.broadcast %mul3A_111 : i32 to vector<16xi32>
    %mul3A_113 = arith.muli %min3A_110, %mul3A_112 : vector<16xi32>
    %add3A_114 = vector.broadcast %add3A_89 : i32 to vector<16xi32>
    %add3A_115 = arith.addi %mul3A_113, %add3A_114 : vector<16xi32>
    %swap3A_116 = arith.constant 32 : index
    %swap3A_117 = tpu.vector_load %arg10[%swap3A_116] {strides = array<i32>} : memref<128xi32, #tpu.memory_space<vmem>>, vector<16xi32>,
    tpu.vector_store %arg10[%swap3A_116], %add3A_115 {strides = array<i32>} : memref<128xi32, #tpu.memory_space<vmem>>, vector<16xi32>,
    %ge3A_118 = arith.constant 5000 : i32
    %ge3A_119 = vector.broadcast %ge3A_118 : i32 to vector<16xi32>
    %ge3A_120 = arith.cmpi sge, %gather3A_94, %ge3A_119 : vector<16xi32>
    %jit3A_121 = arith.constant 1.000000e+00 : f32
    %jit3A_122 = arith.constant 0.000000e+00 : f32
    %broadcast_in_dim3A_123 = vector.broadcast %jit3A_121 : f32 to vector<16xf32>
    %broadcast_in_dim3A_124 = vector.broadcast %jit3A_122 : f32 to vector<16xf32>
    %select_n3A_125 = arith.select %ge3A_120, %broadcast_in_dim3A_123, %broadcast_in_dim3A_124 : vector<16xi1>, vector<16xf32>
    %swap3A_126 = arith.constant 1 : i32
    %swap3A_127 = arith.index_cast %swap3A_126 : i32 to index
    %swap3A_128 = arith.constant 0 : index
    %swap3A_129 = tpu.vector_load %arg13[%swap3A_127, %swap3A_128] {strides = array<i32>} : memref<4x32xf32, #tpu.memory_space<vmem>>, vector<16xf32>,
    tpu.vector_store %arg13[%swap3A_127, %swap3A_128], %select_n3A_125 {strides = array<i32>} : memref<4x32xf32, #tpu.memory_space<vmem>>, vector<16xf32>,
    %mul3A_130 = arith.constant 4 : i32
    %mul3A_131 = arith.muli %add3A, %mul3A_130 : i32
    %add3A_132 = arith.constant 0 : i32
    %add3A_133 = arith.addi %add3A_132, %mul3A_131 : i32
    %add3A_134 = arith.constant 1 : i32
    %add3A_135 = arith.addi %add3A_133, %add3A_134 : i32
    %add3A_136 = arith.constant 16 : i32
    %add3A_137 = vector.broadcast %add3A_136 : i32 to vector<16xi32>
    %add3A_138 = arith.addi %iota3A, %add3A_137 : vector<16xi32>
    %broadcast_in_dim3A_139 = vector.broadcast %add3A_135 : i32 to vector<16xi32>
    %gather3A_140 = tpu.vector_load_idx %arg7[%add3A_138, %broadcast_in_dim3A_139] : memref<32x128xi32, #tpu.memory_space<vmem>>[vector<16xi32>, vector<16xi32>], vector<16xi32>,
    %swap3A_141 = arith.constant 48 : index
    %swap3A_142 = tpu.vector_load %arg8[%swap3A_141] {strides = array<i32>} : memref<128xi32, #tpu.memory_space<vmem>>, vector<16xi32>,
    tpu.vector_store %arg8[%swap3A_141], %gather3A_140 {strides = array<i32>} : memref<128xi32, #tpu.memory_space<vmem>>, vector<16xi32>,
    %min3A_143 = arith.constant 4999 : i32
    %min3A_144 = vector.broadcast %min3A_143 : i32 to vector<16xi32>
    %min3A_145 = arith.minsi %gather3A_140, %min3A_144 : vector<16xi32>
    %swap3A_146 = arith.constant 48 : index
    %swap3A_147 = tpu.vector_load %arg9[%swap3A_146] {strides = array<i32>} : memref<128xi32, #tpu.memory_space<vmem>>, vector<16xi32>,
    tpu.vector_store %arg9[%swap3A_146], %min3A_145 {strides = array<i32>} : memref<128xi32, #tpu.memory_space<vmem>>, vector<16xi32>,
    %sub3A_148 = arith.constant 5000 : i32
    %sub3A_149 = vector.broadcast %sub3A_148 : i32 to vector<16xi32>
    %sub3A_150 = arith.subi %gather3A_140, %sub3A_149 : vector<16xi32>
    %jit3A_151 = arith.constant 0 : i32
    %jit3A_152 = arith.constant 49 : i32
    %max3A_153 = vector.broadcast %jit3A_151 : i32 to vector<16xi32>
    %max3A_154 = arith.maxsi %max3A_153, %sub3A_150 : vector<16xi32>
    %min3A_155 = vector.broadcast %jit3A_152 : i32 to vector<16xi32>
    %min3A_156 = arith.minsi %min3A_155, %max3A_154 : vector<16xi32>
    %mul3A_157 = arith.constant 128 : i32
    %mul3A_158 = vector.broadcast %mul3A_157 : i32 to vector<16xi32>
    %mul3A_159 = arith.muli %min3A_156, %mul3A_158 : vector<16xi32>
    %add3A_160 = vector.broadcast %add3A_135 : i32 to vector<16xi32>
    %add3A_161 = arith.addi %mul3A_159, %add3A_160 : vector<16xi32>
    %swap3A_162 = arith.constant 48 : index
    %swap3A_163 = tpu.vector_load %arg10[%swap3A_162] {strides = array<i32>} : memref<128xi32, #tpu.memory_space<vmem>>, vector<16xi32>,
    tpu.vector_store %arg10[%swap3A_162], %add3A_161 {strides = array<i32>} : memref<128xi32, #tpu.memory_space<vmem>>, vector<16xi32>,
    %ge3A_164 = arith.constant 5000 : i32
    %ge3A_165 = vector.broadcast %ge3A_164 : i32 to vector<16xi32>
    %ge3A_166 = arith.cmpi sge, %gather3A_140, %ge3A_165 : vector<16xi32>
    %jit3A_167 = arith.constant 1.000000e+00 : f32
    %jit3A_168 = arith.constant 0.000000e+00 : f32
    %broadcast_in_dim3A_169 = vector.broadcast %jit3A_167 : f32 to vector<16xf32>
    %broadcast_in_dim3A_170 = vector.broadcast %jit3A_168 : f32 to vector<16xf32>
    %select_n3A_171 = arith.select %ge3A_166, %broadcast_in_dim3A_169, %broadcast_in_dim3A_170 : vector<16xi1>, vector<16xf32>
    %swap3A_172 = arith.constant 1 : i32
    %swap3A_173 = arith.index_cast %swap3A_172 : i32 to index
    %swap3A_174 = arith.constant 16 : index
    %swap3A_175 = tpu.vector_load %arg13[%swap3A_173, %swap3A_174] {strides = array<i32>} : memref<4x32xf32, #tpu.memory_space<vmem>>, vector<16xf32>,
    tpu.vector_store %arg13[%swap3A_173, %swap3A_174], %select_n3A_171 {strides = array<i32>} : memref<4x32xf32, #tpu.memory_space<vmem>>, vector<16xf32>,
    %mul3A_176 = arith.constant 4 : i32
    %mul3A_177 = arith.muli %add3A, %mul3A_176 : i32
    %add3A_178 = arith.constant 0 : i32
    %add3A_179 = arith.addi %add3A_178, %mul3A_177 : i32
    %add3A_180 = arith.constant 2 : i32
    %add3A_181 = arith.addi %add3A_179, %add3A_180 : i32
    %add3A_182 = arith.constant 0 : i32
    %add3A_183 = vector.broadcast %add3A_182 : i32 to vector<16xi32>
    %add3A_184 = arith.addi %iota3A, %add3A_183 : vector<16xi32>
    %broadcast_in_dim3A_185 = vector.broadcast %add3A_181 : i32 to vector<16xi32>
    %gather3A_186 = tpu.vector_load_idx %arg7[%add3A_184, %broadcast_in_dim3A_185] : memref<32x128xi32, #tpu.memory_space<vmem>>[vector<16xi32>, vector<16xi32>], vector<16xi32>,
    %swap3A_187 = arith.constant 64 : index
    %swap3A_188 = tpu.vector_load %arg8[%swap3A_187] {strides = array<i32>} : memref<128xi32, #tpu.memory_space<vmem>>, vector<16xi32>,
    tpu.vector_store %arg8[%swap3A_187], %gather3A_186 {strides = array<i32>} : memref<128xi32, #tpu.memory_space<vmem>>, vector<16xi32>,
    %min3A_189 = arith.constant 4999 : i32
    %min3A_190 = vector.broadcast %min3A_189 : i32 to vector<16xi32>
    %min3A_191 = arith.minsi %gather3A_186, %min3A_190 : vector<16xi32>
    %swap3A_192 = arith.constant 64 : index
    %swap3A_193 = tpu.vector_load %arg9[%swap3A_192] {strides = array<i32>} : memref<128xi32, #tpu.memory_space<vmem>>, vector<16xi32>,
    tpu.vector_store %arg9[%swap3A_192], %min3A_191 {strides = array<i32>} : memref<128xi32, #tpu.memory_space<vmem>>, vector<16xi32>,
    %sub3A_194 = arith.constant 5000 : i32
    %sub3A_195 = vector.broadcast %sub3A_194 : i32 to vector<16xi32>
    %sub3A_196 = arith.subi %gather3A_186, %sub3A_195 : vector<16xi32>
    %jit3A_197 = arith.constant 0 : i32
    %jit3A_198 = arith.constant 49 : i32
    %max3A_199 = vector.broadcast %jit3A_197 : i32 to vector<16xi32>
    %max3A_200 = arith.maxsi %max3A_199, %sub3A_196 : vector<16xi32>
    %min3A_201 = vector.broadcast %jit3A_198 : i32 to vector<16xi32>
    %min3A_202 = arith.minsi %min3A_201, %max3A_200 : vector<16xi32>
    %mul3A_203 = arith.constant 128 : i32
    %mul3A_204 = vector.broadcast %mul3A_203 : i32 to vector<16xi32>
    %mul3A_205 = arith.muli %min3A_202, %mul3A_204 : vector<16xi32>
    %add3A_206 = vector.broadcast %add3A_181 : i32 to vector<16xi32>
    %add3A_207 = arith.addi %mul3A_205, %add3A_206 : vector<16xi32>
    %swap3A_208 = arith.constant 64 : index
    %swap3A_209 = tpu.vector_load %arg10[%swap3A_208] {strides = array<i32>} : memref<128xi32, #tpu.memory_space<vmem>>, vector<16xi32>,
    tpu.vector_store %arg10[%swap3A_208], %add3A_207 {strides = array<i32>} : memref<128xi32, #tpu.memory_space<vmem>>, vector<16xi32>,
    %ge3A_210 = arith.constant 5000 : i32
    %ge3A_211 = vector.broadcast %ge3A_210 : i32 to vector<16xi32>
    %ge3A_212 = arith.cmpi sge, %gather3A_186, %ge3A_211 : vector<16xi32>
    %jit3A_213 = arith.constant 1.000000e+00 : f32
    %jit3A_214 = arith.constant 0.000000e+00 : f32
    %broadcast_in_dim3A_215 = vector.broadcast %jit3A_213 : f32 to vector<16xf32>
    %broadcast_in_dim3A_216 = vector.broadcast %jit3A_214 : f32 to vector<16xf32>
    %select_n3A_217 = arith.select %ge3A_212, %broadcast_in_dim3A_215, %broadcast_in_dim3A_216 : vector<16xi1>, vector<16xf32>
    %swap3A_218 = arith.constant 2 : i32
    %swap3A_219 = arith.index_cast %swap3A_218 : i32 to index
    %swap3A_220 = arith.constant 0 : index
    %swap3A_221 = tpu.vector_load %arg13[%swap3A_219, %swap3A_220] {strides = array<i32>} : memref<4x32xf32, #tpu.memory_space<vmem>>, vector<16xf32>,
    tpu.vector_store %arg13[%swap3A_219, %swap3A_220], %select_n3A_217 {strides = array<i32>} : memref<4x32xf32, #tpu.memory_space<vmem>>, vector<16xf32>,
    %mul3A_222 = arith.constant 4 : i32
    %mul3A_223 = arith.muli %add3A, %mul3A_222 : i32
    %add3A_224 = arith.constant 0 : i32
    %add3A_225 = arith.addi %add3A_224, %mul3A_223 : i32
    %add3A_226 = arith.constant 2 : i32
    %add3A_227 = arith.addi %add3A_225, %add3A_226 : i32
    %add3A_228 = arith.constant 16 : i32
    %add3A_229 = vector.broadcast %add3A_228 : i32 to vector<16xi32>
    %add3A_230 = arith.addi %iota3A, %add3A_229 : vector<16xi32>
    %broadcast_in_dim3A_231 = vector.broadcast %add3A_227 : i32 to vector<16xi32>
    %gather3A_232 = tpu.vector_load_idx %arg7[%add3A_230, %broadcast_in_dim3A_231] : memref<32x128xi32, #tpu.memory_space<vmem>>[vector<16xi32>, vector<16xi32>], vector<16xi32>,
    %swap3A_233 = arith.constant 80 : index
    %swap3A_234 = tpu.vector_load %arg8[%swap3A_233] {strides = array<i32>} : memref<128xi32, #tpu.memory_space<vmem>>, vector<16xi32>,
    tpu.vector_store %arg8[%swap3A_233], %gather3A_232 {strides = array<i32>} : memref<128xi32, #tpu.memory_space<vmem>>, vector<16xi32>,
    %min3A_235 = arith.constant 4999 : i32
    %min3A_236 = vector.broadcast %min3A_235 : i32 to vector<16xi32>
    %min3A_237 = arith.minsi %gather3A_232, %min3A_236 : vector<16xi32>
    %swap3A_238 = arith.constant 80 : index
    %swap3A_239 = tpu.vector_load %arg9[%swap3A_238] {strides = array<i32>} : memref<128xi32, #tpu.memory_space<vmem>>, vector<16xi32>,
    tpu.vector_store %arg9[%swap3A_238], %min3A_237 {strides = array<i32>} : memref<128xi32, #tpu.memory_space<vmem>>, vector<16xi32>,
    %sub3A_240 = arith.constant 5000 : i32
    %sub3A_241 = vector.broadcast %sub3A_240 : i32 to vector<16xi32>
    %sub3A_242 = arith.subi %gather3A_232, %sub3A_241 : vector<16xi32>
    %jit3A_243 = arith.constant 0 : i32
    %jit3A_244 = arith.constant 49 : i32
    %max3A_245 = vector.broadcast %jit3A_243 : i32 to vector<16xi32>
    %max3A_246 = arith.maxsi %max3A_245, %sub3A_242 : vector<16xi32>
    %min3A_247 = vector.broadcast %jit3A_244 : i32 to vector<16xi32>
    %min3A_248 = arith.minsi %min3A_247, %max3A_246 : vector<16xi32>
    %mul3A_249 = arith.constant 128 : i32
    %mul3A_250 = vector.broadcast %mul3A_249 : i32 to vector<16xi32>
    %mul3A_251 = arith.muli %min3A_248, %mul3A_250 : vector<16xi32>
    %add3A_252 = vector.broadcast %add3A_227 : i32 to vector<16xi32>
    %add3A_253 = arith.addi %mul3A_251, %add3A_252 : vector<16xi32>
    %swap3A_254 = arith.constant 80 : index
    %swap3A_255 = tpu.vector_load %arg10[%swap3A_254] {strides = array<i32>} : memref<128xi32, #tpu.memory_space<vmem>>, vector<16xi32>,
    tpu.vector_store %arg10[%swap3A_254], %add3A_253 {strides = array<i32>} : memref<128xi32, #tpu.memory_space<vmem>>, vector<16xi32>,
    %ge3A_256 = arith.constant 5000 : i32
    %ge3A_257 = vector.broadcast %ge3A_256 : i32 to vector<16xi32>
    %ge3A_258 = arith.cmpi sge, %gather3A_232, %ge3A_257 : vector<16xi32>
    %jit3A_259 = arith.constant 1.000000e+00 : f32
    %jit3A_260 = arith.constant 0.000000e+00 : f32
    %broadcast_in_dim3A_261 = vector.broadcast %jit3A_259 : f32 to vector<16xf32>
    %broadcast_in_dim3A_262 = vector.broadcast %jit3A_260 : f32 to vector<16xf32>
    %select_n3A_263 = arith.select %ge3A_258, %broadcast_in_dim3A_261, %broadcast_in_dim3A_262 : vector<16xi1>, vector<16xf32>
    %swap3A_264 = arith.constant 2 : i32
    %swap3A_265 = arith.index_cast %swap3A_264 : i32 to index
    %swap3A_266 = arith.constant 16 : index
    %swap3A_267 = tpu.vector_load %arg13[%swap3A_265, %swap3A_266] {strides = array<i32>} : memref<4x32xf32, #tpu.memory_space<vmem>>, vector<16xf32>,
    tpu.vector_store %arg13[%swap3A_265, %swap3A_266], %select_n3A_263 {strides = array<i32>} : memref<4x32xf32, #tpu.memory_space<vmem>>, vector<16xf32>,
    %mul3A_268 = arith.constant 4 : i32
    %mul3A_269 = arith.muli %add3A, %mul3A_268 : i32
    %add3A_270 = arith.constant 0 : i32
    %add3A_271 = arith.addi %add3A_270, %mul3A_269 : i32
    %add3A_272 = arith.constant 3 : i32
    %add3A_273 = arith.addi %add3A_271, %add3A_272 : i32
    %add3A_274 = arith.constant 0 : i32
    %add3A_275 = vector.broadcast %add3A_274 : i32 to vector<16xi32>
    %add3A_276 = arith.addi %iota3A, %add3A_275 : vector<16xi32>
    %broadcast_in_dim3A_277 = vector.broadcast %add3A_273 : i32 to vector<16xi32>
    %gather3A_278 = tpu.vector_load_idx %arg7[%add3A_276, %broadcast_in_dim3A_277] : memref<32x128xi32, #tpu.memory_space<vmem>>[vector<16xi32>, vector<16xi32>], vector<16xi32>,
    %swap3A_279 = arith.constant 96 : index
    %swap3A_280 = tpu.vector_load %arg8[%swap3A_279] {strides = array<i32>} : memref<128xi32, #tpu.memory_space<vmem>>, vector<16xi32>,
    tpu.vector_store %arg8[%swap3A_279], %gather3A_278 {strides = array<i32>} : memref<128xi32, #tpu.memory_space<vmem>>, vector<16xi32>,
    %min3A_281 = arith.constant 4999 : i32
    %min3A_282 = vector.broadcast %min3A_281 : i32 to vector<16xi32>
    %min3A_283 = arith.minsi %gather3A_278, %min3A_282 : vector<16xi32>
    %swap3A_284 = arith.constant 96 : index
    %swap3A_285 = tpu.vector_load %arg9[%swap3A_284] {strides = array<i32>} : memref<128xi32, #tpu.memory_space<vmem>>, vector<16xi32>,
    tpu.vector_store %arg9[%swap3A_284], %min3A_283 {strides = array<i32>} : memref<128xi32, #tpu.memory_space<vmem>>, vector<16xi32>,
    %sub3A_286 = arith.constant 5000 : i32
    %sub3A_287 = vector.broadcast %sub3A_286 : i32 to vector<16xi32>
    %sub3A_288 = arith.subi %gather3A_278, %sub3A_287 : vector<16xi32>
    %jit3A_289 = arith.constant 0 : i32
    %jit3A_290 = arith.constant 49 : i32
    %max3A_291 = vector.broadcast %jit3A_289 : i32 to vector<16xi32>
    %max3A_292 = arith.maxsi %max3A_291, %sub3A_288 : vector<16xi32>
    %min3A_293 = vector.broadcast %jit3A_290 : i32 to vector<16xi32>
    %min3A_294 = arith.minsi %min3A_293, %max3A_292 : vector<16xi32>
    %mul3A_295 = arith.constant 128 : i32
    %mul3A_296 = vector.broadcast %mul3A_295 : i32 to vector<16xi32>
    %mul3A_297 = arith.muli %min3A_294, %mul3A_296 : vector<16xi32>
    %add3A_298 = vector.broadcast %add3A_273 : i32 to vector<16xi32>
    %add3A_299 = arith.addi %mul3A_297, %add3A_298 : vector<16xi32>
    %swap3A_300 = arith.constant 96 : index
    %swap3A_301 = tpu.vector_load %arg10[%swap3A_300] {strides = array<i32>} : memref<128xi32, #tpu.memory_space<vmem>>, vector<16xi32>,
    tpu.vector_store %arg10[%swap3A_300], %add3A_299 {strides = array<i32>} : memref<128xi32, #tpu.memory_space<vmem>>, vector<16xi32>,
    %ge3A_302 = arith.constant 5000 : i32
    %ge3A_303 = vector.broadcast %ge3A_302 : i32 to vector<16xi32>
    %ge3A_304 = arith.cmpi sge, %gather3A_278, %ge3A_303 : vector<16xi32>
    %jit3A_305 = arith.constant 1.000000e+00 : f32
    %jit3A_306 = arith.constant 0.000000e+00 : f32
    %broadcast_in_dim3A_307 = vector.broadcast %jit3A_305 : f32 to vector<16xf32>
    %broadcast_in_dim3A_308 = vector.broadcast %jit3A_306 : f32 to vector<16xf32>
    %select_n3A_309 = arith.select %ge3A_304, %broadcast_in_dim3A_307, %broadcast_in_dim3A_308 : vector<16xi1>, vector<16xf32>
    %swap3A_310 = arith.constant 3 : i32
    %swap3A_311 = arith.index_cast %swap3A_310 : i32 to index
    %swap3A_312 = arith.constant 0 : index
    %swap3A_313 = tpu.vector_load %arg13[%swap3A_311, %swap3A_312] {strides = array<i32>} : memref<4x32xf32, #tpu.memory_space<vmem>>, vector<16xf32>,
    tpu.vector_store %arg13[%swap3A_311, %swap3A_312], %select_n3A_309 {strides = array<i32>} : memref<4x32xf32, #tpu.memory_space<vmem>>, vector<16xf32>,
    %mul3A_314 = arith.constant 4 : i32
    %mul3A_315 = arith.muli %add3A, %mul3A_314 : i32
    %add3A_316 = arith.constant 0 : i32
    %add3A_317 = arith.addi %add3A_316, %mul3A_315 : i32
    %add3A_318 = arith.constant 3 : i32
    %add3A_319 = arith.addi %add3A_317, %add3A_318 : i32
    %add3A_320 = arith.constant 16 : i32
    %add3A_321 = vector.broadcast %add3A_320 : i32 to vector<16xi32>
    %add3A_322 = arith.addi %iota3A, %add3A_321 : vector<16xi32>
    %broadcast_in_dim3A_323 = vector.broadcast %add3A_319 : i32 to vector<16xi32>
    %gather3A_324 = tpu.vector_load_idx %arg7[%add3A_322, %broadcast_in_dim3A_323] : memref<32x128xi32, #tpu.memory_space<vmem>>[vector<16xi32>, vector<16xi32>], vector<16xi32>,
    %swap3A_325 = arith.constant 112 : index
    %swap3A_326 = tpu.vector_load %arg8[%swap3A_325] {strides = array<i32>} : memref<128xi32, #tpu.memory_space<vmem>>, vector<16xi32>,
    tpu.vector_store %arg8[%swap3A_325], %gather3A_324 {strides = array<i32>} : memref<128xi32, #tpu.memory_space<vmem>>, vector<16xi32>,
    %min3A_327 = arith.constant 4999 : i32
    %min3A_328 = vector.broadcast %min3A_327 : i32 to vector<16xi32>
    %min3A_329 = arith.minsi %gather3A_324, %min3A_328 : vector<16xi32>
    %swap3A_330 = arith.constant 112 : index
    %swap3A_331 = tpu.vector_load %arg9[%swap3A_330] {strides = array<i32>} : memref<128xi32, #tpu.memory_space<vmem>>, vector<16xi32>,
    tpu.vector_store %arg9[%swap3A_330], %min3A_329 {strides = array<i32>} : memref<128xi32, #tpu.memory_space<vmem>>, vector<16xi32>,
    %sub3A_332 = arith.constant 5000 : i32
    %sub3A_333 = vector.broadcast %sub3A_332 : i32 to vector<16xi32>
    %sub3A_334 = arith.subi %gather3A_324, %sub3A_333 : vector<16xi32>
    %jit3A_335 = arith.constant 0 : i32
    %jit3A_336 = arith.constant 49 : i32
    %max3A_337 = vector.broadcast %jit3A_335 : i32 to vector<16xi32>
    %max3A_338 = arith.maxsi %max3A_337, %sub3A_334 : vector<16xi32>
    %min3A_339 = vector.broadcast %jit3A_336 : i32 to vector<16xi32>
    %min3A_340 = arith.minsi %min3A_339, %max3A_338 : vector<16xi32>
    %mul3A_341 = arith.constant 128 : i32
    %mul3A_342 = vector.broadcast %mul3A_341 : i32 to vector<16xi32>
    %mul3A_343 = arith.muli %min3A_340, %mul3A_342 : vector<16xi32>
    %add3A_344 = vector.broadcast %add3A_319 : i32 to vector<16xi32>
    %add3A_345 = arith.addi %mul3A_343, %add3A_344 : vector<16xi32>
    %swap3A_346 = arith.constant 112 : index
    %swap3A_347 = tpu.vector_load %arg10[%swap3A_346] {strides = array<i32>} : memref<128xi32, #tpu.memory_space<vmem>>, vector<16xi32>,
    tpu.vector_store %arg10[%swap3A_346], %add3A_345 {strides = array<i32>} : memref<128xi32, #tpu.memory_space<vmem>>, vector<16xi32>,
    %ge3A_348 = arith.constant 5000 : i32
    %ge3A_349 = vector.broadcast %ge3A_348 : i32 to vector<16xi32>
    %ge3A_350 = arith.cmpi sge, %gather3A_324, %ge3A_349 : vector<16xi32>
    %jit3A_351 = arith.constant 1.000000e+00 : f32
    %jit3A_352 = arith.constant 0.000000e+00 : f32
    %broadcast_in_dim3A_353 = vector.broadcast %jit3A_351 : f32 to vector<16xf32>
    %broadcast_in_dim3A_354 = vector.broadcast %jit3A_352 : f32 to vector<16xf32>
    %select_n3A_355 = arith.select %ge3A_350, %broadcast_in_dim3A_353, %broadcast_in_dim3A_354 : vector<16xi1>, vector<16xf32>
    %swap3A_356 = arith.constant 3 : i32
    %swap3A_357 = arith.index_cast %swap3A_356 : i32 to index
    %swap3A_358 = arith.constant 16 : index
    %swap3A_359 = tpu.vector_load %arg13[%swap3A_357, %swap3A_358] {strides = array<i32>} : memref<4x32xf32, #tpu.memory_space<vmem>>, vector<16xf32>,
    tpu.vector_store %arg13[%swap3A_357, %swap3A_358], %select_n3A_355 {strides = array<i32>} : memref<4x32xf32, #tpu.memory_space<vmem>>, vector<16xf32>,
    %dma_start3A = arith.constant 0 : i32
    %dma_start3A_360 = arith.constant 0 : i32
    %dma_start3A_361 = tpu.memref_slice %arg11[%dma_start3A, %dma_start3A_360] : memref<128x768xf32, #tpu.memory_space<vmem>> -> memref<16x768xf32, #tpu.memory_space<vmem>>
    %dma_start3A_362 = arith.constant 0 : i32
    %dma_start3A_363 = tpu.memref_slice %arg9[%dma_start3A_362] : memref<128xi32, #tpu.memory_space<vmem>> -> memref<16xi32, #tpu.memory_space<vmem>>
    %dma_start3A_364 = arith.constant 0 : i32
    %dma_start3A_365 = arith.constant 0 : i32
    %dma_start3A_366 = tpu.memref_slice %arg2[%dma_start3A_364, %dma_start3A_365] : memref<5000x768xf32, #tpu.memory_space<hbm>> -> memref<5000x768xf32, #tpu.memory_space<hbm>>
    tpu.enqueue_indirect_dma source(%dma_start3A_366 : memref<5000x768xf32, #tpu.memory_space<hbm>>) target(%dma_start3A_361 : memref<16x768xf32, #tpu.memory_space<vmem>>) offsets(%dma_start3A_363 : memref<16xi32, #tpu.memory_space<vmem>>) semaphore(%arg15 : memref<!tpu.dma_semaphore, #tpu.memory_space<semaphore_mem>>)
    %dma_start3A_367 = arith.constant 16 : i32
    %dma_start3A_368 = arith.constant 0 : i32
    %dma_start3A_369 = tpu.memref_slice %arg11[%dma_start3A_367, %dma_start3A_368] : memref<128x768xf32, #tpu.memory_space<vmem>> -> memref<16x768xf32, #tpu.memory_space<vmem>>
    %dma_start3A_370 = arith.constant 16 : i32
    %dma_start3A_371 = tpu.memref_slice %arg9[%dma_start3A_370] : memref<128xi32, #tpu.memory_space<vmem>> -> memref<16xi32, #tpu.memory_space<vmem>>
    %dma_start3A_372 = arith.constant 0 : i32
    %dma_start3A_373 = arith.constant 0 : i32
    %dma_start3A_374 = tpu.memref_slice %arg2[%dma_start3A_372, %dma_start3A_373] : memref<5000x768xf32, #tpu.memory_space<hbm>> -> memref<5000x768xf32, #tpu.memory_space<hbm>>
    tpu.enqueue_indirect_dma source(%dma_start3A_374 : memref<5000x768xf32, #tpu.memory_space<hbm>>) target(%dma_start3A_369 : memref<16x768xf32, #tpu.memory_space<vmem>>) offsets(%dma_start3A_371 : memref<16xi32, #tpu.memory_space<vmem>>) semaphore(%arg16 : memref<!tpu.dma_semaphore, #tpu.memory_space<semaphore_mem>>)
    %dma_start3A_375 = arith.constant 32 : i32
    %dma_start3A_376 = arith.constant 0 : i32
    %dma_start3A_377 = tpu.memref_slice %arg11[%dma_start3A_375, %dma_start3A_376] : memref<128x768xf32, #tpu.memory_space<vmem>> -> memref<16x768xf32, #tpu.memory_space<vmem>>
    %dma_start3A_378 = arith.constant 32 : i32
    %dma_start3A_379 = tpu.memref_slice %arg9[%dma_start3A_378] : memref<128xi32, #tpu.memory_space<vmem>> -> memref<16xi32, #tpu.memory_space<vmem>>
    %dma_start3A_380 = arith.constant 0 : i32
    %dma_start3A_381 = arith.constant 0 : i32
    %dma_start3A_382 = tpu.memref_slice %arg2[%dma_start3A_380, %dma_start3A_381] : memref<5000x768xf32, #tpu.memory_space<hbm>> -> memref<5000x768xf32, #tpu.memory_space<hbm>>
    tpu.enqueue_indirect_dma source(%dma_start3A_382 : memref<5000x768xf32, #tpu.memory_space<hbm>>) target(%dma_start3A_377 : memref<16x768xf32, #tpu.memory_space<vmem>>) offsets(%dma_start3A_379 : memref<16xi32, #tpu.memory_space<vmem>>) semaphore(%arg17 : memref<!tpu.dma_semaphore, #tpu.memory_space<semaphore_mem>>)
    %dma_start3A_383 = arith.constant 48 : i32
    %dma_start3A_384 = arith.constant 0 : i32
    %dma_start3A_385 = tpu.memref_slice %arg11[%dma_start3A_383, %dma_start3A_384] : memref<128x768xf32, #tpu.memory_space<vmem>> -> memref<16x768xf32, #tpu.memory_space<vmem>>
    %dma_start3A_386 = arith.constant 48 : i32
    %dma_start3A_387 = tpu.memref_slice %arg9[%dma_start3A_386] : memref<128xi32, #tpu.memory_space<vmem>> -> memref<16xi32, #tpu.memory_space<vmem>>
    %dma_start3A_388 = arith.constant 0 : i32
    %dma_start3A_389 = arith.constant 0 : i32
    %dma_start3A_390 = tpu.memref_slice %arg2[%dma_start3A_388, %dma_start3A_389] : memref<5000x768xf32, #tpu.memory_space<hbm>> -> memref<5000x768xf32, #tpu.memory_space<hbm>>
    tpu.enqueue_indirect_dma source(%dma_start3A_390 : memref<5000x768xf32, #tpu.memory_space<hbm>>) target(%dma_start3A_385 : memref<16x768xf32, #tpu.memory_space<vmem>>) offsets(%dma_start3A_387 : memref<16xi32, #tpu.memory_space<vmem>>) semaphore(%arg18 : memref<!tpu.dma_semaphore, #tpu.memory_space<semaphore_mem>>)
    %dma_start3A_391 = arith.constant 64 : i32
    %dma_start3A_392 = arith.constant 0 : i32
    %dma_start3A_393 = tpu.memref_slice %arg11[%dma_start3A_391, %dma_start3A_392] : memref<128x768xf32, #tpu.memory_space<vmem>> -> memref<16x768xf32, #tpu.memory_space<vmem>>
    %dma_start3A_394 = arith.constant 64 : i32
    %dma_start3A_395 = tpu.memref_slice %arg9[%dma_start3A_394] : memref<128xi32, #tpu.memory_space<vmem>> -> memref<16xi32, #tpu.memory_space<vmem>>
    %dma_start3A_396 = arith.constant 0 : i32
    %dma_start3A_397 = arith.constant 0 : i32
    %dma_start3A_398 = tpu.memref_slice %arg2[%dma_start3A_396, %dma_start3A_397] : memref<5000x768xf32, #tpu.memory_space<hbm>> -> memref<5000x768xf32, #tpu.memory_space<hbm>>
    tpu.enqueue_indirect_dma source(%dma_start3A_398 : memref<5000x768xf32, #tpu.memory_space<hbm>>) target(%dma_start3A_393 : memref<16x768xf32, #tpu.memory_space<vmem>>) offsets(%dma_start3A_395 : memref<16xi32, #tpu.memory_space<vmem>>) semaphore(%arg19 : memref<!tpu.dma_semaphore, #tpu.memory_space<semaphore_mem>>)
    %dma_start3A_399 = arith.constant 80 : i32
    %dma_start3A_400 = arith.constant 0 : i32
    %dma_start3A_401 = tpu.memref_slice %arg11[%dma_start3A_399, %dma_start3A_400] : memref<128x768xf32, #tpu.memory_space<vmem>> -> memref<16x768xf32, #tpu.memory_space<vmem>>
    %dma_start3A_402 = arith.constant 80 : i32
    %dma_start3A_403 = tpu.memref_slice %arg9[%dma_start3A_402] : memref<128xi32, #tpu.memory_space<vmem>> -> memref<16xi32, #tpu.memory_space<vmem>>
    %dma_start3A_404 = arith.constant 0 : i32
    %dma_start3A_405 = arith.constant 0 : i32
    %dma_start3A_406 = tpu.memref_slice %arg2[%dma_start3A_404, %dma_start3A_405] : memref<5000x768xf32, #tpu.memory_space<hbm>> -> memref<5000x768xf32, #tpu.memory_space<hbm>>
    tpu.enqueue_indirect_dma source(%dma_start3A_406 : memref<5000x768xf32, #tpu.memory_space<hbm>>) target(%dma_start3A_401 : memref<16x768xf32, #tpu.memory_space<vmem>>) offsets(%dma_start3A_403 : memref<16xi32, #tpu.memory_space<vmem>>) semaphore(%arg20 : memref<!tpu.dma_semaphore, #tpu.memory_space<semaphore_mem>>)
    %dma_start3A_407 = arith.constant 96 : i32
    %dma_start3A_408 = arith.constant 0 : i32
    %dma_start3A_409 = tpu.memref_slice %arg11[%dma_start3A_407, %dma_start3A_408] : memref<128x768xf32, #tpu.memory_space<vmem>> -> memref<16x768xf32, #tpu.memory_space<vmem>>
    %dma_start3A_410 = arith.constant 96 : i32
    %dma_start3A_411 = tpu.memref_slice %arg9[%dma_start3A_410] : memref<128xi32, #tpu.memory_space<vmem>> -> memref<16xi32, #tpu.memory_space<vmem>>
    %dma_start3A_412 = arith.constant 0 : i32
    %dma_start3A_413 = arith.constant 0 : i32
    %dma_start3A_414 = tpu.memref_slice %arg2[%dma_start3A_412, %dma_start3A_413] : memref<5000x768xf32, #tpu.memory_space<hbm>> -> memref<5000x768xf32, #tpu.memory_space<hbm>>
    tpu.enqueue_indirect_dma source(%dma_start3A_414 : memref<5000x768xf32, #tpu.memory_space<hbm>>) target(%dma_start3A_409 : memref<16x768xf32, #tpu.memory_space<vmem>>) offsets(%dma_start3A_411 : memref<16xi32, #tpu.memory_space<vmem>>) semaphore(%arg21 : memref<!tpu.dma_semaphore, #tpu.memory_space<semaphore_mem>>)
    %dma_start3A_415 = arith.constant 112 : i32
    %dma_start3A_416 = arith.constant 0 : i32
    %dma_start3A_417 = tpu.memref_slice %arg11[%dma_start3A_415, %dma_start3A_416] : memref<128x768xf32, #tpu.memory_space<vmem>> -> memref<16x768xf32, #tpu.memory_space<vmem>>
    %dma_start3A_418 = arith.constant 112 : i32
    %dma_start3A_419 = tpu.memref_slice %arg9[%dma_start3A_418] : memref<128xi32, #tpu.memory_space<vmem>> -> memref<16xi32, #tpu.memory_space<vmem>>
    %dma_start3A_420 = arith.constant 0 : i32
    %dma_start3A_421 = arith.constant 0 : i32
    %dma_start3A_422 = tpu.memref_slice %arg2[%dma_start3A_420, %dma_start3A_421] : memref<5000x768xf32, #tpu.memory_space<hbm>> -> memref<5000x768xf32, #tpu.memory_space<hbm>>
    tpu.enqueue_indirect_dma source(%dma_start3A_422 : memref<5000x768xf32, #tpu.memory_space<hbm>>) target(%dma_start3A_417 : memref<16x768xf32, #tpu.memory_space<vmem>>) offsets(%dma_start3A_419 : memref<16xi32, #tpu.memory_space<vmem>>) semaphore(%arg22 : memref<!tpu.dma_semaphore, #tpu.memory_space<semaphore_mem>>)
    %dma_wait3A = arith.constant 0 : i32
    %dma_wait3A_423 = arith.constant 0 : i32
    %dma_wait3A_424 = tpu.memref_slice %arg11[%dma_wait3A, %dma_wait3A_423] : memref<128x768xf32, #tpu.memory_space<vmem>> -> memref<16x768xf32, #tpu.memory_space<vmem>>
    %dma_wait3A_425 = arith.constant 0 : i32
    %dma_wait3A_426 = tpu.memref_slice %arg9[%dma_wait3A_425] : memref<128xi32, #tpu.memory_space<vmem>> -> memref<16xi32, #tpu.memory_space<vmem>>
    %dma_wait3A_427 = arith.constant 0 : i32
    %dma_wait3A_428 = arith.constant 0 : i32
    %dma_wait3A_429 = tpu.memref_slice %arg2[%dma_wait3A_427, %dma_wait3A_428] : memref<5000x768xf32, #tpu.memory_space<hbm>> -> memref<5000x768xf32, #tpu.memory_space<hbm>>
    tpu.wait_indirect_dma semaphore(%arg15 : memref<!tpu.dma_semaphore, #tpu.memory_space<semaphore_mem>>) src(%dma_wait3A_429 : memref<5000x768xf32, #tpu.memory_space<hbm>>) dst(%dma_wait3A_424 : memref<16x768xf32, #tpu.memory_space<vmem>>)
    %get3A = arith.constant 0 : index
    %get3A_430 = tpu.vector_load %arg8[%get3A] {strides = array<i32>} : memref<128xi32, #tpu.memory_space<vmem>>, vector<16xi32>,
    %convert_element_type3A = arith.sitofp %get3A_430 : vector<16xi32> to vector<16xf32>
    %ge3A_431 = arith.constant 5.000000e+03 : f32
    %ge3A_432 = vector.broadcast %ge3A_431 : f32 to vector<16xf32>
    %ge3A_433 = arith.cmpf oge, %convert_element_type3A, %ge3A_432 : vector<16xf32>
    %jit3A_434 = arith.constant 1.000000e+00 : f32
    %jit3A_435 = arith.constant 0.000000e+00 : f32
    %broadcast_in_dim3A_436 = vector.broadcast %jit3A_434 : f32 to vector<16xf32>
    %broadcast_in_dim3A_437 = vector.broadcast %jit3A_435 : f32 to vector<16xf32>
    %select_n3A_438 = arith.select %ge3A_433, %broadcast_in_dim3A_436, %broadcast_in_dim3A_437 : vector<16xi1>, vector<16xf32>
    %reduce_sum3A = arith.constant true
    %reduce_sum3A_439 = vector.broadcast %reduce_sum3A : i1 to vector<16xi1>
    %reduce_sum3A_440 = tpu.scan <sum>, %select_n3A_438 masked %reduce_sum3A_439 : vector<16xf32>, vector<16xi1> -> vector<16xf32>
    %reduce_sum3A_441 = vector.extract %reduce_sum3A_440[15] : f32 from vector<16xf32>
    %gt3A = arith.constant 5.000000e-01 : f32
    %gt3A_442 = arith.cmpf ogt, %reduce_sum3A_441, %gt3A : f32
    %convert_element_type3A_443 = arith.extui %gt3A_442 : i1 to i32
    %cond3A = arith.constant 0 : i32
    %cond3A_444 = arith.cmpi ne, %convert_element_type3A_443, %cond3A : i32
    scf.if %cond3A_444 {
      %dma_start3A_899 = arith.constant 0 : i32
      %dma_start3A_900 = tpu.memref_slice %arg10[%dma_start3A_899] : memref<128xi32, #tpu.memory_space<vmem>> -> memref<16xi32, #tpu.memory_space<vmem>>
      %dma_start3A_901 = arith.constant 0 : i32
      %dma_start3A_902 = arith.constant 0 : i32
      %dma_start3A_903 = tpu.memref_slice %arg4[%dma_start3A_901, %dma_start3A_902] : memref<6400x768xf32, #tpu.memory_space<hbm>> -> memref<6400x768xf32, #tpu.memory_space<hbm>>
      tpu.enqueue_indirect_dma source(%dma_start3A_903 : memref<6400x768xf32, #tpu.memory_space<hbm>>) target(%arg12 : memref<16x768xf32, #tpu.memory_space<vmem>>) offsets(%dma_start3A_900 : memref<16xi32, #tpu.memory_space<vmem>>) semaphore(%arg14 : memref<!tpu.dma_semaphore, #tpu.memory_space<semaphore_mem>>)
      %dma_wait3A_904 = arith.constant 0 : i32
      %dma_wait3A_905 = tpu.memref_slice %arg10[%dma_wait3A_904] : memref<128xi32, #tpu.memory_space<vmem>> -> memref<16xi32, #tpu.memory_space<vmem>>
      %dma_wait3A_906 = arith.constant 0 : i32
      %dma_wait3A_907 = arith.constant 0 : i32
      %dma_wait3A_908 = tpu.memref_slice %arg4[%dma_wait3A_906, %dma_wait3A_907] : memref<6400x768xf32, #tpu.memory_space<hbm>> -> memref<6400x768xf32, #tpu.memory_space<hbm>>
      tpu.wait_indirect_dma semaphore(%arg14 : memref<!tpu.dma_semaphore, #tpu.memory_space<semaphore_mem>>) src(%dma_wait3A_908 : memref<6400x768xf32, #tpu.memory_space<hbm>>) dst(%arg12 : memref<16x768xf32, #tpu.memory_space<vmem>>)
      %parallel_loop3A = arith.constant 0 : i32
      %parallel_loop3A_909 = arith.constant 16 : i32
      %parallel_loop3A_910 = arith.constant 1 : i32
      scf.for %parallel_loop3A_911 = %parallel_loop3A to %parallel_loop3A_909 step %parallel_loop3A_910  : i32 {
        %parallel_loop3A_912 = vector.broadcast %parallel_loop3A_911 : i32 to vector<16xi32>
        %parallel_loop3A_913 = arith.cmpi eq, %iota3A, %parallel_loop3A_912 : vector<16xi32>
        %parallel_loop3A_914 = arith.constant 0.000000e+00 : f32
        %parallel_loop3A_915 = vector.broadcast %parallel_loop3A_914 : f32 to vector<16xf32>
        %parallel_loop3A_916 = arith.select %parallel_loop3A_913, %convert_element_type3A, %parallel_loop3A_915 : vector<16xi1>, vector<16xf32>
        %parallel_loop3A_917 = arith.constant true
        %parallel_loop3A_918 = vector.broadcast %parallel_loop3A_917 : i1 to vector<16xi1>
        %parallel_loop3A_919 = tpu.scan <sum>, %parallel_loop3A_916 masked %parallel_loop3A_918 : vector<16xf32>, vector<16xi1> -> vector<16xf32>
        %parallel_loop3A_920 = vector.extract %parallel_loop3A_919[15] : f32 from vector<16xf32>
        %parallel_loop3A_921 = arith.constant 5.000000e+03 : f32
        %parallel_loop3A_922 = arith.cmpf oge, %parallel_loop3A_920, %parallel_loop3A_921 : f32
        %parallel_loop3A_923 = arith.extui %parallel_loop3A_922 : i1 to i32
        %parallel_loop3A_924 = arith.constant 0 : i32
        %parallel_loop3A_925 = arith.cmpi ne, %parallel_loop3A_923, %parallel_loop3A_924 : i32
        scf.if %parallel_loop3A_925 {
          %parallel_loop3A_926 = arith.constant 0 : i32
          %parallel_loop3A_927 = arith.constant 48 : i32
          %parallel_loop3A_928 = arith.constant 1 : i32
          scf.for %parallel_loop3A_929 = %parallel_loop3A_926 to %parallel_loop3A_927 step %parallel_loop3A_928  : i32 {
            %parallel_loop3A_930 = arith.constant 16 : i32
            %parallel_loop3A_931 = arith.muli %parallel_loop3A_929, %parallel_loop3A_930 : i32
            %parallel_loop3A_932 = arith.index_cast %parallel_loop3A_911 : i32 to index
            %parallel_loop3A_933 = arith.index_cast %parallel_loop3A_931 : i32 to index
            %parallel_loop3A_934 = tpu.vector_load %arg12[%parallel_loop3A_932, %parallel_loop3A_933] {strides = array<i32>} : memref<16x768xf32, #tpu.memory_space<vmem>>, vector<16xf32>,
            %parallel_loop3A_935 = arith.constant 16 : i32
            %parallel_loop3A_936 = arith.muli %parallel_loop3A_929, %parallel_loop3A_935 : i32
            %parallel_loop3A_937 = arith.constant 0 : i32
            %parallel_loop3A_938 = arith.constant 0 : i32
            %parallel_loop3A_939 = tpu.memref_slice %arg11[%parallel_loop3A_937, %parallel_loop3A_938] : memref<128x768xf32, #tpu.memory_space<vmem>> -> memref<16x768xf32, #tpu.memory_space<vmem>>
            %parallel_loop3A_940 = arith.index_cast %parallel_loop3A_911 : i32 to index
            %parallel_loop3A_941 = arith.index_cast %parallel_loop3A_936 : i32 to index
            %parallel_loop3A_942 = tpu.vector_load %parallel_loop3A_939[%parallel_loop3A_940, %parallel_loop3A_941] {strides = array<i32>} : memref<16x768xf32, #tpu.memory_space<vmem>>, vector<16xf32>,
            tpu.vector_store %parallel_loop3A_939[%parallel_loop3A_940, %parallel_loop3A_941], %parallel_loop3A_934 {strides = array<i32>} : memref<16x768xf32, #tpu.memory_space<vmem>>, vector<16xf32>,
          } {sc.loop_unroll_factor = 4 : i64, sc.parallel_access}
        } else {
        }
      } {sc.loop_unroll_factor = 1 : i64, sc.parallel_access}
    } else {
    }
    %mul3A_445 = arith.constant 4 : i32
    %mul3A_446 = arith.muli %add3A, %mul3A_445 : i32
    %add3A_447 = arith.constant 0 : i32
    %add3A_448 = arith.addi %mul3A_446, %add3A_447 : i32
    %dma_start3A_449 = arith.constant 0 : i32
    %dma_start3A_450 = arith.constant 0 : i32
    %dma_start3A_451 = tpu.memref_slice %arg11[%dma_start3A_449, %dma_start3A_450] : memref<128x768xf32, #tpu.memory_space<vmem>> -> memref<16x768xf32, #tpu.memory_space<vmem>>
    %dma_start3A_452 = arith.constant 0 : i32
    %dma_start3A_453 = arith.constant 0 : i32
    %dma_start3A_454 = tpu.memref_slice %arg5[%add3A_448, %dma_start3A_452, %dma_start3A_453] : memref<128x32x768xf32, #tpu.memory_space<hbm>> -> memref<1x16x768xf32, #tpu.memory_space<hbm>>
    %dma_start3A_455 = tpu.memref_squeeze %dma_start3A_454 : memref<1x16x768xf32, #tpu.memory_space<hbm>> -> memref<16x768xf32, #tpu.memory_space<hbm>>
    %dma_start3A_456 = arith.constant 0 : i32
    %dma_start3A_457 = arith.constant 0 : i32
    %dma_start3A_458 = tpu.memref_slice %arg5[%add3A_448, %dma_start3A_456, %dma_start3A_457] : memref<128x32x768xf32, #tpu.memory_space<hbm>> -> memref<1x16x768xf32, #tpu.memory_space<hbm>>
    %dma_start3A_459 = tpu.memref_squeeze %dma_start3A_458 : memref<1x16x768xf32, #tpu.memory_space<hbm>> -> memref<16x768xf32, #tpu.memory_space<hbm>>
    %dma_start3A_460 = arith.constant 0 : i32
    %dma_start3A_461 = arith.constant 0 : i32
    %dma_start3A_462 = tpu.memref_slice %arg11[%dma_start3A_460, %dma_start3A_461] : memref<128x768xf32, #tpu.memory_space<vmem>> -> memref<16x768xf32, #tpu.memory_space<vmem>>
    tpu.enqueue_dma source(%dma_start3A_462 : memref<16x768xf32, #tpu.memory_space<vmem>>) target(%dma_start3A_459 : memref<16x768xf32, #tpu.memory_space<hbm>>) target_semaphore(%arg23 : memref<!tpu.dma_semaphore, #tpu.memory_space<semaphore_mem>>)
    %dma_wait3A_463 = arith.constant 16 : i32
    %dma_wait3A_464 = arith.constant 0 : i32
    %dma_wait3A_465 = tpu.memref_slice %arg11[%dma_wait3A_463, %dma_wait3A_464] : memref<128x768xf32, #tpu.memory_space<vmem>> -> memref<16x768xf32, #tpu.memory_space<vmem>>
    %dma_wait3A_466 = arith.constant 16 : i32
    %dma_wait3A_467 = tpu.memref_slice %arg9[%dma_wait3A_466] : memref<128xi32, #tpu.memory_space<vmem>> -> memref<16xi32, #tpu.memory_space<vmem>>
    %dma_wait3A_468 = arith.constant 0 : i32
    %dma_wait3A_469 = arith.constant 0 : i32
    %dma_wait3A_470 = tpu.memref_slice %arg2[%dma_wait3A_468, %dma_wait3A_469] : memref<5000x768xf32, #tpu.memory_space<hbm>> -> memref<5000x768xf32, #tpu.memory_space<hbm>>
    tpu.wait_indirect_dma semaphore(%arg16 : memref<!tpu.dma_semaphore, #tpu.memory_space<semaphore_mem>>) src(%dma_wait3A_470 : memref<5000x768xf32, #tpu.memory_space<hbm>>) dst(%dma_wait3A_465 : memref<16x768xf32, #tpu.memory_space<vmem>>)
    %get3A_471 = arith.constant 16 : index
    %get3A_472 = tpu.vector_load %arg8[%get3A_471] {strides = array<i32>} : memref<128xi32, #tpu.memory_space<vmem>>, vector<16xi32>,
    %convert_element_type3A_473 = arith.sitofp %get3A_472 : vector<16xi32> to vector<16xf32>
    %ge3A_474 = arith.constant 5.000000e+03 : f32
    %ge3A_475 = vector.broadcast %ge3A_474 : f32 to vector<16xf32>
    %ge3A_476 = arith.cmpf oge, %convert_element_type3A_473, %ge3A_475 : vector<16xf32>
    %jit3A_477 = arith.constant 1.000000e+00 : f32
    %jit3A_478 = arith.constant 0.000000e+00 : f32
    %broadcast_in_dim3A_479 = vector.broadcast %jit3A_477 : f32 to vector<16xf32>
    %broadcast_in_dim3A_480 = vector.broadcast %jit3A_478 : f32 to vector<16xf32>
    %select_n3A_481 = arith.select %ge3A_476, %broadcast_in_dim3A_479, %broadcast_in_dim3A_480 : vector<16xi1>, vector<16xf32>
    %reduce_sum3A_482 = arith.constant true
    %reduce_sum3A_483 = vector.broadcast %reduce_sum3A_482 : i1 to vector<16xi1>
    %reduce_sum3A_484 = tpu.scan <sum>, %select_n3A_481 masked %reduce_sum3A_483 : vector<16xf32>, vector<16xi1> -> vector<16xf32>
    %reduce_sum3A_485 = vector.extract %reduce_sum3A_484[15] : f32 from vector<16xf32>
    %gt3A_486 = arith.constant 5.000000e-01 : f32
    %gt3A_487 = arith.cmpf ogt, %reduce_sum3A_485, %gt3A_486 : f32
    %convert_element_type3A_488 = arith.extui %gt3A_487 : i1 to i32
    %cond3A_489 = arith.constant 0 : i32
    %cond3A_490 = arith.cmpi ne, %convert_element_type3A_488, %cond3A_489 : i32
    scf.if %cond3A_490 {
      %dma_start3A_899 = arith.constant 16 : i32
      %dma_start3A_900 = tpu.memref_slice %arg10[%dma_start3A_899] : memref<128xi32, #tpu.memory_space<vmem>> -> memref<16xi32, #tpu.memory_space<vmem>>
      %dma_start3A_901 = arith.constant 0 : i32
      %dma_start3A_902 = arith.constant 0 : i32
      %dma_start3A_903 = tpu.memref_slice %arg4[%dma_start3A_901, %dma_start3A_902] : memref<6400x768xf32, #tpu.memory_space<hbm>> -> memref<6400x768xf32, #tpu.memory_space<hbm>>
      tpu.enqueue_indirect_dma source(%dma_start3A_903 : memref<6400x768xf32, #tpu.memory_space<hbm>>) target(%arg12 : memref<16x768xf32, #tpu.memory_space<vmem>>) offsets(%dma_start3A_900 : memref<16xi32, #tpu.memory_space<vmem>>) semaphore(%arg14 : memref<!tpu.dma_semaphore, #tpu.memory_space<semaphore_mem>>)
      %dma_wait3A_904 = arith.constant 16 : i32
      %dma_wait3A_905 = tpu.memref_slice %arg10[%dma_wait3A_904] : memref<128xi32, #tpu.memory_space<vmem>> -> memref<16xi32, #tpu.memory_space<vmem>>
      %dma_wait3A_906 = arith.constant 0 : i32
      %dma_wait3A_907 = arith.constant 0 : i32
      %dma_wait3A_908 = tpu.memref_slice %arg4[%dma_wait3A_906, %dma_wait3A_907] : memref<6400x768xf32, #tpu.memory_space<hbm>> -> memref<6400x768xf32, #tpu.memory_space<hbm>>
      tpu.wait_indirect_dma semaphore(%arg14 : memref<!tpu.dma_semaphore, #tpu.memory_space<semaphore_mem>>) src(%dma_wait3A_908 : memref<6400x768xf32, #tpu.memory_space<hbm>>) dst(%arg12 : memref<16x768xf32, #tpu.memory_space<vmem>>)
      %parallel_loop3A = arith.constant 0 : i32
      %parallel_loop3A_909 = arith.constant 16 : i32
      %parallel_loop3A_910 = arith.constant 1 : i32
      scf.for %parallel_loop3A_911 = %parallel_loop3A to %parallel_loop3A_909 step %parallel_loop3A_910  : i32 {
        %parallel_loop3A_912 = vector.broadcast %parallel_loop3A_911 : i32 to vector<16xi32>
        %parallel_loop3A_913 = arith.cmpi eq, %iota3A, %parallel_loop3A_912 : vector<16xi32>
        %parallel_loop3A_914 = arith.constant 0.000000e+00 : f32
        %parallel_loop3A_915 = vector.broadcast %parallel_loop3A_914 : f32 to vector<16xf32>
        %parallel_loop3A_916 = arith.select %parallel_loop3A_913, %convert_element_type3A_473, %parallel_loop3A_915 : vector<16xi1>, vector<16xf32>
        %parallel_loop3A_917 = arith.constant true
        %parallel_loop3A_918 = vector.broadcast %parallel_loop3A_917 : i1 to vector<16xi1>
        %parallel_loop3A_919 = tpu.scan <sum>, %parallel_loop3A_916 masked %parallel_loop3A_918 : vector<16xf32>, vector<16xi1> -> vector<16xf32>
        %parallel_loop3A_920 = vector.extract %parallel_loop3A_919[15] : f32 from vector<16xf32>
        %parallel_loop3A_921 = arith.constant 5.000000e+03 : f32
        %parallel_loop3A_922 = arith.cmpf oge, %parallel_loop3A_920, %parallel_loop3A_921 : f32
        %parallel_loop3A_923 = arith.extui %parallel_loop3A_922 : i1 to i32
        %parallel_loop3A_924 = arith.constant 0 : i32
        %parallel_loop3A_925 = arith.cmpi ne, %parallel_loop3A_923, %parallel_loop3A_924 : i32
        scf.if %parallel_loop3A_925 {
          %parallel_loop3A_926 = arith.constant 0 : i32
          %parallel_loop3A_927 = arith.constant 48 : i32
          %parallel_loop3A_928 = arith.constant 1 : i32
          scf.for %parallel_loop3A_929 = %parallel_loop3A_926 to %parallel_loop3A_927 step %parallel_loop3A_928  : i32 {
            %parallel_loop3A_930 = arith.constant 16 : i32
            %parallel_loop3A_931 = arith.muli %parallel_loop3A_929, %parallel_loop3A_930 : i32
            %parallel_loop3A_932 = arith.index_cast %parallel_loop3A_911 : i32 to index
            %parallel_loop3A_933 = arith.index_cast %parallel_loop3A_931 : i32 to index
            %parallel_loop3A_934 = tpu.vector_load %arg12[%parallel_loop3A_932, %parallel_loop3A_933] {strides = array<i32>} : memref<16x768xf32, #tpu.memory_space<vmem>>, vector<16xf32>,
            %parallel_loop3A_935 = arith.constant 16 : i32
            %parallel_loop3A_936 = arith.muli %parallel_loop3A_929, %parallel_loop3A_935 : i32
            %parallel_loop3A_937 = arith.constant 16 : i32
            %parallel_loop3A_938 = arith.constant 0 : i32
            %parallel_loop3A_939 = tpu.memref_slice %arg11[%parallel_loop3A_937, %parallel_loop3A_938] : memref<128x768xf32, #tpu.memory_space<vmem>> -> memref<16x768xf32, #tpu.memory_space<vmem>>
            %parallel_loop3A_940 = arith.index_cast %parallel_loop3A_911 : i32 to index
            %parallel_loop3A_941 = arith.index_cast %parallel_loop3A_936 : i32 to index
            %parallel_loop3A_942 = tpu.vector_load %parallel_loop3A_939[%parallel_loop3A_940, %parallel_loop3A_941] {strides = array<i32>} : memref<16x768xf32, #tpu.memory_space<vmem>>, vector<16xf32>,
            tpu.vector_store %parallel_loop3A_939[%parallel_loop3A_940, %parallel_loop3A_941], %parallel_loop3A_934 {strides = array<i32>} : memref<16x768xf32, #tpu.memory_space<vmem>>, vector<16xf32>,
          } {sc.loop_unroll_factor = 4 : i64, sc.parallel_access}
        } else {
        }
      } {sc.loop_unroll_factor = 1 : i64, sc.parallel_access}
    } else {
    }
    %mul3A_491 = arith.constant 4 : i32
    %mul3A_492 = arith.muli %add3A, %mul3A_491 : i32
    %add3A_493 = arith.constant 0 : i32
    %add3A_494 = arith.addi %mul3A_492, %add3A_493 : i32
    %dma_start3A_495 = arith.constant 16 : i32
    %dma_start3A_496 = arith.constant 0 : i32
    %dma_start3A_497 = tpu.memref_slice %arg11[%dma_start3A_495, %dma_start3A_496] : memref<128x768xf32, #tpu.memory_space<vmem>> -> memref<16x768xf32, #tpu.memory_space<vmem>>
    %dma_start3A_498 = arith.constant 16 : i32
    %dma_start3A_499 = arith.constant 0 : i32
    %dma_start3A_500 = tpu.memref_slice %arg5[%add3A_494, %dma_start3A_498, %dma_start3A_499] : memref<128x32x768xf32, #tpu.memory_space<hbm>> -> memref<1x16x768xf32, #tpu.memory_space<hbm>>
    %dma_start3A_501 = tpu.memref_squeeze %dma_start3A_500 : memref<1x16x768xf32, #tpu.memory_space<hbm>> -> memref<16x768xf32, #tpu.memory_space<hbm>>
    %dma_start3A_502 = arith.constant 16 : i32
    %dma_start3A_503 = arith.constant 0 : i32
    %dma_start3A_504 = tpu.memref_slice %arg5[%add3A_494, %dma_start3A_502, %dma_start3A_503] : memref<128x32x768xf32, #tpu.memory_space<hbm>> -> memref<1x16x768xf32, #tpu.memory_space<hbm>>
    %dma_start3A_505 = tpu.memref_squeeze %dma_start3A_504 : memref<1x16x768xf32, #tpu.memory_space<hbm>> -> memref<16x768xf32, #tpu.memory_space<hbm>>
    %dma_start3A_506 = arith.constant 16 : i32
    %dma_start3A_507 = arith.constant 0 : i32
    %dma_start3A_508 = tpu.memref_slice %arg11[%dma_start3A_506, %dma_start3A_507] : memref<128x768xf32, #tpu.memory_space<vmem>> -> memref<16x768xf32, #tpu.memory_space<vmem>>
    tpu.enqueue_dma source(%dma_start3A_508 : memref<16x768xf32, #tpu.memory_space<vmem>>) target(%dma_start3A_505 : memref<16x768xf32, #tpu.memory_space<hbm>>) target_semaphore(%arg24 : memref<!tpu.dma_semaphore, #tpu.memory_space<semaphore_mem>>)
    %dma_wait3A_509 = arith.constant 32 : i32
    %dma_wait3A_510 = arith.constant 0 : i32
    %dma_wait3A_511 = tpu.memref_slice %arg11[%dma_wait3A_509, %dma_wait3A_510] : memref<128x768xf32, #tpu.memory_space<vmem>> -> memref<16x768xf32, #tpu.memory_space<vmem>>
    %dma_wait3A_512 = arith.constant 32 : i32
    %dma_wait3A_513 = tpu.memref_slice %arg9[%dma_wait3A_512] : memref<128xi32, #tpu.memory_space<vmem>> -> memref<16xi32, #tpu.memory_space<vmem>>
    %dma_wait3A_514 = arith.constant 0 : i32
    %dma_wait3A_515 = arith.constant 0 : i32
    %dma_wait3A_516 = tpu.memref_slice %arg2[%dma_wait3A_514, %dma_wait3A_515] : memref<5000x768xf32, #tpu.memory_space<hbm>> -> memref<5000x768xf32, #tpu.memory_space<hbm>>
    tpu.wait_indirect_dma semaphore(%arg17 : memref<!tpu.dma_semaphore, #tpu.memory_space<semaphore_mem>>) src(%dma_wait3A_516 : memref<5000x768xf32, #tpu.memory_space<hbm>>) dst(%dma_wait3A_511 : memref<16x768xf32, #tpu.memory_space<vmem>>)
    %get3A_517 = arith.constant 32 : index
    %get3A_518 = tpu.vector_load %arg8[%get3A_517] {strides = array<i32>} : memref<128xi32, #tpu.memory_space<vmem>>, vector<16xi32>,
    %convert_element_type3A_519 = arith.sitofp %get3A_518 : vector<16xi32> to vector<16xf32>
    %ge3A_520 = arith.constant 5.000000e+03 : f32
    %ge3A_521 = vector.broadcast %ge3A_520 : f32 to vector<16xf32>
    %ge3A_522 = arith.cmpf oge, %convert_element_type3A_519, %ge3A_521 : vector<16xf32>
    %jit3A_523 = arith.constant 1.000000e+00 : f32
    %jit3A_524 = arith.constant 0.000000e+00 : f32
    %broadcast_in_dim3A_525 = vector.broadcast %jit3A_523 : f32 to vector<16xf32>
    %broadcast_in_dim3A_526 = vector.broadcast %jit3A_524 : f32 to vector<16xf32>
    %select_n3A_527 = arith.select %ge3A_522, %broadcast_in_dim3A_525, %broadcast_in_dim3A_526 : vector<16xi1>, vector<16xf32>
    %reduce_sum3A_528 = arith.constant true
    %reduce_sum3A_529 = vector.broadcast %reduce_sum3A_528 : i1 to vector<16xi1>
    %reduce_sum3A_530 = tpu.scan <sum>, %select_n3A_527 masked %reduce_sum3A_529 : vector<16xf32>, vector<16xi1> -> vector<16xf32>
    %reduce_sum3A_531 = vector.extract %reduce_sum3A_530[15] : f32 from vector<16xf32>
    %gt3A_532 = arith.constant 5.000000e-01 : f32
    %gt3A_533 = arith.cmpf ogt, %reduce_sum3A_531, %gt3A_532 : f32
    %convert_element_type3A_534 = arith.extui %gt3A_533 : i1 to i32
    %cond3A_535 = arith.constant 0 : i32
    %cond3A_536 = arith.cmpi ne, %convert_element_type3A_534, %cond3A_535 : i32
    scf.if %cond3A_536 {
      %dma_start3A_899 = arith.constant 32 : i32
      %dma_start3A_900 = tpu.memref_slice %arg10[%dma_start3A_899] : memref<128xi32, #tpu.memory_space<vmem>> -> memref<16xi32, #tpu.memory_space<vmem>>
      %dma_start3A_901 = arith.constant 0 : i32
      %dma_start3A_902 = arith.constant 0 : i32
      %dma_start3A_903 = tpu.memref_slice %arg4[%dma_start3A_901, %dma_start3A_902] : memref<6400x768xf32, #tpu.memory_space<hbm>> -> memref<6400x768xf32, #tpu.memory_space<hbm>>
      tpu.enqueue_indirect_dma source(%dma_start3A_903 : memref<6400x768xf32, #tpu.memory_space<hbm>>) target(%arg12 : memref<16x768xf32, #tpu.memory_space<vmem>>) offsets(%dma_start3A_900 : memref<16xi32, #tpu.memory_space<vmem>>) semaphore(%arg14 : memref<!tpu.dma_semaphore, #tpu.memory_space<semaphore_mem>>)
      %dma_wait3A_904 = arith.constant 32 : i32
      %dma_wait3A_905 = tpu.memref_slice %arg10[%dma_wait3A_904] : memref<128xi32, #tpu.memory_space<vmem>> -> memref<16xi32, #tpu.memory_space<vmem>>
      %dma_wait3A_906 = arith.constant 0 : i32
      %dma_wait3A_907 = arith.constant 0 : i32
      %dma_wait3A_908 = tpu.memref_slice %arg4[%dma_wait3A_906, %dma_wait3A_907] : memref<6400x768xf32, #tpu.memory_space<hbm>> -> memref<6400x768xf32, #tpu.memory_space<hbm>>
      tpu.wait_indirect_dma semaphore(%arg14 : memref<!tpu.dma_semaphore, #tpu.memory_space<semaphore_mem>>) src(%dma_wait3A_908 : memref<6400x768xf32, #tpu.memory_space<hbm>>) dst(%arg12 : memref<16x768xf32, #tpu.memory_space<vmem>>)
      %parallel_loop3A = arith.constant 0 : i32
      %parallel_loop3A_909 = arith.constant 16 : i32
      %parallel_loop3A_910 = arith.constant 1 : i32
      scf.for %parallel_loop3A_911 = %parallel_loop3A to %parallel_loop3A_909 step %parallel_loop3A_910  : i32 {
        %parallel_loop3A_912 = vector.broadcast %parallel_loop3A_911 : i32 to vector<16xi32>
        %parallel_loop3A_913 = arith.cmpi eq, %iota3A, %parallel_loop3A_912 : vector<16xi32>
        %parallel_loop3A_914 = arith.constant 0.000000e+00 : f32
        %parallel_loop3A_915 = vector.broadcast %parallel_loop3A_914 : f32 to vector<16xf32>
        %parallel_loop3A_916 = arith.select %parallel_loop3A_913, %convert_element_type3A_519, %parallel_loop3A_915 : vector<16xi1>, vector<16xf32>
        %parallel_loop3A_917 = arith.constant true
        %parallel_loop3A_918 = vector.broadcast %parallel_loop3A_917 : i1 to vector<16xi1>
        %parallel_loop3A_919 = tpu.scan <sum>, %parallel_loop3A_916 masked %parallel_loop3A_918 : vector<16xf32>, vector<16xi1> -> vector<16xf32>
        %parallel_loop3A_920 = vector.extract %parallel_loop3A_919[15] : f32 from vector<16xf32>
        %parallel_loop3A_921 = arith.constant 5.000000e+03 : f32
        %parallel_loop3A_922 = arith.cmpf oge, %parallel_loop3A_920, %parallel_loop3A_921 : f32
        %parallel_loop3A_923 = arith.extui %parallel_loop3A_922 : i1 to i32
        %parallel_loop3A_924 = arith.constant 0 : i32
        %parallel_loop3A_925 = arith.cmpi ne, %parallel_loop3A_923, %parallel_loop3A_924 : i32
        scf.if %parallel_loop3A_925 {
          %parallel_loop3A_926 = arith.constant 0 : i32
          %parallel_loop3A_927 = arith.constant 48 : i32
          %parallel_loop3A_928 = arith.constant 1 : i32
          scf.for %parallel_loop3A_929 = %parallel_loop3A_926 to %parallel_loop3A_927 step %parallel_loop3A_928  : i32 {
            %parallel_loop3A_930 = arith.constant 16 : i32
            %parallel_loop3A_931 = arith.muli %parallel_loop3A_929, %parallel_loop3A_930 : i32
            %parallel_loop3A_932 = arith.index_cast %parallel_loop3A_911 : i32 to index
            %parallel_loop3A_933 = arith.index_cast %parallel_loop3A_931 : i32 to index
            %parallel_loop3A_934 = tpu.vector_load %arg12[%parallel_loop3A_932, %parallel_loop3A_933] {strides = array<i32>} : memref<16x768xf32, #tpu.memory_space<vmem>>, vector<16xf32>,
            %parallel_loop3A_935 = arith.constant 16 : i32
            %parallel_loop3A_936 = arith.muli %parallel_loop3A_929, %parallel_loop3A_935 : i32
            %parallel_loop3A_937 = arith.constant 32 : i32
            %parallel_loop3A_938 = arith.constant 0 : i32
            %parallel_loop3A_939 = tpu.memref_slice %arg11[%parallel_loop3A_937, %parallel_loop3A_938] : memref<128x768xf32, #tpu.memory_space<vmem>> -> memref<16x768xf32, #tpu.memory_space<vmem>>
            %parallel_loop3A_940 = arith.index_cast %parallel_loop3A_911 : i32 to index
            %parallel_loop3A_941 = arith.index_cast %parallel_loop3A_936 : i32 to index
            %parallel_loop3A_942 = tpu.vector_load %parallel_loop3A_939[%parallel_loop3A_940, %parallel_loop3A_941] {strides = array<i32>} : memref<16x768xf32, #tpu.memory_space<vmem>>, vector<16xf32>,
            tpu.vector_store %parallel_loop3A_939[%parallel_loop3A_940, %parallel_loop3A_941], %parallel_loop3A_934 {strides = array<i32>} : memref<16x768xf32, #tpu.memory_space<vmem>>, vector<16xf32>,
          } {sc.loop_unroll_factor = 4 : i64, sc.parallel_access}
        } else {
        }
      } {sc.loop_unroll_factor = 1 : i64, sc.parallel_access}
    } else {
    }
    %mul3A_537 = arith.constant 4 : i32
    %mul3A_538 = arith.muli %add3A, %mul3A_537 : i32
    %add3A_539 = arith.constant 1 : i32
    %add3A_540 = arith.addi %mul3A_538, %add3A_539 : i32
    %dma_start3A_541 = arith.constant 32 : i32
    %dma_start3A_542 = arith.constant 0 : i32
    %dma_start3A_543 = tpu.memref_slice %arg11[%dma_start3A_541, %dma_start3A_542] : memref<128x768xf32, #tpu.memory_space<vmem>> -> memref<16x768xf32, #tpu.memory_space<vmem>>
    %dma_start3A_544 = arith.constant 0 : i32
    %dma_start3A_545 = arith.constant 0 : i32
    %dma_start3A_546 = tpu.memref_slice %arg5[%add3A_540, %dma_start3A_544, %dma_start3A_545] : memref<128x32x768xf32, #tpu.memory_space<hbm>> -> memref<1x16x768xf32, #tpu.memory_space<hbm>>
    %dma_start3A_547 = tpu.memref_squeeze %dma_start3A_546 : memref<1x16x768xf32, #tpu.memory_space<hbm>> -> memref<16x768xf32, #tpu.memory_space<hbm>>
    %dma_start3A_548 = arith.constant 0 : i32
    %dma_start3A_549 = arith.constant 0 : i32
    %dma_start3A_550 = tpu.memref_slice %arg5[%add3A_540, %dma_start3A_548, %dma_start3A_549] : memref<128x32x768xf32, #tpu.memory_space<hbm>> -> memref<1x16x768xf32, #tpu.memory_space<hbm>>
    %dma_start3A_551 = tpu.memref_squeeze %dma_start3A_550 : memref<1x16x768xf32, #tpu.memory_space<hbm>> -> memref<16x768xf32, #tpu.memory_space<hbm>>
    %dma_start3A_552 = arith.constant 32 : i32
    %dma_start3A_553 = arith.constant 0 : i32
    %dma_start3A_554 = tpu.memref_slice %arg11[%dma_start3A_552, %dma_start3A_553] : memref<128x768xf32, #tpu.memory_space<vmem>> -> memref<16x768xf32, #tpu.memory_space<vmem>>
    tpu.enqueue_dma source(%dma_start3A_554 : memref<16x768xf32, #tpu.memory_space<vmem>>) target(%dma_start3A_551 : memref<16x768xf32, #tpu.memory_space<hbm>>) target_semaphore(%arg25 : memref<!tpu.dma_semaphore, #tpu.memory_space<semaphore_mem>>)
    %dma_wait3A_555 = arith.constant 48 : i32
    %dma_wait3A_556 = arith.constant 0 : i32
    %dma_wait3A_557 = tpu.memref_slice %arg11[%dma_wait3A_555, %dma_wait3A_556] : memref<128x768xf32, #tpu.memory_space<vmem>> -> memref<16x768xf32, #tpu.memory_space<vmem>>
    %dma_wait3A_558 = arith.constant 48 : i32
    %dma_wait3A_559 = tpu.memref_slice %arg9[%dma_wait3A_558] : memref<128xi32, #tpu.memory_space<vmem>> -> memref<16xi32, #tpu.memory_space<vmem>>
    %dma_wait3A_560 = arith.constant 0 : i32
    %dma_wait3A_561 = arith.constant 0 : i32
    %dma_wait3A_562 = tpu.memref_slice %arg2[%dma_wait3A_560, %dma_wait3A_561] : memref<5000x768xf32, #tpu.memory_space<hbm>> -> memref<5000x768xf32, #tpu.memory_space<hbm>>
    tpu.wait_indirect_dma semaphore(%arg18 : memref<!tpu.dma_semaphore, #tpu.memory_space<semaphore_mem>>) src(%dma_wait3A_562 : memref<5000x768xf32, #tpu.memory_space<hbm>>) dst(%dma_wait3A_557 : memref<16x768xf32, #tpu.memory_space<vmem>>)
    %get3A_563 = arith.constant 48 : index
    %get3A_564 = tpu.vector_load %arg8[%get3A_563] {strides = array<i32>} : memref<128xi32, #tpu.memory_space<vmem>>, vector<16xi32>,
    %convert_element_type3A_565 = arith.sitofp %get3A_564 : vector<16xi32> to vector<16xf32>
    %ge3A_566 = arith.constant 5.000000e+03 : f32
    %ge3A_567 = vector.broadcast %ge3A_566 : f32 to vector<16xf32>
    %ge3A_568 = arith.cmpf oge, %convert_element_type3A_565, %ge3A_567 : vector<16xf32>
    %jit3A_569 = arith.constant 1.000000e+00 : f32
    %jit3A_570 = arith.constant 0.000000e+00 : f32
    %broadcast_in_dim3A_571 = vector.broadcast %jit3A_569 : f32 to vector<16xf32>
    %broadcast_in_dim3A_572 = vector.broadcast %jit3A_570 : f32 to vector<16xf32>
    %select_n3A_573 = arith.select %ge3A_568, %broadcast_in_dim3A_571, %broadcast_in_dim3A_572 : vector<16xi1>, vector<16xf32>
    %reduce_sum3A_574 = arith.constant true
    %reduce_sum3A_575 = vector.broadcast %reduce_sum3A_574 : i1 to vector<16xi1>
    %reduce_sum3A_576 = tpu.scan <sum>, %select_n3A_573 masked %reduce_sum3A_575 : vector<16xf32>, vector<16xi1> -> vector<16xf32>
    %reduce_sum3A_577 = vector.extract %reduce_sum3A_576[15] : f32 from vector<16xf32>
    %gt3A_578 = arith.constant 5.000000e-01 : f32
    %gt3A_579 = arith.cmpf ogt, %reduce_sum3A_577, %gt3A_578 : f32
    %convert_element_type3A_580 = arith.extui %gt3A_579 : i1 to i32
    %cond3A_581 = arith.constant 0 : i32
    %cond3A_582 = arith.cmpi ne, %convert_element_type3A_580, %cond3A_581 : i32
    scf.if %cond3A_582 {
      %dma_start3A_899 = arith.constant 48 : i32
      %dma_start3A_900 = tpu.memref_slice %arg10[%dma_start3A_899] : memref<128xi32, #tpu.memory_space<vmem>> -> memref<16xi32, #tpu.memory_space<vmem>>
      %dma_start3A_901 = arith.constant 0 : i32
      %dma_start3A_902 = arith.constant 0 : i32
      %dma_start3A_903 = tpu.memref_slice %arg4[%dma_start3A_901, %dma_start3A_902] : memref<6400x768xf32, #tpu.memory_space<hbm>> -> memref<6400x768xf32, #tpu.memory_space<hbm>>
      tpu.enqueue_indirect_dma source(%dma_start3A_903 : memref<6400x768xf32, #tpu.memory_space<hbm>>) target(%arg12 : memref<16x768xf32, #tpu.memory_space<vmem>>) offsets(%dma_start3A_900 : memref<16xi32, #tpu.memory_space<vmem>>) semaphore(%arg14 : memref<!tpu.dma_semaphore, #tpu.memory_space<semaphore_mem>>)
      %dma_wait3A_904 = arith.constant 48 : i32
      %dma_wait3A_905 = tpu.memref_slice %arg10[%dma_wait3A_904] : memref<128xi32, #tpu.memory_space<vmem>> -> memref<16xi32, #tpu.memory_space<vmem>>
      %dma_wait3A_906 = arith.constant 0 : i32
      %dma_wait3A_907 = arith.constant 0 : i32
      %dma_wait3A_908 = tpu.memref_slice %arg4[%dma_wait3A_906, %dma_wait3A_907] : memref<6400x768xf32, #tpu.memory_space<hbm>> -> memref<6400x768xf32, #tpu.memory_space<hbm>>
      tpu.wait_indirect_dma semaphore(%arg14 : memref<!tpu.dma_semaphore, #tpu.memory_space<semaphore_mem>>) src(%dma_wait3A_908 : memref<6400x768xf32, #tpu.memory_space<hbm>>) dst(%arg12 : memref<16x768xf32, #tpu.memory_space<vmem>>)
      %parallel_loop3A = arith.constant 0 : i32
      %parallel_loop3A_909 = arith.constant 16 : i32
      %parallel_loop3A_910 = arith.constant 1 : i32
      scf.for %parallel_loop3A_911 = %parallel_loop3A to %parallel_loop3A_909 step %parallel_loop3A_910  : i32 {
        %parallel_loop3A_912 = vector.broadcast %parallel_loop3A_911 : i32 to vector<16xi32>
        %parallel_loop3A_913 = arith.cmpi eq, %iota3A, %parallel_loop3A_912 : vector<16xi32>
        %parallel_loop3A_914 = arith.constant 0.000000e+00 : f32
        %parallel_loop3A_915 = vector.broadcast %parallel_loop3A_914 : f32 to vector<16xf32>
        %parallel_loop3A_916 = arith.select %parallel_loop3A_913, %convert_element_type3A_565, %parallel_loop3A_915 : vector<16xi1>, vector<16xf32>
        %parallel_loop3A_917 = arith.constant true
        %parallel_loop3A_918 = vector.broadcast %parallel_loop3A_917 : i1 to vector<16xi1>
        %parallel_loop3A_919 = tpu.scan <sum>, %parallel_loop3A_916 masked %parallel_loop3A_918 : vector<16xf32>, vector<16xi1> -> vector<16xf32>
        %parallel_loop3A_920 = vector.extract %parallel_loop3A_919[15] : f32 from vector<16xf32>
        %parallel_loop3A_921 = arith.constant 5.000000e+03 : f32
        %parallel_loop3A_922 = arith.cmpf oge, %parallel_loop3A_920, %parallel_loop3A_921 : f32
        %parallel_loop3A_923 = arith.extui %parallel_loop3A_922 : i1 to i32
        %parallel_loop3A_924 = arith.constant 0 : i32
        %parallel_loop3A_925 = arith.cmpi ne, %parallel_loop3A_923, %parallel_loop3A_924 : i32
        scf.if %parallel_loop3A_925 {
          %parallel_loop3A_926 = arith.constant 0 : i32
          %parallel_loop3A_927 = arith.constant 48 : i32
          %parallel_loop3A_928 = arith.constant 1 : i32
          scf.for %parallel_loop3A_929 = %parallel_loop3A_926 to %parallel_loop3A_927 step %parallel_loop3A_928  : i32 {
            %parallel_loop3A_930 = arith.constant 16 : i32
            %parallel_loop3A_931 = arith.muli %parallel_loop3A_929, %parallel_loop3A_930 : i32
            %parallel_loop3A_932 = arith.index_cast %parallel_loop3A_911 : i32 to index
            %parallel_loop3A_933 = arith.index_cast %parallel_loop3A_931 : i32 to index
            %parallel_loop3A_934 = tpu.vector_load %arg12[%parallel_loop3A_932, %parallel_loop3A_933] {strides = array<i32>} : memref<16x768xf32, #tpu.memory_space<vmem>>, vector<16xf32>,
            %parallel_loop3A_935 = arith.constant 16 : i32
            %parallel_loop3A_936 = arith.muli %parallel_loop3A_929, %parallel_loop3A_935 : i32
            %parallel_loop3A_937 = arith.constant 48 : i32
            %parallel_loop3A_938 = arith.constant 0 : i32
            %parallel_loop3A_939 = tpu.memref_slice %arg11[%parallel_loop3A_937, %parallel_loop3A_938] : memref<128x768xf32, #tpu.memory_space<vmem>> -> memref<16x768xf32, #tpu.memory_space<vmem>>
            %parallel_loop3A_940 = arith.index_cast %parallel_loop3A_911 : i32 to index
            %parallel_loop3A_941 = arith.index_cast %parallel_loop3A_936 : i32 to index
            %parallel_loop3A_942 = tpu.vector_load %parallel_loop3A_939[%parallel_loop3A_940, %parallel_loop3A_941] {strides = array<i32>} : memref<16x768xf32, #tpu.memory_space<vmem>>, vector<16xf32>,
            tpu.vector_store %parallel_loop3A_939[%parallel_loop3A_940, %parallel_loop3A_941], %parallel_loop3A_934 {strides = array<i32>} : memref<16x768xf32, #tpu.memory_space<vmem>>, vector<16xf32>,
          } {sc.loop_unroll_factor = 4 : i64, sc.parallel_access}
        } else {
        }
      } {sc.loop_unroll_factor = 1 : i64, sc.parallel_access}
    } else {
    }
    %mul3A_583 = arith.constant 4 : i32
    %mul3A_584 = arith.muli %add3A, %mul3A_583 : i32
    %add3A_585 = arith.constant 1 : i32
    %add3A_586 = arith.addi %mul3A_584, %add3A_585 : i32
    %dma_start3A_587 = arith.constant 48 : i32
    %dma_start3A_588 = arith.constant 0 : i32
    %dma_start3A_589 = tpu.memref_slice %arg11[%dma_start3A_587, %dma_start3A_588] : memref<128x768xf32, #tpu.memory_space<vmem>> -> memref<16x768xf32, #tpu.memory_space<vmem>>
    %dma_start3A_590 = arith.constant 16 : i32
    %dma_start3A_591 = arith.constant 0 : i32
    %dma_start3A_592 = tpu.memref_slice %arg5[%add3A_586, %dma_start3A_590, %dma_start3A_591] : memref<128x32x768xf32, #tpu.memory_space<hbm>> -> memref<1x16x768xf32, #tpu.memory_space<hbm>>
    %dma_start3A_593 = tpu.memref_squeeze %dma_start3A_592 : memref<1x16x768xf32, #tpu.memory_space<hbm>> -> memref<16x768xf32, #tpu.memory_space<hbm>>
    %dma_start3A_594 = arith.constant 16 : i32
    %dma_start3A_595 = arith.constant 0 : i32
    %dma_start3A_596 = tpu.memref_slice %arg5[%add3A_586, %dma_start3A_594, %dma_start3A_595] : memref<128x32x768xf32, #tpu.memory_space<hbm>> -> memref<1x16x768xf32, #tpu.memory_space<hbm>>
    %dma_start3A_597 = tpu.memref_squeeze %dma_start3A_596 : memref<1x16x768xf32, #tpu.memory_space<hbm>> -> memref<16x768xf32, #tpu.memory_space<hbm>>
    %dma_start3A_598 = arith.constant 48 : i32
    %dma_start3A_599 = arith.constant 0 : i32
    %dma_start3A_600 = tpu.memref_slice %arg11[%dma_start3A_598, %dma_start3A_599] : memref<128x768xf32, #tpu.memory_space<vmem>> -> memref<16x768xf32, #tpu.memory_space<vmem>>
    tpu.enqueue_dma source(%dma_start3A_600 : memref<16x768xf32, #tpu.memory_space<vmem>>) target(%dma_start3A_597 : memref<16x768xf32, #tpu.memory_space<hbm>>) target_semaphore(%arg26 : memref<!tpu.dma_semaphore, #tpu.memory_space<semaphore_mem>>)
    %dma_wait3A_601 = arith.constant 64 : i32
    %dma_wait3A_602 = arith.constant 0 : i32
    %dma_wait3A_603 = tpu.memref_slice %arg11[%dma_wait3A_601, %dma_wait3A_602] : memref<128x768xf32, #tpu.memory_space<vmem>> -> memref<16x768xf32, #tpu.memory_space<vmem>>
    %dma_wait3A_604 = arith.constant 64 : i32
    %dma_wait3A_605 = tpu.memref_slice %arg9[%dma_wait3A_604] : memref<128xi32, #tpu.memory_space<vmem>> -> memref<16xi32, #tpu.memory_space<vmem>>
    %dma_wait3A_606 = arith.constant 0 : i32
    %dma_wait3A_607 = arith.constant 0 : i32
    %dma_wait3A_608 = tpu.memref_slice %arg2[%dma_wait3A_606, %dma_wait3A_607] : memref<5000x768xf32, #tpu.memory_space<hbm>> -> memref<5000x768xf32, #tpu.memory_space<hbm>>
    tpu.wait_indirect_dma semaphore(%arg19 : memref<!tpu.dma_semaphore, #tpu.memory_space<semaphore_mem>>) src(%dma_wait3A_608 : memref<5000x768xf32, #tpu.memory_space<hbm>>) dst(%dma_wait3A_603 : memref<16x768xf32, #tpu.memory_space<vmem>>)
    %get3A_609 = arith.constant 64 : index
    %get3A_610 = tpu.vector_load %arg8[%get3A_609] {strides = array<i32>} : memref<128xi32, #tpu.memory_space<vmem>>, vector<16xi32>,
    %convert_element_type3A_611 = arith.sitofp %get3A_610 : vector<16xi32> to vector<16xf32>
    %ge3A_612 = arith.constant 5.000000e+03 : f32
    %ge3A_613 = vector.broadcast %ge3A_612 : f32 to vector<16xf32>
    %ge3A_614 = arith.cmpf oge, %convert_element_type3A_611, %ge3A_613 : vector<16xf32>
    %jit3A_615 = arith.constant 1.000000e+00 : f32
    %jit3A_616 = arith.constant 0.000000e+00 : f32
    %broadcast_in_dim3A_617 = vector.broadcast %jit3A_615 : f32 to vector<16xf32>
    %broadcast_in_dim3A_618 = vector.broadcast %jit3A_616 : f32 to vector<16xf32>
    %select_n3A_619 = arith.select %ge3A_614, %broadcast_in_dim3A_617, %broadcast_in_dim3A_618 : vector<16xi1>, vector<16xf32>
    %reduce_sum3A_620 = arith.constant true
    %reduce_sum3A_621 = vector.broadcast %reduce_sum3A_620 : i1 to vector<16xi1>
    %reduce_sum3A_622 = tpu.scan <sum>, %select_n3A_619 masked %reduce_sum3A_621 : vector<16xf32>, vector<16xi1> -> vector<16xf32>
    %reduce_sum3A_623 = vector.extract %reduce_sum3A_622[15] : f32 from vector<16xf32>
    %gt3A_624 = arith.constant 5.000000e-01 : f32
    %gt3A_625 = arith.cmpf ogt, %reduce_sum3A_623, %gt3A_624 : f32
    %convert_element_type3A_626 = arith.extui %gt3A_625 : i1 to i32
    %cond3A_627 = arith.constant 0 : i32
    %cond3A_628 = arith.cmpi ne, %convert_element_type3A_626, %cond3A_627 : i32
    scf.if %cond3A_628 {
      %dma_start3A_899 = arith.constant 64 : i32
      %dma_start3A_900 = tpu.memref_slice %arg10[%dma_start3A_899] : memref<128xi32, #tpu.memory_space<vmem>> -> memref<16xi32, #tpu.memory_space<vmem>>
      %dma_start3A_901 = arith.constant 0 : i32
      %dma_start3A_902 = arith.constant 0 : i32
      %dma_start3A_903 = tpu.memref_slice %arg4[%dma_start3A_901, %dma_start3A_902] : memref<6400x768xf32, #tpu.memory_space<hbm>> -> memref<6400x768xf32, #tpu.memory_space<hbm>>
      tpu.enqueue_indirect_dma source(%dma_start3A_903 : memref<6400x768xf32, #tpu.memory_space<hbm>>) target(%arg12 : memref<16x768xf32, #tpu.memory_space<vmem>>) offsets(%dma_start3A_900 : memref<16xi32, #tpu.memory_space<vmem>>) semaphore(%arg14 : memref<!tpu.dma_semaphore, #tpu.memory_space<semaphore_mem>>)
      %dma_wait3A_904 = arith.constant 64 : i32
      %dma_wait3A_905 = tpu.memref_slice %arg10[%dma_wait3A_904] : memref<128xi32, #tpu.memory_space<vmem>> -> memref<16xi32, #tpu.memory_space<vmem>>
      %dma_wait3A_906 = arith.constant 0 : i32
      %dma_wait3A_907 = arith.constant 0 : i32
      %dma_wait3A_908 = tpu.memref_slice %arg4[%dma_wait3A_906, %dma_wait3A_907] : memref<6400x768xf32, #tpu.memory_space<hbm>> -> memref<6400x768xf32, #tpu.memory_space<hbm>>
      tpu.wait_indirect_dma semaphore(%arg14 : memref<!tpu.dma_semaphore, #tpu.memory_space<semaphore_mem>>) src(%dma_wait3A_908 : memref<6400x768xf32, #tpu.memory_space<hbm>>) dst(%arg12 : memref<16x768xf32, #tpu.memory_space<vmem>>)
      %parallel_loop3A = arith.constant 0 : i32
      %parallel_loop3A_909 = arith.constant 16 : i32
      %parallel_loop3A_910 = arith.constant 1 : i32
      scf.for %parallel_loop3A_911 = %parallel_loop3A to %parallel_loop3A_909 step %parallel_loop3A_910  : i32 {
        %parallel_loop3A_912 = vector.broadcast %parallel_loop3A_911 : i32 to vector<16xi32>
        %parallel_loop3A_913 = arith.cmpi eq, %iota3A, %parallel_loop3A_912 : vector<16xi32>
        %parallel_loop3A_914 = arith.constant 0.000000e+00 : f32
        %parallel_loop3A_915 = vector.broadcast %parallel_loop3A_914 : f32 to vector<16xf32>
        %parallel_loop3A_916 = arith.select %parallel_loop3A_913, %convert_element_type3A_611, %parallel_loop3A_915 : vector<16xi1>, vector<16xf32>
        %parallel_loop3A_917 = arith.constant true
        %parallel_loop3A_918 = vector.broadcast %parallel_loop3A_917 : i1 to vector<16xi1>
        %parallel_loop3A_919 = tpu.scan <sum>, %parallel_loop3A_916 masked %parallel_loop3A_918 : vector<16xf32>, vector<16xi1> -> vector<16xf32>
        %parallel_loop3A_920 = vector.extract %parallel_loop3A_919[15] : f32 from vector<16xf32>
        %parallel_loop3A_921 = arith.constant 5.000000e+03 : f32
        %parallel_loop3A_922 = arith.cmpf oge, %parallel_loop3A_920, %parallel_loop3A_921 : f32
        %parallel_loop3A_923 = arith.extui %parallel_loop3A_922 : i1 to i32
        %parallel_loop3A_924 = arith.constant 0 : i32
        %parallel_loop3A_925 = arith.cmpi ne, %parallel_loop3A_923, %parallel_loop3A_924 : i32
        scf.if %parallel_loop3A_925 {
          %parallel_loop3A_926 = arith.constant 0 : i32
          %parallel_loop3A_927 = arith.constant 48 : i32
          %parallel_loop3A_928 = arith.constant 1 : i32
          scf.for %parallel_loop3A_929 = %parallel_loop3A_926 to %parallel_loop3A_927 step %parallel_loop3A_928  : i32 {
            %parallel_loop3A_930 = arith.constant 16 : i32
            %parallel_loop3A_931 = arith.muli %parallel_loop3A_929, %parallel_loop3A_930 : i32
            %parallel_loop3A_932 = arith.index_cast %parallel_loop3A_911 : i32 to index
            %parallel_loop3A_933 = arith.index_cast %parallel_loop3A_931 : i32 to index
            %parallel_loop3A_934 = tpu.vector_load %arg12[%parallel_loop3A_932, %parallel_loop3A_933] {strides = array<i32>} : memref<16x768xf32, #tpu.memory_space<vmem>>, vector<16xf32>,
            %parallel_loop3A_935 = arith.constant 16 : i32
            %parallel_loop3A_936 = arith.muli %parallel_loop3A_929, %parallel_loop3A_935 : i32
            %parallel_loop3A_937 = arith.constant 64 : i32
            %parallel_loop3A_938 = arith.constant 0 : i32
            %parallel_loop3A_939 = tpu.memref_slice %arg11[%parallel_loop3A_937, %parallel_loop3A_938] : memref<128x768xf32, #tpu.memory_space<vmem>> -> memref<16x768xf32, #tpu.memory_space<vmem>>
            %parallel_loop3A_940 = arith.index_cast %parallel_loop3A_911 : i32 to index
            %parallel_loop3A_941 = arith.index_cast %parallel_loop3A_936 : i32 to index
            %parallel_loop3A_942 = tpu.vector_load %parallel_loop3A_939[%parallel_loop3A_940, %parallel_loop3A_941] {strides = array<i32>} : memref<16x768xf32, #tpu.memory_space<vmem>>, vector<16xf32>,
            tpu.vector_store %parallel_loop3A_939[%parallel_loop3A_940, %parallel_loop3A_941], %parallel_loop3A_934 {strides = array<i32>} : memref<16x768xf32, #tpu.memory_space<vmem>>, vector<16xf32>,
          } {sc.loop_unroll_factor = 4 : i64, sc.parallel_access}
        } else {
        }
      } {sc.loop_unroll_factor = 1 : i64, sc.parallel_access}
    } else {
    }
    %mul3A_629 = arith.constant 4 : i32
    %mul3A_630 = arith.muli %add3A, %mul3A_629 : i32
    %add3A_631 = arith.constant 2 : i32
    %add3A_632 = arith.addi %mul3A_630, %add3A_631 : i32
    %dma_start3A_633 = arith.constant 64 : i32
    %dma_start3A_634 = arith.constant 0 : i32
    %dma_start3A_635 = tpu.memref_slice %arg11[%dma_start3A_633, %dma_start3A_634] : memref<128x768xf32, #tpu.memory_space<vmem>> -> memref<16x768xf32, #tpu.memory_space<vmem>>
    %dma_start3A_636 = arith.constant 0 : i32
    %dma_start3A_637 = arith.constant 0 : i32
    %dma_start3A_638 = tpu.memref_slice %arg5[%add3A_632, %dma_start3A_636, %dma_start3A_637] : memref<128x32x768xf32, #tpu.memory_space<hbm>> -> memref<1x16x768xf32, #tpu.memory_space<hbm>>
    %dma_start3A_639 = tpu.memref_squeeze %dma_start3A_638 : memref<1x16x768xf32, #tpu.memory_space<hbm>> -> memref<16x768xf32, #tpu.memory_space<hbm>>
    %dma_start3A_640 = arith.constant 0 : i32
    %dma_start3A_641 = arith.constant 0 : i32
    %dma_start3A_642 = tpu.memref_slice %arg5[%add3A_632, %dma_start3A_640, %dma_start3A_641] : memref<128x32x768xf32, #tpu.memory_space<hbm>> -> memref<1x16x768xf32, #tpu.memory_space<hbm>>
    %dma_start3A_643 = tpu.memref_squeeze %dma_start3A_642 : memref<1x16x768xf32, #tpu.memory_space<hbm>> -> memref<16x768xf32, #tpu.memory_space<hbm>>
    %dma_start3A_644 = arith.constant 64 : i32
    %dma_start3A_645 = arith.constant 0 : i32
    %dma_start3A_646 = tpu.memref_slice %arg11[%dma_start3A_644, %dma_start3A_645] : memref<128x768xf32, #tpu.memory_space<vmem>> -> memref<16x768xf32, #tpu.memory_space<vmem>>
    tpu.enqueue_dma source(%dma_start3A_646 : memref<16x768xf32, #tpu.memory_space<vmem>>) target(%dma_start3A_643 : memref<16x768xf32, #tpu.memory_space<hbm>>) target_semaphore(%arg27 : memref<!tpu.dma_semaphore, #tpu.memory_space<semaphore_mem>>)
    %dma_wait3A_647 = arith.constant 80 : i32
    %dma_wait3A_648 = arith.constant 0 : i32
    %dma_wait3A_649 = tpu.memref_slice %arg11[%dma_wait3A_647, %dma_wait3A_648] : memref<128x768xf32, #tpu.memory_space<vmem>> -> memref<16x768xf32, #tpu.memory_space<vmem>>
    %dma_wait3A_650 = arith.constant 80 : i32
    %dma_wait3A_651 = tpu.memref_slice %arg9[%dma_wait3A_650] : memref<128xi32, #tpu.memory_space<vmem>> -> memref<16xi32, #tpu.memory_space<vmem>>
    %dma_wait3A_652 = arith.constant 0 : i32
    %dma_wait3A_653 = arith.constant 0 : i32
    %dma_wait3A_654 = tpu.memref_slice %arg2[%dma_wait3A_652, %dma_wait3A_653] : memref<5000x768xf32, #tpu.memory_space<hbm>> -> memref<5000x768xf32, #tpu.memory_space<hbm>>
    tpu.wait_indirect_dma semaphore(%arg20 : memref<!tpu.dma_semaphore, #tpu.memory_space<semaphore_mem>>) src(%dma_wait3A_654 : memref<5000x768xf32, #tpu.memory_space<hbm>>) dst(%dma_wait3A_649 : memref<16x768xf32, #tpu.memory_space<vmem>>)
    %get3A_655 = arith.constant 80 : index
    %get3A_656 = tpu.vector_load %arg8[%get3A_655] {strides = array<i32>} : memref<128xi32, #tpu.memory_space<vmem>>, vector<16xi32>,
    %convert_element_type3A_657 = arith.sitofp %get3A_656 : vector<16xi32> to vector<16xf32>
    %ge3A_658 = arith.constant 5.000000e+03 : f32
    %ge3A_659 = vector.broadcast %ge3A_658 : f32 to vector<16xf32>
    %ge3A_660 = arith.cmpf oge, %convert_element_type3A_657, %ge3A_659 : vector<16xf32>
    %jit3A_661 = arith.constant 1.000000e+00 : f32
    %jit3A_662 = arith.constant 0.000000e+00 : f32
    %broadcast_in_dim3A_663 = vector.broadcast %jit3A_661 : f32 to vector<16xf32>
    %broadcast_in_dim3A_664 = vector.broadcast %jit3A_662 : f32 to vector<16xf32>
    %select_n3A_665 = arith.select %ge3A_660, %broadcast_in_dim3A_663, %broadcast_in_dim3A_664 : vector<16xi1>, vector<16xf32>
    %reduce_sum3A_666 = arith.constant true
    %reduce_sum3A_667 = vector.broadcast %reduce_sum3A_666 : i1 to vector<16xi1>
    %reduce_sum3A_668 = tpu.scan <sum>, %select_n3A_665 masked %reduce_sum3A_667 : vector<16xf32>, vector<16xi1> -> vector<16xf32>
    %reduce_sum3A_669 = vector.extract %reduce_sum3A_668[15] : f32 from vector<16xf32>
    %gt3A_670 = arith.constant 5.000000e-01 : f32
    %gt3A_671 = arith.cmpf ogt, %reduce_sum3A_669, %gt3A_670 : f32
    %convert_element_type3A_672 = arith.extui %gt3A_671 : i1 to i32
    %cond3A_673 = arith.constant 0 : i32
    %cond3A_674 = arith.cmpi ne, %convert_element_type3A_672, %cond3A_673 : i32
    scf.if %cond3A_674 {
      %dma_start3A_899 = arith.constant 80 : i32
      %dma_start3A_900 = tpu.memref_slice %arg10[%dma_start3A_899] : memref<128xi32, #tpu.memory_space<vmem>> -> memref<16xi32, #tpu.memory_space<vmem>>
      %dma_start3A_901 = arith.constant 0 : i32
      %dma_start3A_902 = arith.constant 0 : i32
      %dma_start3A_903 = tpu.memref_slice %arg4[%dma_start3A_901, %dma_start3A_902] : memref<6400x768xf32, #tpu.memory_space<hbm>> -> memref<6400x768xf32, #tpu.memory_space<hbm>>
      tpu.enqueue_indirect_dma source(%dma_start3A_903 : memref<6400x768xf32, #tpu.memory_space<hbm>>) target(%arg12 : memref<16x768xf32, #tpu.memory_space<vmem>>) offsets(%dma_start3A_900 : memref<16xi32, #tpu.memory_space<vmem>>) semaphore(%arg14 : memref<!tpu.dma_semaphore, #tpu.memory_space<semaphore_mem>>)
      %dma_wait3A_904 = arith.constant 80 : i32
      %dma_wait3A_905 = tpu.memref_slice %arg10[%dma_wait3A_904] : memref<128xi32, #tpu.memory_space<vmem>> -> memref<16xi32, #tpu.memory_space<vmem>>
      %dma_wait3A_906 = arith.constant 0 : i32
      %dma_wait3A_907 = arith.constant 0 : i32
      %dma_wait3A_908 = tpu.memref_slice %arg4[%dma_wait3A_906, %dma_wait3A_907] : memref<6400x768xf32, #tpu.memory_space<hbm>> -> memref<6400x768xf32, #tpu.memory_space<hbm>>
      tpu.wait_indirect_dma semaphore(%arg14 : memref<!tpu.dma_semaphore, #tpu.memory_space<semaphore_mem>>) src(%dma_wait3A_908 : memref<6400x768xf32, #tpu.memory_space<hbm>>) dst(%arg12 : memref<16x768xf32, #tpu.memory_space<vmem>>)
      %parallel_loop3A = arith.constant 0 : i32
      %parallel_loop3A_909 = arith.constant 16 : i32
      %parallel_loop3A_910 = arith.constant 1 : i32
      scf.for %parallel_loop3A_911 = %parallel_loop3A to %parallel_loop3A_909 step %parallel_loop3A_910  : i32 {
        %parallel_loop3A_912 = vector.broadcast %parallel_loop3A_911 : i32 to vector<16xi32>
        %parallel_loop3A_913 = arith.cmpi eq, %iota3A, %parallel_loop3A_912 : vector<16xi32>
        %parallel_loop3A_914 = arith.constant 0.000000e+00 : f32
        %parallel_loop3A_915 = vector.broadcast %parallel_loop3A_914 : f32 to vector<16xf32>
        %parallel_loop3A_916 = arith.select %parallel_loop3A_913, %convert_element_type3A_657, %parallel_loop3A_915 : vector<16xi1>, vector<16xf32>
        %parallel_loop3A_917 = arith.constant true
        %parallel_loop3A_918 = vector.broadcast %parallel_loop3A_917 : i1 to vector<16xi1>
        %parallel_loop3A_919 = tpu.scan <sum>, %parallel_loop3A_916 masked %parallel_loop3A_918 : vector<16xf32>, vector<16xi1> -> vector<16xf32>
        %parallel_loop3A_920 = vector.extract %parallel_loop3A_919[15] : f32 from vector<16xf32>
        %parallel_loop3A_921 = arith.constant 5.000000e+03 : f32
        %parallel_loop3A_922 = arith.cmpf oge, %parallel_loop3A_920, %parallel_loop3A_921 : f32
        %parallel_loop3A_923 = arith.extui %parallel_loop3A_922 : i1 to i32
        %parallel_loop3A_924 = arith.constant 0 : i32
        %parallel_loop3A_925 = arith.cmpi ne, %parallel_loop3A_923, %parallel_loop3A_924 : i32
        scf.if %parallel_loop3A_925 {
          %parallel_loop3A_926 = arith.constant 0 : i32
          %parallel_loop3A_927 = arith.constant 48 : i32
          %parallel_loop3A_928 = arith.constant 1 : i32
          scf.for %parallel_loop3A_929 = %parallel_loop3A_926 to %parallel_loop3A_927 step %parallel_loop3A_928  : i32 {
            %parallel_loop3A_930 = arith.constant 16 : i32
            %parallel_loop3A_931 = arith.muli %parallel_loop3A_929, %parallel_loop3A_930 : i32
            %parallel_loop3A_932 = arith.index_cast %parallel_loop3A_911 : i32 to index
            %parallel_loop3A_933 = arith.index_cast %parallel_loop3A_931 : i32 to index
            %parallel_loop3A_934 = tpu.vector_load %arg12[%parallel_loop3A_932, %parallel_loop3A_933] {strides = array<i32>} : memref<16x768xf32, #tpu.memory_space<vmem>>, vector<16xf32>,
            %parallel_loop3A_935 = arith.constant 16 : i32
            %parallel_loop3A_936 = arith.muli %parallel_loop3A_929, %parallel_loop3A_935 : i32
            %parallel_loop3A_937 = arith.constant 80 : i32
            %parallel_loop3A_938 = arith.constant 0 : i32
            %parallel_loop3A_939 = tpu.memref_slice %arg11[%parallel_loop3A_937, %parallel_loop3A_938] : memref<128x768xf32, #tpu.memory_space<vmem>> -> memref<16x768xf32, #tpu.memory_space<vmem>>
            %parallel_loop3A_940 = arith.index_cast %parallel_loop3A_911 : i32 to index
            %parallel_loop3A_941 = arith.index_cast %parallel_loop3A_936 : i32 to index
            %parallel_loop3A_942 = tpu.vector_load %parallel_loop3A_939[%parallel_loop3A_940, %parallel_loop3A_941] {strides = array<i32>} : memref<16x768xf32, #tpu.memory_space<vmem>>, vector<16xf32>,
            tpu.vector_store %parallel_loop3A_939[%parallel_loop3A_940, %parallel_loop3A_941], %parallel_loop3A_934 {strides = array<i32>} : memref<16x768xf32, #tpu.memory_space<vmem>>, vector<16xf32>,
          } {sc.loop_unroll_factor = 4 : i64, sc.parallel_access}
        } else {
        }
      } {sc.loop_unroll_factor = 1 : i64, sc.parallel_access}
    } else {
    }
    %mul3A_675 = arith.constant 4 : i32
    %mul3A_676 = arith.muli %add3A, %mul3A_675 : i32
    %add3A_677 = arith.constant 2 : i32
    %add3A_678 = arith.addi %mul3A_676, %add3A_677 : i32
    %dma_start3A_679 = arith.constant 80 : i32
    %dma_start3A_680 = arith.constant 0 : i32
    %dma_start3A_681 = tpu.memref_slice %arg11[%dma_start3A_679, %dma_start3A_680] : memref<128x768xf32, #tpu.memory_space<vmem>> -> memref<16x768xf32, #tpu.memory_space<vmem>>
    %dma_start3A_682 = arith.constant 16 : i32
    %dma_start3A_683 = arith.constant 0 : i32
    %dma_start3A_684 = tpu.memref_slice %arg5[%add3A_678, %dma_start3A_682, %dma_start3A_683] : memref<128x32x768xf32, #tpu.memory_space<hbm>> -> memref<1x16x768xf32, #tpu.memory_space<hbm>>
    %dma_start3A_685 = tpu.memref_squeeze %dma_start3A_684 : memref<1x16x768xf32, #tpu.memory_space<hbm>> -> memref<16x768xf32, #tpu.memory_space<hbm>>
    %dma_start3A_686 = arith.constant 16 : i32
    %dma_start3A_687 = arith.constant 0 : i32
    %dma_start3A_688 = tpu.memref_slice %arg5[%add3A_678, %dma_start3A_686, %dma_start3A_687] : memref<128x32x768xf32, #tpu.memory_space<hbm>> -> memref<1x16x768xf32, #tpu.memory_space<hbm>>
    %dma_start3A_689 = tpu.memref_squeeze %dma_start3A_688 : memref<1x16x768xf32, #tpu.memory_space<hbm>> -> memref<16x768xf32, #tpu.memory_space<hbm>>
    %dma_start3A_690 = arith.constant 80 : i32
    %dma_start3A_691 = arith.constant 0 : i32
    %dma_start3A_692 = tpu.memref_slice %arg11[%dma_start3A_690, %dma_start3A_691] : memref<128x768xf32, #tpu.memory_space<vmem>> -> memref<16x768xf32, #tpu.memory_space<vmem>>
    tpu.enqueue_dma source(%dma_start3A_692 : memref<16x768xf32, #tpu.memory_space<vmem>>) target(%dma_start3A_689 : memref<16x768xf32, #tpu.memory_space<hbm>>) target_semaphore(%arg28 : memref<!tpu.dma_semaphore, #tpu.memory_space<semaphore_mem>>)
    %dma_wait3A_693 = arith.constant 96 : i32
    %dma_wait3A_694 = arith.constant 0 : i32
    %dma_wait3A_695 = tpu.memref_slice %arg11[%dma_wait3A_693, %dma_wait3A_694] : memref<128x768xf32, #tpu.memory_space<vmem>> -> memref<16x768xf32, #tpu.memory_space<vmem>>
    %dma_wait3A_696 = arith.constant 96 : i32
    %dma_wait3A_697 = tpu.memref_slice %arg9[%dma_wait3A_696] : memref<128xi32, #tpu.memory_space<vmem>> -> memref<16xi32, #tpu.memory_space<vmem>>
    %dma_wait3A_698 = arith.constant 0 : i32
    %dma_wait3A_699 = arith.constant 0 : i32
    %dma_wait3A_700 = tpu.memref_slice %arg2[%dma_wait3A_698, %dma_wait3A_699] : memref<5000x768xf32, #tpu.memory_space<hbm>> -> memref<5000x768xf32, #tpu.memory_space<hbm>>
    tpu.wait_indirect_dma semaphore(%arg21 : memref<!tpu.dma_semaphore, #tpu.memory_space<semaphore_mem>>) src(%dma_wait3A_700 : memref<5000x768xf32, #tpu.memory_space<hbm>>) dst(%dma_wait3A_695 : memref<16x768xf32, #tpu.memory_space<vmem>>)
    %get3A_701 = arith.constant 96 : index
    %get3A_702 = tpu.vector_load %arg8[%get3A_701] {strides = array<i32>} : memref<128xi32, #tpu.memory_space<vmem>>, vector<16xi32>,
    %convert_element_type3A_703 = arith.sitofp %get3A_702 : vector<16xi32> to vector<16xf32>
    %ge3A_704 = arith.constant 5.000000e+03 : f32
    %ge3A_705 = vector.broadcast %ge3A_704 : f32 to vector<16xf32>
    %ge3A_706 = arith.cmpf oge, %convert_element_type3A_703, %ge3A_705 : vector<16xf32>
    %jit3A_707 = arith.constant 1.000000e+00 : f32
    %jit3A_708 = arith.constant 0.000000e+00 : f32
    %broadcast_in_dim3A_709 = vector.broadcast %jit3A_707 : f32 to vector<16xf32>
    %broadcast_in_dim3A_710 = vector.broadcast %jit3A_708 : f32 to vector<16xf32>
    %select_n3A_711 = arith.select %ge3A_706, %broadcast_in_dim3A_709, %broadcast_in_dim3A_710 : vector<16xi1>, vector<16xf32>
    %reduce_sum3A_712 = arith.constant true
    %reduce_sum3A_713 = vector.broadcast %reduce_sum3A_712 : i1 to vector<16xi1>
    %reduce_sum3A_714 = tpu.scan <sum>, %select_n3A_711 masked %reduce_sum3A_713 : vector<16xf32>, vector<16xi1> -> vector<16xf32>
    %reduce_sum3A_715 = vector.extract %reduce_sum3A_714[15] : f32 from vector<16xf32>
    %gt3A_716 = arith.constant 5.000000e-01 : f32
    %gt3A_717 = arith.cmpf ogt, %reduce_sum3A_715, %gt3A_716 : f32
    %convert_element_type3A_718 = arith.extui %gt3A_717 : i1 to i32
    %cond3A_719 = arith.constant 0 : i32
    %cond3A_720 = arith.cmpi ne, %convert_element_type3A_718, %cond3A_719 : i32
    scf.if %cond3A_720 {
      %dma_start3A_899 = arith.constant 96 : i32
      %dma_start3A_900 = tpu.memref_slice %arg10[%dma_start3A_899] : memref<128xi32, #tpu.memory_space<vmem>> -> memref<16xi32, #tpu.memory_space<vmem>>
      %dma_start3A_901 = arith.constant 0 : i32
      %dma_start3A_902 = arith.constant 0 : i32
      %dma_start3A_903 = tpu.memref_slice %arg4[%dma_start3A_901, %dma_start3A_902] : memref<6400x768xf32, #tpu.memory_space<hbm>> -> memref<6400x768xf32, #tpu.memory_space<hbm>>
      tpu.enqueue_indirect_dma source(%dma_start3A_903 : memref<6400x768xf32, #tpu.memory_space<hbm>>) target(%arg12 : memref<16x768xf32, #tpu.memory_space<vmem>>) offsets(%dma_start3A_900 : memref<16xi32, #tpu.memory_space<vmem>>) semaphore(%arg14 : memref<!tpu.dma_semaphore, #tpu.memory_space<semaphore_mem>>)
      %dma_wait3A_904 = arith.constant 96 : i32
      %dma_wait3A_905 = tpu.memref_slice %arg10[%dma_wait3A_904] : memref<128xi32, #tpu.memory_space<vmem>> -> memref<16xi32, #tpu.memory_space<vmem>>
      %dma_wait3A_906 = arith.constant 0 : i32
      %dma_wait3A_907 = arith.constant 0 : i32
      %dma_wait3A_908 = tpu.memref_slice %arg4[%dma_wait3A_906, %dma_wait3A_907] : memref<6400x768xf32, #tpu.memory_space<hbm>> -> memref<6400x768xf32, #tpu.memory_space<hbm>>
      tpu.wait_indirect_dma semaphore(%arg14 : memref<!tpu.dma_semaphore, #tpu.memory_space<semaphore_mem>>) src(%dma_wait3A_908 : memref<6400x768xf32, #tpu.memory_space<hbm>>) dst(%arg12 : memref<16x768xf32, #tpu.memory_space<vmem>>)
      %parallel_loop3A = arith.constant 0 : i32
      %parallel_loop3A_909 = arith.constant 16 : i32
      %parallel_loop3A_910 = arith.constant 1 : i32
      scf.for %parallel_loop3A_911 = %parallel_loop3A to %parallel_loop3A_909 step %parallel_loop3A_910  : i32 {
        %parallel_loop3A_912 = vector.broadcast %parallel_loop3A_911 : i32 to vector<16xi32>
        %parallel_loop3A_913 = arith.cmpi eq, %iota3A, %parallel_loop3A_912 : vector<16xi32>
        %parallel_loop3A_914 = arith.constant 0.000000e+00 : f32
        %parallel_loop3A_915 = vector.broadcast %parallel_loop3A_914 : f32 to vector<16xf32>
        %parallel_loop3A_916 = arith.select %parallel_loop3A_913, %convert_element_type3A_703, %parallel_loop3A_915 : vector<16xi1>, vector<16xf32>
        %parallel_loop3A_917 = arith.constant true
        %parallel_loop3A_918 = vector.broadcast %parallel_loop3A_917 : i1 to vector<16xi1>
        %parallel_loop3A_919 = tpu.scan <sum>, %parallel_loop3A_916 masked %parallel_loop3A_918 : vector<16xf32>, vector<16xi1> -> vector<16xf32>
        %parallel_loop3A_920 = vector.extract %parallel_loop3A_919[15] : f32 from vector<16xf32>
        %parallel_loop3A_921 = arith.constant 5.000000e+03 : f32
        %parallel_loop3A_922 = arith.cmpf oge, %parallel_loop3A_920, %parallel_loop3A_921 : f32
        %parallel_loop3A_923 = arith.extui %parallel_loop3A_922 : i1 to i32
        %parallel_loop3A_924 = arith.constant 0 : i32
        %parallel_loop3A_925 = arith.cmpi ne, %parallel_loop3A_923, %parallel_loop3A_924 : i32
        scf.if %parallel_loop3A_925 {
          %parallel_loop3A_926 = arith.constant 0 : i32
          %parallel_loop3A_927 = arith.constant 48 : i32
          %parallel_loop3A_928 = arith.constant 1 : i32
          scf.for %parallel_loop3A_929 = %parallel_loop3A_926 to %parallel_loop3A_927 step %parallel_loop3A_928  : i32 {
            %parallel_loop3A_930 = arith.constant 16 : i32
            %parallel_loop3A_931 = arith.muli %parallel_loop3A_929, %parallel_loop3A_930 : i32
            %parallel_loop3A_932 = arith.index_cast %parallel_loop3A_911 : i32 to index
            %parallel_loop3A_933 = arith.index_cast %parallel_loop3A_931 : i32 to index
            %parallel_loop3A_934 = tpu.vector_load %arg12[%parallel_loop3A_932, %parallel_loop3A_933] {strides = array<i32>} : memref<16x768xf32, #tpu.memory_space<vmem>>, vector<16xf32>,
            %parallel_loop3A_935 = arith.constant 16 : i32
            %parallel_loop3A_936 = arith.muli %parallel_loop3A_929, %parallel_loop3A_935 : i32
            %parallel_loop3A_937 = arith.constant 96 : i32
            %parallel_loop3A_938 = arith.constant 0 : i32
            %parallel_loop3A_939 = tpu.memref_slice %arg11[%parallel_loop3A_937, %parallel_loop3A_938] : memref<128x768xf32, #tpu.memory_space<vmem>> -> memref<16x768xf32, #tpu.memory_space<vmem>>
            %parallel_loop3A_940 = arith.index_cast %parallel_loop3A_911 : i32 to index
            %parallel_loop3A_941 = arith.index_cast %parallel_loop3A_936 : i32 to index
            %parallel_loop3A_942 = tpu.vector_load %parallel_loop3A_939[%parallel_loop3A_940, %parallel_loop3A_941] {strides = array<i32>} : memref<16x768xf32, #tpu.memory_space<vmem>>, vector<16xf32>,
            tpu.vector_store %parallel_loop3A_939[%parallel_loop3A_940, %parallel_loop3A_941], %parallel_loop3A_934 {strides = array<i32>} : memref<16x768xf32, #tpu.memory_space<vmem>>, vector<16xf32>,
          } {sc.loop_unroll_factor = 4 : i64, sc.parallel_access}
        } else {
        }
      } {sc.loop_unroll_factor = 1 : i64, sc.parallel_access}
    } else {
    }
    %mul3A_721 = arith.constant 4 : i32
    %mul3A_722 = arith.muli %add3A, %mul3A_721 : i32
    %add3A_723 = arith.constant 3 : i32
    %add3A_724 = arith.addi %mul3A_722, %add3A_723 : i32
    %dma_start3A_725 = arith.constant 96 : i32
    %dma_start3A_726 = arith.constant 0 : i32
    %dma_start3A_727 = tpu.memref_slice %arg11[%dma_start3A_725, %dma_start3A_726] : memref<128x768xf32, #tpu.memory_space<vmem>> -> memref<16x768xf32, #tpu.memory_space<vmem>>
    %dma_start3A_728 = arith.constant 0 : i32
    %dma_start3A_729 = arith.constant 0 : i32
    %dma_start3A_730 = tpu.memref_slice %arg5[%add3A_724, %dma_start3A_728, %dma_start3A_729] : memref<128x32x768xf32, #tpu.memory_space<hbm>> -> memref<1x16x768xf32, #tpu.memory_space<hbm>>
    %dma_start3A_731 = tpu.memref_squeeze %dma_start3A_730 : memref<1x16x768xf32, #tpu.memory_space<hbm>> -> memref<16x768xf32, #tpu.memory_space<hbm>>
    %dma_start3A_732 = arith.constant 0 : i32
    %dma_start3A_733 = arith.constant 0 : i32
    %dma_start3A_734 = tpu.memref_slice %arg5[%add3A_724, %dma_start3A_732, %dma_start3A_733] : memref<128x32x768xf32, #tpu.memory_space<hbm>> -> memref<1x16x768xf32, #tpu.memory_space<hbm>>
    %dma_start3A_735 = tpu.memref_squeeze %dma_start3A_734 : memref<1x16x768xf32, #tpu.memory_space<hbm>> -> memref<16x768xf32, #tpu.memory_space<hbm>>
    %dma_start3A_736 = arith.constant 96 : i32
    %dma_start3A_737 = arith.constant 0 : i32
    %dma_start3A_738 = tpu.memref_slice %arg11[%dma_start3A_736, %dma_start3A_737] : memref<128x768xf32, #tpu.memory_space<vmem>> -> memref<16x768xf32, #tpu.memory_space<vmem>>
    tpu.enqueue_dma source(%dma_start3A_738 : memref<16x768xf32, #tpu.memory_space<vmem>>) target(%dma_start3A_735 : memref<16x768xf32, #tpu.memory_space<hbm>>) target_semaphore(%arg29 : memref<!tpu.dma_semaphore, #tpu.memory_space<semaphore_mem>>)
    %dma_wait3A_739 = arith.constant 112 : i32
    %dma_wait3A_740 = arith.constant 0 : i32
    %dma_wait3A_741 = tpu.memref_slice %arg11[%dma_wait3A_739, %dma_wait3A_740] : memref<128x768xf32, #tpu.memory_space<vmem>> -> memref<16x768xf32, #tpu.memory_space<vmem>>
    %dma_wait3A_742 = arith.constant 112 : i32
    %dma_wait3A_743 = tpu.memref_slice %arg9[%dma_wait3A_742] : memref<128xi32, #tpu.memory_space<vmem>> -> memref<16xi32, #tpu.memory_space<vmem>>
    %dma_wait3A_744 = arith.constant 0 : i32
    %dma_wait3A_745 = arith.constant 0 : i32
    %dma_wait3A_746 = tpu.memref_slice %arg2[%dma_wait3A_744, %dma_wait3A_745] : memref<5000x768xf32, #tpu.memory_space<hbm>> -> memref<5000x768xf32, #tpu.memory_space<hbm>>
    tpu.wait_indirect_dma semaphore(%arg22 : memref<!tpu.dma_semaphore, #tpu.memory_space<semaphore_mem>>) src(%dma_wait3A_746 : memref<5000x768xf32, #tpu.memory_space<hbm>>) dst(%dma_wait3A_741 : memref<16x768xf32, #tpu.memory_space<vmem>>)
    %get3A_747 = arith.constant 112 : index
    %get3A_748 = tpu.vector_load %arg8[%get3A_747] {strides = array<i32>} : memref<128xi32, #tpu.memory_space<vmem>>, vector<16xi32>,
    %convert_element_type3A_749 = arith.sitofp %get3A_748 : vector<16xi32> to vector<16xf32>
    %ge3A_750 = arith.constant 5.000000e+03 : f32
    %ge3A_751 = vector.broadcast %ge3A_750 : f32 to vector<16xf32>
    %ge3A_752 = arith.cmpf oge, %convert_element_type3A_749, %ge3A_751 : vector<16xf32>
    %jit3A_753 = arith.constant 1.000000e+00 : f32
    %jit3A_754 = arith.constant 0.000000e+00 : f32
    %broadcast_in_dim3A_755 = vector.broadcast %jit3A_753 : f32 to vector<16xf32>
    %broadcast_in_dim3A_756 = vector.broadcast %jit3A_754 : f32 to vector<16xf32>
    %select_n3A_757 = arith.select %ge3A_752, %broadcast_in_dim3A_755, %broadcast_in_dim3A_756 : vector<16xi1>, vector<16xf32>
    %reduce_sum3A_758 = arith.constant true
    %reduce_sum3A_759 = vector.broadcast %reduce_sum3A_758 : i1 to vector<16xi1>
    %reduce_sum3A_760 = tpu.scan <sum>, %select_n3A_757 masked %reduce_sum3A_759 : vector<16xf32>, vector<16xi1> -> vector<16xf32>
    %reduce_sum3A_761 = vector.extract %reduce_sum3A_760[15] : f32 from vector<16xf32>
    %gt3A_762 = arith.constant 5.000000e-01 : f32
    %gt3A_763 = arith.cmpf ogt, %reduce_sum3A_761, %gt3A_762 : f32
    %convert_element_type3A_764 = arith.extui %gt3A_763 : i1 to i32
    %cond3A_765 = arith.constant 0 : i32
    %cond3A_766 = arith.cmpi ne, %convert_element_type3A_764, %cond3A_765 : i32
    scf.if %cond3A_766 {
      %dma_start3A_899 = arith.constant 112 : i32
      %dma_start3A_900 = tpu.memref_slice %arg10[%dma_start3A_899] : memref<128xi32, #tpu.memory_space<vmem>> -> memref<16xi32, #tpu.memory_space<vmem>>
      %dma_start3A_901 = arith.constant 0 : i32
      %dma_start3A_902 = arith.constant 0 : i32
      %dma_start3A_903 = tpu.memref_slice %arg4[%dma_start3A_901, %dma_start3A_902] : memref<6400x768xf32, #tpu.memory_space<hbm>> -> memref<6400x768xf32, #tpu.memory_space<hbm>>
      tpu.enqueue_indirect_dma source(%dma_start3A_903 : memref<6400x768xf32, #tpu.memory_space<hbm>>) target(%arg12 : memref<16x768xf32, #tpu.memory_space<vmem>>) offsets(%dma_start3A_900 : memref<16xi32, #tpu.memory_space<vmem>>) semaphore(%arg14 : memref<!tpu.dma_semaphore, #tpu.memory_space<semaphore_mem>>)
      %dma_wait3A_904 = arith.constant 112 : i32
      %dma_wait3A_905 = tpu.memref_slice %arg10[%dma_wait3A_904] : memref<128xi32, #tpu.memory_space<vmem>> -> memref<16xi32, #tpu.memory_space<vmem>>
      %dma_wait3A_906 = arith.constant 0 : i32
      %dma_wait3A_907 = arith.constant 0 : i32
      %dma_wait3A_908 = tpu.memref_slice %arg4[%dma_wait3A_906, %dma_wait3A_907] : memref<6400x768xf32, #tpu.memory_space<hbm>> -> memref<6400x768xf32, #tpu.memory_space<hbm>>
      tpu.wait_indirect_dma semaphore(%arg14 : memref<!tpu.dma_semaphore, #tpu.memory_space<semaphore_mem>>) src(%dma_wait3A_908 : memref<6400x768xf32, #tpu.memory_space<hbm>>) dst(%arg12 : memref<16x768xf32, #tpu.memory_space<vmem>>)
      %parallel_loop3A = arith.constant 0 : i32
      %parallel_loop3A_909 = arith.constant 16 : i32
      %parallel_loop3A_910 = arith.constant 1 : i32
      scf.for %parallel_loop3A_911 = %parallel_loop3A to %parallel_loop3A_909 step %parallel_loop3A_910  : i32 {
        %parallel_loop3A_912 = vector.broadcast %parallel_loop3A_911 : i32 to vector<16xi32>
        %parallel_loop3A_913 = arith.cmpi eq, %iota3A, %parallel_loop3A_912 : vector<16xi32>
        %parallel_loop3A_914 = arith.constant 0.000000e+00 : f32
        %parallel_loop3A_915 = vector.broadcast %parallel_loop3A_914 : f32 to vector<16xf32>
        %parallel_loop3A_916 = arith.select %parallel_loop3A_913, %convert_element_type3A_749, %parallel_loop3A_915 : vector<16xi1>, vector<16xf32>
        %parallel_loop3A_917 = arith.constant true
        %parallel_loop3A_918 = vector.broadcast %parallel_loop3A_917 : i1 to vector<16xi1>
        %parallel_loop3A_919 = tpu.scan <sum>, %parallel_loop3A_916 masked %parallel_loop3A_918 : vector<16xf32>, vector<16xi1> -> vector<16xf32>
        %parallel_loop3A_920 = vector.extract %parallel_loop3A_919[15] : f32 from vector<16xf32>
        %parallel_loop3A_921 = arith.constant 5.000000e+03 : f32
        %parallel_loop3A_922 = arith.cmpf oge, %parallel_loop3A_920, %parallel_loop3A_921 : f32
        %parallel_loop3A_923 = arith.extui %parallel_loop3A_922 : i1 to i32
        %parallel_loop3A_924 = arith.constant 0 : i32
        %parallel_loop3A_925 = arith.cmpi ne, %parallel_loop3A_923, %parallel_loop3A_924 : i32
        scf.if %parallel_loop3A_925 {
          %parallel_loop3A_926 = arith.constant 0 : i32
          %parallel_loop3A_927 = arith.constant 48 : i32
          %parallel_loop3A_928 = arith.constant 1 : i32
          scf.for %parallel_loop3A_929 = %parallel_loop3A_926 to %parallel_loop3A_927 step %parallel_loop3A_928  : i32 {
            %parallel_loop3A_930 = arith.constant 16 : i32
            %parallel_loop3A_931 = arith.muli %parallel_loop3A_929, %parallel_loop3A_930 : i32
            %parallel_loop3A_932 = arith.index_cast %parallel_loop3A_911 : i32 to index
            %parallel_loop3A_933 = arith.index_cast %parallel_loop3A_931 : i32 to index
            %parallel_loop3A_934 = tpu.vector_load %arg12[%parallel_loop3A_932, %parallel_loop3A_933] {strides = array<i32>} : memref<16x768xf32, #tpu.memory_space<vmem>>, vector<16xf32>,
            %parallel_loop3A_935 = arith.constant 16 : i32
            %parallel_loop3A_936 = arith.muli %parallel_loop3A_929, %parallel_loop3A_935 : i32
            %parallel_loop3A_937 = arith.constant 112 : i32
            %parallel_loop3A_938 = arith.constant 0 : i32
            %parallel_loop3A_939 = tpu.memref_slice %arg11[%parallel_loop3A_937, %parallel_loop3A_938] : memref<128x768xf32, #tpu.memory_space<vmem>> -> memref<16x768xf32, #tpu.memory_space<vmem>>
            %parallel_loop3A_940 = arith.index_cast %parallel_loop3A_911 : i32 to index
            %parallel_loop3A_941 = arith.index_cast %parallel_loop3A_936 : i32 to index
            %parallel_loop3A_942 = tpu.vector_load %parallel_loop3A_939[%parallel_loop3A_940, %parallel_loop3A_941] {strides = array<i32>} : memref<16x768xf32, #tpu.memory_space<vmem>>, vector<16xf32>,
            tpu.vector_store %parallel_loop3A_939[%parallel_loop3A_940, %parallel_loop3A_941], %parallel_loop3A_934 {strides = array<i32>} : memref<16x768xf32, #tpu.memory_space<vmem>>, vector<16xf32>,
          } {sc.loop_unroll_factor = 4 : i64, sc.parallel_access}
        } else {
        }
      } {sc.loop_unroll_factor = 1 : i64, sc.parallel_access}
    } else {
    }
    %mul3A_767 = arith.constant 4 : i32
    %mul3A_768 = arith.muli %add3A, %mul3A_767 : i32
    %add3A_769 = arith.constant 3 : i32
    %add3A_770 = arith.addi %mul3A_768, %add3A_769 : i32
    %dma_start3A_771 = arith.constant 112 : i32
    %dma_start3A_772 = arith.constant 0 : i32
    %dma_start3A_773 = tpu.memref_slice %arg11[%dma_start3A_771, %dma_start3A_772] : memref<128x768xf32, #tpu.memory_space<vmem>> -> memref<16x768xf32, #tpu.memory_space<vmem>>
    %dma_start3A_774 = arith.constant 16 : i32
    %dma_start3A_775 = arith.constant 0 : i32
    %dma_start3A_776 = tpu.memref_slice %arg5[%add3A_770, %dma_start3A_774, %dma_start3A_775] : memref<128x32x768xf32, #tpu.memory_space<hbm>> -> memref<1x16x768xf32, #tpu.memory_space<hbm>>
    %dma_start3A_777 = tpu.memref_squeeze %dma_start3A_776 : memref<1x16x768xf32, #tpu.memory_space<hbm>> -> memref<16x768xf32, #tpu.memory_space<hbm>>
    %dma_start3A_778 = arith.constant 16 : i32
    %dma_start3A_779 = arith.constant 0 : i32
    %dma_start3A_780 = tpu.memref_slice %arg5[%add3A_770, %dma_start3A_778, %dma_start3A_779] : memref<128x32x768xf32, #tpu.memory_space<hbm>> -> memref<1x16x768xf32, #tpu.memory_space<hbm>>
    %dma_start3A_781 = tpu.memref_squeeze %dma_start3A_780 : memref<1x16x768xf32, #tpu.memory_space<hbm>> -> memref<16x768xf32, #tpu.memory_space<hbm>>
    %dma_start3A_782 = arith.constant 112 : i32
    %dma_start3A_783 = arith.constant 0 : i32
    %dma_start3A_784 = tpu.memref_slice %arg11[%dma_start3A_782, %dma_start3A_783] : memref<128x768xf32, #tpu.memory_space<vmem>> -> memref<16x768xf32, #tpu.memory_space<vmem>>
    tpu.enqueue_dma source(%dma_start3A_784 : memref<16x768xf32, #tpu.memory_space<vmem>>) target(%dma_start3A_781 : memref<16x768xf32, #tpu.memory_space<hbm>>) target_semaphore(%arg30 : memref<!tpu.dma_semaphore, #tpu.memory_space<semaphore_mem>>)
    %mul3A_785 = arith.constant 4 : i32
    %mul3A_786 = arith.muli %add3A, %mul3A_785 : i32
    "tpu.region"() ({
      %run_scoped3A = tpu.sem_alloc : memref<!tpu.dma_semaphore, #tpu.memory_space<semaphore_mem>>
      %dma_start3A_899 = arith.constant 0 : i32
      %dma_start3A_900 = tpu.memref_slice %arg6[%mul3A_786, %dma_start3A_899] : memref<128x32xf32, #tpu.memory_space<hbm>> -> memref<4x32xf32, #tpu.memory_space<hbm>>
      %dma_start3A_901 = arith.constant 0 : i32
      %dma_start3A_902 = tpu.memref_slice %arg6[%mul3A_786, %dma_start3A_901] : memref<128x32xf32, #tpu.memory_space<hbm>> -> memref<4x32xf32, #tpu.memory_space<hbm>>
      tpu.enqueue_dma source(%arg13 : memref<4x32xf32, #tpu.memory_space<vmem>>) target(%dma_start3A_902 : memref<4x32xf32, #tpu.memory_space<hbm>>) target_semaphore(%run_scoped3A : memref<!tpu.dma_semaphore, #tpu.memory_space<semaphore_mem>>)
      %dma_wait3A_903 = arith.constant 0 : i32
      %dma_wait3A_904 = tpu.memref_slice %arg6[%mul3A_786, %dma_wait3A_903] : memref<128x32xf32, #tpu.memory_space<hbm>> -> memref<4x32xf32, #tpu.memory_space<hbm>>
      %dma_wait3A_905 = arith.constant 0 : i32
      %dma_wait3A_906 = tpu.memref_slice %arg6[%mul3A_786, %dma_wait3A_905] : memref<128x32xf32, #tpu.memory_space<hbm>> -> memref<4x32xf32, #tpu.memory_space<hbm>>
      tpu.wait_dma2 semaphore(%run_scoped3A : memref<!tpu.dma_semaphore, #tpu.memory_space<semaphore_mem>>) src(%arg13 : memref<4x32xf32, #tpu.memory_space<vmem>>) dst(%dma_wait3A_906 : memref<4x32xf32, #tpu.memory_space<hbm>>)
      tpu.yield
    }) : () -> ()
    %dma_wait3A_787 = arith.constant 0 : i32
    %dma_wait3A_788 = arith.constant 0 : i32
    %dma_wait3A_789 = tpu.memref_slice %arg11[%dma_wait3A_787, %dma_wait3A_788] : memref<128x768xf32, #tpu.memory_space<vmem>> -> memref<16x768xf32, #tpu.memory_space<vmem>>
    %dma_wait3A_790 = arith.constant 0 : i32
    %dma_wait3A_791 = arith.constant 0 : i32
    %dma_wait3A_792 = tpu.memref_slice %arg5[%add3A_448, %dma_wait3A_790, %dma_wait3A_791] : memref<128x32x768xf32, #tpu.memory_space<hbm>> -> memref<1x16x768xf32, #tpu.memory_space<hbm>>
    %dma_wait3A_793 = tpu.memref_squeeze %dma_wait3A_792 : memref<1x16x768xf32, #tpu.memory_space<hbm>> -> memref<16x768xf32, #tpu.memory_space<hbm>>
    %dma_wait3A_794 = arith.constant 0 : i32
    %dma_wait3A_795 = arith.constant 0 : i32
    %dma_wait3A_796 = tpu.memref_slice %arg5[%add3A_448, %dma_wait3A_794, %dma_wait3A_795] : memref<128x32x768xf32, #tpu.memory_space<hbm>> -> memref<1x16x768xf32, #tpu.memory_space<hbm>>
    %dma_wait3A_797 = tpu.memref_squeeze %dma_wait3A_796 : memref<1x16x768xf32, #tpu.memory_space<hbm>> -> memref<16x768xf32, #tpu.memory_space<hbm>>
    %dma_wait3A_798 = arith.constant 0 : i32
    %dma_wait3A_799 = arith.constant 0 : i32
    %dma_wait3A_800 = tpu.memref_slice %arg11[%dma_wait3A_798, %dma_wait3A_799] : memref<128x768xf32, #tpu.memory_space<vmem>> -> memref<16x768xf32, #tpu.memory_space<vmem>>
    tpu.wait_dma2 semaphore(%arg23 : memref<!tpu.dma_semaphore, #tpu.memory_space<semaphore_mem>>) src(%dma_wait3A_800 : memref<16x768xf32, #tpu.memory_space<vmem>>) dst(%dma_wait3A_797 : memref<16x768xf32, #tpu.memory_space<hbm>>)
    %dma_wait3A_801 = arith.constant 16 : i32
    %dma_wait3A_802 = arith.constant 0 : i32
    %dma_wait3A_803 = tpu.memref_slice %arg11[%dma_wait3A_801, %dma_wait3A_802] : memref<128x768xf32, #tpu.memory_space<vmem>> -> memref<16x768xf32, #tpu.memory_space<vmem>>
    %dma_wait3A_804 = arith.constant 16 : i32
    %dma_wait3A_805 = arith.constant 0 : i32
    %dma_wait3A_806 = tpu.memref_slice %arg5[%add3A_494, %dma_wait3A_804, %dma_wait3A_805] : memref<128x32x768xf32, #tpu.memory_space<hbm>> -> memref<1x16x768xf32, #tpu.memory_space<hbm>>
    %dma_wait3A_807 = tpu.memref_squeeze %dma_wait3A_806 : memref<1x16x768xf32, #tpu.memory_space<hbm>> -> memref<16x768xf32, #tpu.memory_space<hbm>>
    %dma_wait3A_808 = arith.constant 16 : i32
    %dma_wait3A_809 = arith.constant 0 : i32
    %dma_wait3A_810 = tpu.memref_slice %arg5[%add3A_494, %dma_wait3A_808, %dma_wait3A_809] : memref<128x32x768xf32, #tpu.memory_space<hbm>> -> memref<1x16x768xf32, #tpu.memory_space<hbm>>
    %dma_wait3A_811 = tpu.memref_squeeze %dma_wait3A_810 : memref<1x16x768xf32, #tpu.memory_space<hbm>> -> memref<16x768xf32, #tpu.memory_space<hbm>>
    %dma_wait3A_812 = arith.constant 16 : i32
    %dma_wait3A_813 = arith.constant 0 : i32
    %dma_wait3A_814 = tpu.memref_slice %arg11[%dma_wait3A_812, %dma_wait3A_813] : memref<128x768xf32, #tpu.memory_space<vmem>> -> memref<16x768xf32, #tpu.memory_space<vmem>>
    tpu.wait_dma2 semaphore(%arg24 : memref<!tpu.dma_semaphore, #tpu.memory_space<semaphore_mem>>) src(%dma_wait3A_814 : memref<16x768xf32, #tpu.memory_space<vmem>>) dst(%dma_wait3A_811 : memref<16x768xf32, #tpu.memory_space<hbm>>)
    %dma_wait3A_815 = arith.constant 32 : i32
    %dma_wait3A_816 = arith.constant 0 : i32
    %dma_wait3A_817 = tpu.memref_slice %arg11[%dma_wait3A_815, %dma_wait3A_816] : memref<128x768xf32, #tpu.memory_space<vmem>> -> memref<16x768xf32, #tpu.memory_space<vmem>>
    %dma_wait3A_818 = arith.constant 0 : i32
    %dma_wait3A_819 = arith.constant 0 : i32
    %dma_wait3A_820 = tpu.memref_slice %arg5[%add3A_540, %dma_wait3A_818, %dma_wait3A_819] : memref<128x32x768xf32, #tpu.memory_space<hbm>> -> memref<1x16x768xf32, #tpu.memory_space<hbm>>
    %dma_wait3A_821 = tpu.memref_squeeze %dma_wait3A_820 : memref<1x16x768xf32, #tpu.memory_space<hbm>> -> memref<16x768xf32, #tpu.memory_space<hbm>>
    %dma_wait3A_822 = arith.constant 0 : i32
    %dma_wait3A_823 = arith.constant 0 : i32
    %dma_wait3A_824 = tpu.memref_slice %arg5[%add3A_540, %dma_wait3A_822, %dma_wait3A_823] : memref<128x32x768xf32, #tpu.memory_space<hbm>> -> memref<1x16x768xf32, #tpu.memory_space<hbm>>
    %dma_wait3A_825 = tpu.memref_squeeze %dma_wait3A_824 : memref<1x16x768xf32, #tpu.memory_space<hbm>> -> memref<16x768xf32, #tpu.memory_space<hbm>>
    %dma_wait3A_826 = arith.constant 32 : i32
    %dma_wait3A_827 = arith.constant 0 : i32
    %dma_wait3A_828 = tpu.memref_slice %arg11[%dma_wait3A_826, %dma_wait3A_827] : memref<128x768xf32, #tpu.memory_space<vmem>> -> memref<16x768xf32, #tpu.memory_space<vmem>>
    tpu.wait_dma2 semaphore(%arg25 : memref<!tpu.dma_semaphore, #tpu.memory_space<semaphore_mem>>) src(%dma_wait3A_828 : memref<16x768xf32, #tpu.memory_space<vmem>>) dst(%dma_wait3A_825 : memref<16x768xf32, #tpu.memory_space<hbm>>)
    %dma_wait3A_829 = arith.constant 48 : i32
    %dma_wait3A_830 = arith.constant 0 : i32
    %dma_wait3A_831 = tpu.memref_slice %arg11[%dma_wait3A_829, %dma_wait3A_830] : memref<128x768xf32, #tpu.memory_space<vmem>> -> memref<16x768xf32, #tpu.memory_space<vmem>>
    %dma_wait3A_832 = arith.constant 16 : i32
    %dma_wait3A_833 = arith.constant 0 : i32
    %dma_wait3A_834 = tpu.memref_slice %arg5[%add3A_586, %dma_wait3A_832, %dma_wait3A_833] : memref<128x32x768xf32, #tpu.memory_space<hbm>> -> memref<1x16x768xf32, #tpu.memory_space<hbm>>
    %dma_wait3A_835 = tpu.memref_squeeze %dma_wait3A_834 : memref<1x16x768xf32, #tpu.memory_space<hbm>> -> memref<16x768xf32, #tpu.memory_space<hbm>>
    %dma_wait3A_836 = arith.constant 16 : i32
    %dma_wait3A_837 = arith.constant 0 : i32
    %dma_wait3A_838 = tpu.memref_slice %arg5[%add3A_586, %dma_wait3A_836, %dma_wait3A_837] : memref<128x32x768xf32, #tpu.memory_space<hbm>> -> memref<1x16x768xf32, #tpu.memory_space<hbm>>
    %dma_wait3A_839 = tpu.memref_squeeze %dma_wait3A_838 : memref<1x16x768xf32, #tpu.memory_space<hbm>> -> memref<16x768xf32, #tpu.memory_space<hbm>>
    %dma_wait3A_840 = arith.constant 48 : i32
    %dma_wait3A_841 = arith.constant 0 : i32
    %dma_wait3A_842 = tpu.memref_slice %arg11[%dma_wait3A_840, %dma_wait3A_841] : memref<128x768xf32, #tpu.memory_space<vmem>> -> memref<16x768xf32, #tpu.memory_space<vmem>>
    tpu.wait_dma2 semaphore(%arg26 : memref<!tpu.dma_semaphore, #tpu.memory_space<semaphore_mem>>) src(%dma_wait3A_842 : memref<16x768xf32, #tpu.memory_space<vmem>>) dst(%dma_wait3A_839 : memref<16x768xf32, #tpu.memory_space<hbm>>)
    %dma_wait3A_843 = arith.constant 64 : i32
    %dma_wait3A_844 = arith.constant 0 : i32
    %dma_wait3A_845 = tpu.memref_slice %arg11[%dma_wait3A_843, %dma_wait3A_844] : memref<128x768xf32, #tpu.memory_space<vmem>> -> memref<16x768xf32, #tpu.memory_space<vmem>>
    %dma_wait3A_846 = arith.constant 0 : i32
    %dma_wait3A_847 = arith.constant 0 : i32
    %dma_wait3A_848 = tpu.memref_slice %arg5[%add3A_632, %dma_wait3A_846, %dma_wait3A_847] : memref<128x32x768xf32, #tpu.memory_space<hbm>> -> memref<1x16x768xf32, #tpu.memory_space<hbm>>
    %dma_wait3A_849 = tpu.memref_squeeze %dma_wait3A_848 : memref<1x16x768xf32, #tpu.memory_space<hbm>> -> memref<16x768xf32, #tpu.memory_space<hbm>>
    %dma_wait3A_850 = arith.constant 0 : i32
    %dma_wait3A_851 = arith.constant 0 : i32
    %dma_wait3A_852 = tpu.memref_slice %arg5[%add3A_632, %dma_wait3A_850, %dma_wait3A_851] : memref<128x32x768xf32, #tpu.memory_space<hbm>> -> memref<1x16x768xf32, #tpu.memory_space<hbm>>
    %dma_wait3A_853 = tpu.memref_squeeze %dma_wait3A_852 : memref<1x16x768xf32, #tpu.memory_space<hbm>> -> memref<16x768xf32, #tpu.memory_space<hbm>>
    %dma_wait3A_854 = arith.constant 64 : i32
    %dma_wait3A_855 = arith.constant 0 : i32
    %dma_wait3A_856 = tpu.memref_slice %arg11[%dma_wait3A_854, %dma_wait3A_855] : memref<128x768xf32, #tpu.memory_space<vmem>> -> memref<16x768xf32, #tpu.memory_space<vmem>>
    tpu.wait_dma2 semaphore(%arg27 : memref<!tpu.dma_semaphore, #tpu.memory_space<semaphore_mem>>) src(%dma_wait3A_856 : memref<16x768xf32, #tpu.memory_space<vmem>>) dst(%dma_wait3A_853 : memref<16x768xf32, #tpu.memory_space<hbm>>)
    %dma_wait3A_857 = arith.constant 80 : i32
    %dma_wait3A_858 = arith.constant 0 : i32
    %dma_wait3A_859 = tpu.memref_slice %arg11[%dma_wait3A_857, %dma_wait3A_858] : memref<128x768xf32, #tpu.memory_space<vmem>> -> memref<16x768xf32, #tpu.memory_space<vmem>>
    %dma_wait3A_860 = arith.constant 16 : i32
    %dma_wait3A_861 = arith.constant 0 : i32
    %dma_wait3A_862 = tpu.memref_slice %arg5[%add3A_678, %dma_wait3A_860, %dma_wait3A_861] : memref<128x32x768xf32, #tpu.memory_space<hbm>> -> memref<1x16x768xf32, #tpu.memory_space<hbm>>
    %dma_wait3A_863 = tpu.memref_squeeze %dma_wait3A_862 : memref<1x16x768xf32, #tpu.memory_space<hbm>> -> memref<16x768xf32, #tpu.memory_space<hbm>>
    %dma_wait3A_864 = arith.constant 16 : i32
    %dma_wait3A_865 = arith.constant 0 : i32
    %dma_wait3A_866 = tpu.memref_slice %arg5[%add3A_678, %dma_wait3A_864, %dma_wait3A_865] : memref<128x32x768xf32, #tpu.memory_space<hbm>> -> memref<1x16x768xf32, #tpu.memory_space<hbm>>
    %dma_wait3A_867 = tpu.memref_squeeze %dma_wait3A_866 : memref<1x16x768xf32, #tpu.memory_space<hbm>> -> memref<16x768xf32, #tpu.memory_space<hbm>>
    %dma_wait3A_868 = arith.constant 80 : i32
    %dma_wait3A_869 = arith.constant 0 : i32
    %dma_wait3A_870 = tpu.memref_slice %arg11[%dma_wait3A_868, %dma_wait3A_869] : memref<128x768xf32, #tpu.memory_space<vmem>> -> memref<16x768xf32, #tpu.memory_space<vmem>>
    tpu.wait_dma2 semaphore(%arg28 : memref<!tpu.dma_semaphore, #tpu.memory_space<semaphore_mem>>) src(%dma_wait3A_870 : memref<16x768xf32, #tpu.memory_space<vmem>>) dst(%dma_wait3A_867 : memref<16x768xf32, #tpu.memory_space<hbm>>)
    %dma_wait3A_871 = arith.constant 96 : i32
    %dma_wait3A_872 = arith.constant 0 : i32
    %dma_wait3A_873 = tpu.memref_slice %arg11[%dma_wait3A_871, %dma_wait3A_872] : memref<128x768xf32, #tpu.memory_space<vmem>> -> memref<16x768xf32, #tpu.memory_space<vmem>>
    %dma_wait3A_874 = arith.constant 0 : i32
    %dma_wait3A_875 = arith.constant 0 : i32
    %dma_wait3A_876 = tpu.memref_slice %arg5[%add3A_724, %dma_wait3A_874, %dma_wait3A_875] : memref<128x32x768xf32, #tpu.memory_space<hbm>> -> memref<1x16x768xf32, #tpu.memory_space<hbm>>
    %dma_wait3A_877 = tpu.memref_squeeze %dma_wait3A_876 : memref<1x16x768xf32, #tpu.memory_space<hbm>> -> memref<16x768xf32, #tpu.memory_space<hbm>>
    %dma_wait3A_878 = arith.constant 0 : i32
    %dma_wait3A_879 = arith.constant 0 : i32
    %dma_wait3A_880 = tpu.memref_slice %arg5[%add3A_724, %dma_wait3A_878, %dma_wait3A_879] : memref<128x32x768xf32, #tpu.memory_space<hbm>> -> memref<1x16x768xf32, #tpu.memory_space<hbm>>
    %dma_wait3A_881 = tpu.memref_squeeze %dma_wait3A_880 : memref<1x16x768xf32, #tpu.memory_space<hbm>> -> memref<16x768xf32, #tpu.memory_space<hbm>>
    %dma_wait3A_882 = arith.constant 96 : i32
    %dma_wait3A_883 = arith.constant 0 : i32
    %dma_wait3A_884 = tpu.memref_slice %arg11[%dma_wait3A_882, %dma_wait3A_883] : memref<128x768xf32, #tpu.memory_space<vmem>> -> memref<16x768xf32, #tpu.memory_space<vmem>>
    tpu.wait_dma2 semaphore(%arg29 : memref<!tpu.dma_semaphore, #tpu.memory_space<semaphore_mem>>) src(%dma_wait3A_884 : memref<16x768xf32, #tpu.memory_space<vmem>>) dst(%dma_wait3A_881 : memref<16x768xf32, #tpu.memory_space<hbm>>)
    %dma_wait3A_885 = arith.constant 112 : i32
    %dma_wait3A_886 = arith.constant 0 : i32
    %dma_wait3A_887 = tpu.memref_slice %arg11[%dma_wait3A_885, %dma_wait3A_886] : memref<128x768xf32, #tpu.memory_space<vmem>> -> memref<16x768xf32, #tpu.memory_space<vmem>>
    %dma_wait3A_888 = arith.constant 16 : i32
    %dma_wait3A_889 = arith.constant 0 : i32
    %dma_wait3A_890 = tpu.memref_slice %arg5[%add3A_770, %dma_wait3A_888, %dma_wait3A_889] : memref<128x32x768xf32, #tpu.memory_space<hbm>> -> memref<1x16x768xf32, #tpu.memory_space<hbm>>
    %dma_wait3A_891 = tpu.memref_squeeze %dma_wait3A_890 : memref<1x16x768xf32, #tpu.memory_space<hbm>> -> memref<16x768xf32, #tpu.memory_space<hbm>>
    %dma_wait3A_892 = arith.constant 16 : i32
    %dma_wait3A_893 = arith.constant 0 : i32
    %dma_wait3A_894 = tpu.memref_slice %arg5[%add3A_770, %dma_wait3A_892, %dma_wait3A_893] : memref<128x32x768xf32, #tpu.memory_space<hbm>> -> memref<1x16x768xf32, #tpu.memory_space<hbm>>
    %dma_wait3A_895 = tpu.memref_squeeze %dma_wait3A_894 : memref<1x16x768xf32, #tpu.memory_space<hbm>> -> memref<16x768xf32, #tpu.memory_space<hbm>>
    %dma_wait3A_896 = arith.constant 112 : i32
    %dma_wait3A_897 = arith.constant 0 : i32
    %dma_wait3A_898 = tpu.memref_slice %arg11[%dma_wait3A_896, %dma_wait3A_897] : memref<128x768xf32, #tpu.memory_space<vmem>> -> memref<16x768xf32, #tpu.memory_space<vmem>>
    tpu.wait_dma2 semaphore(%arg30 : memref<!tpu.dma_semaphore, #tpu.memory_space<semaphore_mem>>) src(%dma_wait3A_898 : memref<16x768xf32, #tpu.memory_space<vmem>>) dst(%dma_wait3A_895 : memref<16x768xf32, #tpu.memory_space<hbm>>)
    return
  }
}

module attributes {stable_mosaic.version = 14 : i64} {
  func.func @_prep_body(%arg0: memref<100x768xf32, #tpu.memory_space<vmem>>, %arg1: memref<2x768xf32, #tpu.memory_space<vmem>>, %arg2: memref<768xf32, #tpu.memory_space<vmem>>, %arg3: memref<768xf32, #tpu.memory_space<vmem>>, %arg4: memref<768xf32, #tpu.memory_space<vmem>>, %arg5: memref<768xf32, #tpu.memory_space<vmem>>, %arg6: memref<2x32x768xf32, #tpu.memory_space<vmem>>) attributes {dimension_semantics = [], scalar_prefetch = 0 : i64, scratch_operands = 0 : i64, tpu.core_type = #tpu.core_type<tc>} {
    %get3A = arith.constant 0 : index
    %get3A_0 = arith.constant 0 : index
    %get3A_1 = vector.load %arg0[%get3A, %get3A_0] : memref<100x768xf32, #tpu.memory_space<vmem>>, vector<32x768xf32>
    %get3A_2 = arith.constant 0 : index
    %get3A_3 = arith.constant 0 : index
    %get3A_4 = vector.load %arg1[%get3A_2, %get3A_3] : memref<2x768xf32, #tpu.memory_space<vmem>>, vector<1x768xf32>
    %get3A_5 = vector.shape_cast %get3A_4 : vector<1x768xf32> to vector<768xf32>
    %broadcast_in_dim3A = vector.shape_cast %get3A_5 : vector<768xf32> to vector<1x768xf32>
    %add3A = vector.broadcast %broadcast_in_dim3A : vector<1x768xf32> to vector<32x768xf32>
    %add3A_6 = arith.addf %get3A_1, %add3A : vector<32x768xf32>
    %reduce_sum3A = arith.constant dense<0.000000e+00> : vector<32xf32>
    %reduce_sum3A_7 = vector.multi_reduction <add>, %add3A_6, %reduce_sum3A [1] : vector<32x768xf32> to vector<32xf32>
    %broadcast_in_dim3A_8 = vector.shape_cast %reduce_sum3A_7 : vector<32xf32> to vector<32x1xf32>
    %div3A = arith.constant 7.680000e+02 : f32
    %div3A_9 = vector.broadcast %div3A : f32 to vector<32x1xf32>
    %div3A_10 = arith.divf %broadcast_in_dim3A_8, %div3A_9 : vector<32x1xf32>
    %sub3A = vector.broadcast %div3A_10 : vector<32x1xf32> to vector<32x768xf32>
    %sub3A_11 = arith.subf %add3A_6, %sub3A : vector<32x768xf32>
    %integer_pow3A = arith.mulf %sub3A_11, %sub3A_11 : vector<32x768xf32>
    %reduce_sum3A_12 = arith.constant dense<0.000000e+00> : vector<32xf32>
    %reduce_sum3A_13 = vector.multi_reduction <add>, %integer_pow3A, %reduce_sum3A_12 [1] : vector<32x768xf32> to vector<32xf32>
    %broadcast_in_dim3A_14 = vector.shape_cast %reduce_sum3A_13 : vector<32xf32> to vector<32x1xf32>
    %div3A_15 = arith.constant 7.680000e+02 : f32
    %div3A_16 = vector.broadcast %div3A_15 : f32 to vector<32x1xf32>
    %div3A_17 = arith.divf %broadcast_in_dim3A_14, %div3A_16 : vector<32x1xf32>
    %sub3A_18 = vector.broadcast %div3A_10 : vector<32x1xf32> to vector<32x768xf32>
    %sub3A_19 = arith.subf %add3A_6, %sub3A_18 : vector<32x768xf32>
    %add3A_20 = arith.constant 9.99999974E-6 : f32
    %add3A_21 = vector.broadcast %add3A_20 : f32 to vector<32x1xf32>
    %add3A_22 = arith.addf %div3A_17, %add3A_21 : vector<32x1xf32>
    %rsqrt3A = math.rsqrt %add3A_22 : vector<32x1xf32>
    %mul3A = vector.broadcast %rsqrt3A : vector<32x1xf32> to vector<32x768xf32>
    %mul3A_23 = arith.mulf %sub3A_19, %mul3A : vector<32x768xf32>
    %get3A_24 = arith.constant 0 : index
    %get3A_25 = vector.load %arg2[%get3A_24] : memref<768xf32, #tpu.memory_space<vmem>>, vector<768xf32>
    %broadcast_in_dim3A_26 = vector.shape_cast %get3A_25 : vector<768xf32> to vector<1x768xf32>
    %mul3A_27 = vector.broadcast %broadcast_in_dim3A_26 : vector<1x768xf32> to vector<32x768xf32>
    %mul3A_28 = arith.mulf %mul3A_23, %mul3A_27 : vector<32x768xf32>
    %get3A_29 = arith.constant 0 : index
    %get3A_30 = vector.load %arg3[%get3A_29] : memref<768xf32, #tpu.memory_space<vmem>>, vector<768xf32>
    %broadcast_in_dim3A_31 = vector.shape_cast %get3A_30 : vector<768xf32> to vector<1x768xf32>
    %add3A_32 = vector.broadcast %broadcast_in_dim3A_31 : vector<1x768xf32> to vector<32x768xf32>
    %add3A_33 = arith.addf %mul3A_28, %add3A_32 : vector<32x768xf32>
    %get3A_34 = arith.constant 0 : index
    %get3A_35 = vector.load %arg4[%get3A_34] : memref<768xf32, #tpu.memory_space<vmem>>, vector<768xf32>
    %broadcast_in_dim3A_36 = vector.shape_cast %get3A_35 : vector<768xf32> to vector<1x768xf32>
    %add3A_37 = vector.broadcast %broadcast_in_dim3A_36 : vector<1x768xf32> to vector<32x768xf32>
    %add3A_38 = arith.addf %add3A_33, %add3A_37 : vector<32x768xf32>
    %swap3A = arith.constant 0 : index
    %swap3A_39 = arith.constant 0 : index
    %swap3A_40 = arith.constant 0 : index
    %swap3A_41 = vector.load %arg6[%swap3A, %swap3A_39, %swap3A_40] : memref<2x32x768xf32, #tpu.memory_space<vmem>>, vector<1x32x768xf32>
    %swap3A_42 = vector.shape_cast %swap3A_41 : vector<1x32x768xf32> to vector<32x768xf32>
    %swap3A_43 = vector.shape_cast %add3A_38 : vector<32x768xf32> to vector<1x32x768xf32>
    tpu.vector_store %arg6[%swap3A, %swap3A_39, %swap3A_40], %swap3A_43 {strides = array<i32>} : memref<2x32x768xf32, #tpu.memory_space<vmem>>, vector<1x32x768xf32>,
    %get3A_44 = arith.constant 0 : index
    %get3A_45 = vector.load %arg5[%get3A_44] : memref<768xf32, #tpu.memory_space<vmem>>, vector<768xf32>
    %broadcast_in_dim3A_46 = vector.shape_cast %get3A_45 : vector<768xf32> to vector<1x768xf32>
    %add3A_47 = vector.broadcast %broadcast_in_dim3A_46 : vector<1x768xf32> to vector<32x768xf32>
    %add3A_48 = arith.addf %add3A_33, %add3A_47 : vector<32x768xf32>
    %swap3A_49 = arith.constant 1 : index
    %swap3A_50 = arith.constant 0 : index
    %swap3A_51 = arith.constant 0 : index
    %swap3A_52 = vector.load %arg6[%swap3A_49, %swap3A_50, %swap3A_51] : memref<2x32x768xf32, #tpu.memory_space<vmem>>, vector<1x32x768xf32>
    %swap3A_53 = vector.shape_cast %swap3A_52 : vector<1x32x768xf32> to vector<32x768xf32>
    %swap3A_54 = vector.shape_cast %add3A_48 : vector<32x768xf32> to vector<1x32x768xf32>
    tpu.vector_store %arg6[%swap3A_49, %swap3A_50, %swap3A_51], %swap3A_54 {strides = array<i32>} : memref<2x32x768xf32, #tpu.memory_space<vmem>>, vector<1x32x768xf32>,
    return
  }
}

module attributes {stable_mosaic.version = 14 : i64} {
  func.func @_fin_body(%arg0: i32, %arg1: memref<16x32x768xf32, #tpu.memory_space<vmem>>, %arg2: memref<16x32xf32, #tpu.memory_space<vmem>>, %arg3: memref<2x32x768xf32, #tpu.memory_space<vmem>>, %arg4: memref<768xf32, #tpu.memory_space<vmem>>, %arg5: memref<768xf32, #tpu.memory_space<vmem>>, %arg6: memref<16x32x768xf32, #tpu.memory_space<vmem>>) attributes {dimension_semantics = [#tpu.dimension_semantics<arbitrary>], iteration_bounds = array<i64: 8>, scalar_prefetch = 0 : i64, scratch_operands = 0 : i64, tpu.core_type = #tpu.core_type<tc>, window_params = [{transform_indices = @transform_0, window_bounds = array<i64: 16, 32, 768>}, {transform_indices = @transform_1, window_bounds = array<i64: 16, 32>}, {pipeline_mode = #tpu.pipeline_mode<synchronous>, transform_indices = @transform_2, window_bounds = array<i64: 2, 32, 768>}, {pipeline_mode = #tpu.pipeline_mode<synchronous>, transform_indices = @transform_3, window_bounds = array<i64: 768>}, {pipeline_mode = #tpu.pipeline_mode<synchronous>, transform_indices = @transform_4, window_bounds = array<i64: 768>}, {transform_indices = @transform_5, window_bounds = array<i64: 16, 32, 768>}]} {
    %get3A = arith.constant 0 : index
    %get3A_0 = arith.constant 0 : index
    %get3A_1 = arith.constant 0 : index
    %get3A_2 = vector.load %arg1[%get3A, %get3A_0, %get3A_1] : memref<16x32x768xf32, #tpu.memory_space<vmem>>, vector<16x32x768xf32>
    %reduce_sum3A = arith.constant dense<0.000000e+00> : vector<16x32xf32>
    %reduce_sum3A_3 = vector.multi_reduction <add>, %get3A_2, %reduce_sum3A [2] : vector<16x32x768xf32> to vector<16x32xf32>
    %broadcast_in_dim3A = vector.shape_cast %reduce_sum3A_3 : vector<16x32xf32> to vector<16x32x1xf32>
    %div3A = arith.constant 7.680000e+02 : f32
    %div3A_4 = vector.broadcast %div3A : f32 to vector<16x32x1xf32>
    %div3A_5 = arith.divf %broadcast_in_dim3A, %div3A_4 : vector<16x32x1xf32>
    %sub3A = vector.broadcast %div3A_5 : vector<16x32x1xf32> to vector<16x32x768xf32>
    %sub3A_6 = arith.subf %get3A_2, %sub3A : vector<16x32x768xf32>
    %integer_pow3A = arith.mulf %sub3A_6, %sub3A_6 : vector<16x32x768xf32>
    %reduce_sum3A_7 = arith.constant dense<0.000000e+00> : vector<16x32xf32>
    %reduce_sum3A_8 = vector.multi_reduction <add>, %integer_pow3A, %reduce_sum3A_7 [2] : vector<16x32x768xf32> to vector<16x32xf32>
    %broadcast_in_dim3A_9 = vector.shape_cast %reduce_sum3A_8 : vector<16x32xf32> to vector<16x32x1xf32>
    %div3A_10 = arith.constant 7.680000e+02 : f32
    %div3A_11 = vector.broadcast %div3A_10 : f32 to vector<16x32x1xf32>
    %div3A_12 = arith.divf %broadcast_in_dim3A_9, %div3A_11 : vector<16x32x1xf32>
    %get3A_13 = arith.constant 0 : index
    %get3A_14 = arith.constant 0 : index
    %get3A_15 = vector.load %arg2[%get3A_13, %get3A_14] : memref<16x32xf32, #tpu.memory_space<vmem>>, vector<16x32xf32>
    %broadcast_in_dim3A_16 = vector.shape_cast %get3A_15 : vector<16x32xf32> to vector<16x32x1xf32>
    %get3A_17 = arith.constant 0 : index
    %get3A_18 = vector.load %arg4[%get3A_17] : memref<768xf32, #tpu.memory_space<vmem>>, vector<768xf32>
    %broadcast_in_dim3A_19 = vector.shape_cast %get3A_18 : vector<768xf32> to vector<1x1x768xf32>
    %get3A_20 = arith.constant 0 : index
    %get3A_21 = vector.load %arg5[%get3A_20] : memref<768xf32, #tpu.memory_space<vmem>>, vector<768xf32>
    %broadcast_in_dim3A_22 = vector.shape_cast %get3A_21 : vector<768xf32> to vector<1x1x768xf32>
    %sub3A_23 = arith.subf %broadcast_in_dim3A_22, %broadcast_in_dim3A_19 : vector<1x1x768xf32>
    %mul3A = vector.broadcast %broadcast_in_dim3A_16 : vector<16x32x1xf32> to vector<16x32x768xf32>
    %mul3A_24 = vector.broadcast %sub3A_23 : vector<1x1x768xf32> to vector<16x32x768xf32>
    %mul3A_25 = arith.mulf %mul3A, %mul3A_24 : vector<16x32x768xf32>
    %add3A = vector.broadcast %broadcast_in_dim3A_19 : vector<1x1x768xf32> to vector<16x32x768xf32>
    %add3A_26 = arith.addf %add3A, %mul3A_25 : vector<16x32x768xf32>
    %get3A_27 = arith.constant 0 : index
    %get3A_28 = arith.constant 0 : index
    %get3A_29 = arith.constant 0 : index
    %get3A_30 = vector.load %arg3[%get3A_27, %get3A_28, %get3A_29] : memref<2x32x768xf32, #tpu.memory_space<vmem>>, vector<1x32x768xf32>
    %get3A_31 = vector.shape_cast %get3A_30 : vector<1x32x768xf32> to vector<32x768xf32>
    %broadcast_in_dim3A_32 = vector.shape_cast %get3A_31 : vector<32x768xf32> to vector<1x32x768xf32>
    %get3A_33 = arith.constant 1 : index
    %get3A_34 = arith.constant 0 : index
    %get3A_35 = arith.constant 0 : index
    %get3A_36 = vector.load %arg3[%get3A_33, %get3A_34, %get3A_35] : memref<2x32x768xf32, #tpu.memory_space<vmem>>, vector<1x32x768xf32>
    %get3A_37 = vector.shape_cast %get3A_36 : vector<1x32x768xf32> to vector<32x768xf32>
    %broadcast_in_dim3A_38 = vector.shape_cast %get3A_37 : vector<32x768xf32> to vector<1x32x768xf32>
    %get3A_39 = arith.constant 0 : index
    %get3A_40 = arith.constant 0 : index
    %get3A_41 = arith.constant 0 : index
    %get3A_42 = vector.load %arg3[%get3A_39, %get3A_40, %get3A_41] : memref<2x32x768xf32, #tpu.memory_space<vmem>>, vector<1x32x768xf32>
    %get3A_43 = vector.shape_cast %get3A_42 : vector<1x32x768xf32> to vector<32x768xf32>
    %broadcast_in_dim3A_44 = vector.shape_cast %get3A_43 : vector<32x768xf32> to vector<1x32x768xf32>
    %sub3A_45 = arith.subf %broadcast_in_dim3A_38, %broadcast_in_dim3A_44 : vector<1x32x768xf32>
    %mul3A_46 = vector.broadcast %broadcast_in_dim3A_16 : vector<16x32x1xf32> to vector<16x32x768xf32>
    %mul3A_47 = vector.broadcast %sub3A_45 : vector<1x32x768xf32> to vector<16x32x768xf32>
    %mul3A_48 = arith.mulf %mul3A_46, %mul3A_47 : vector<16x32x768xf32>
    %add3A_49 = vector.broadcast %broadcast_in_dim3A_32 : vector<1x32x768xf32> to vector<16x32x768xf32>
    %add3A_50 = arith.addf %add3A_49, %mul3A_48 : vector<16x32x768xf32>
    %sub3A_51 = vector.broadcast %div3A_5 : vector<16x32x1xf32> to vector<16x32x768xf32>
    %sub3A_52 = arith.subf %get3A_2, %sub3A_51 : vector<16x32x768xf32>
    %add3A_53 = arith.constant 9.99999974E-6 : f32
    %add3A_54 = vector.broadcast %add3A_53 : f32 to vector<16x32x1xf32>
    %add3A_55 = arith.addf %div3A_12, %add3A_54 : vector<16x32x1xf32>
    %rsqrt3A = math.rsqrt %add3A_55 : vector<16x32x1xf32>
    %mul3A_56 = vector.broadcast %rsqrt3A : vector<16x32x1xf32> to vector<16x32x768xf32>
    %mul3A_57 = arith.mulf %sub3A_52, %mul3A_56 : vector<16x32x768xf32>
    %mul3A_58 = arith.mulf %mul3A_57, %add3A_26 : vector<16x32x768xf32>
    %add3A_59 = arith.addf %mul3A_58, %add3A_50 : vector<16x32x768xf32>
    %swap3A = arith.constant 0 : index
    %swap3A_60 = arith.constant 0 : index
    %swap3A_61 = arith.constant 0 : index
    %swap3A_62 = vector.load %arg6[%swap3A, %swap3A_60, %swap3A_61] : memref<16x32x768xf32, #tpu.memory_space<vmem>>, vector<16x32x768xf32>
    tpu.vector_store %arg6[%swap3A, %swap3A_60, %swap3A_61], %add3A_59 {strides = array<i32>} : memref<16x32x768xf32, #tpu.memory_space<vmem>>, vector<16x32x768xf32>,
    return
  }
  func.func @transform_0(%arg0: i32) -> (i32, i32, i32) {
    %c0_i32 = arith.constant 0 : i32
    %c0_i32_0 = arith.constant 0 : i32
    %c0_i32_1 = arith.constant 0 : i32
    return %arg0, %c0_i32, %c0_i32_0 : i32, i32, i32
  }
  func.func @transform_1(%arg0: i32) -> (i32, i32) {
    %c0_i32 = arith.constant 0 : i32
    %c0_i32_0 = arith.constant 0 : i32
    return %arg0, %c0_i32 : i32, i32
  }
  func.func @transform_2(%arg0: i32) -> (i32, i32, i32) {
    %c0_i32 = arith.constant 0 : i32
    %c0_i32_0 = arith.constant 0 : i32
    %c0_i32_1 = arith.constant 0 : i32
    %c0_i32_2 = arith.constant 0 : i32
    return %c0_i32, %c0_i32_0, %c0_i32_1 : i32, i32, i32
  }
  func.func @transform_3(%arg0: i32) -> i32 {
    %c0_i32 = arith.constant 0 : i32
    %c0_i32_0 = arith.constant 0 : i32
    return %c0_i32 : i32
  }
  func.func @transform_4(%arg0: i32) -> i32 {
    %c0_i32 = arith.constant 0 : i32
    %c0_i32_0 = arith.constant 0 : i32
    return %c0_i32 : i32
  }
  func.func @transform_5(%arg0: i32) -> (i32, i32, i32) {
    %c0_i32 = arith.constant 0 : i32
    %c0_i32_0 = arith.constant 0 : i32
    %c0_i32_1 = arith.constant 0 : i32
    return %arg0, %c0_i32, %c0_i32_0 : i32, i32, i32
  }
}

</mosaic_0001>

<sc_bundles>
// kernel: kernel.5.cloned.1.call-start
scs
__scs_entry_jumppad:
0x0: {  	(pc) =	sbr.rel $0x88, $3  }
0x1: {  	(tag) =	ssettag $0x0;
	lr =	simm.s32 $0x1  }
0x2: {  	[smem:$0x3F96] =	sst lr;
	_ =	strace $0xD0000000  }
0x3: {  	_ = 	snop  }
0x4: {  	_ = 	snop  }
0x5: {  	_ = 	snop  }
0x6: {  	_ = 	snop  }
0x7: {  	_ = 	snop  }
__scs_overlays_trampoline_lowered:
0x8: {  	[smem:$0x3FA5] =	sst s0  }
0x9: {  	[smem:$0x3FA6] =	sst s1  }
0xa: {  	[smem:$0x3FA7] =	sst s2  }
0xb: {  	[smem:$0x3FA8] =	sst s3  }
0xc: {  	[smem:$0x3FA9] =	sst s4  }
0xd: {  	[smem:$0x3FAA] =	sst s5  }
0xe: {  	[smem:$0x3FAB] =	sst s6  }
0xf: {  	[smem:$0x3FAC] =	sst s7  }
0x10: {  	[smem:$0x3FAD] =	sst s8  }
0x11: {  	[smem:$0x3FAE] =	sst s9;
	s0 =	simm.s32 @!p0 $0x0  }
0x12: {  	s1 =	sld [smem:$0x3F94];
	s0 =	simm.s32 @p0 $0x1  }
0x13: {  	[smem:$0x3FAF] =	sst s0;
	s0 =	simm.s32 @!p1 $0x0  }
0x14: {  	s2 =	sld [smem:$0x3F93];
	s0 =	simm.s32 @p1 $0x1  }
0x15: {  	[smem:$0x3FB0] =	sst s0;
	s0 =	simm.s32 @!p2 $0x0  }
0x16: {  	s3 =	sld [smem:$0x3FDB];
	s0 =	simm.s32 @p2 $0x1  }
0x17: {  	s4 =	simm.s32 $0x1BF5;
	[smem:$0x3FB2] =	sst s0  }
0x18: {  	s0 =	sld [smem:$0x3F95];
	_ =	swait.ge [sflag:s4], $0x0  }
0x19: {  	s7 =	sld [smem:$0x3F96]  }
0x1a: {  	s8 =	sadd.s32 $0xFFFFE003, lr  }
0x1b: {  	s9 =	sadd.s32 $0xFFFFFEF7, lr;
	s5 =	simm.s32 $0xFFFFFFFF;
	p2 =	slt.u32 s8, $0xFFFFF086  }
0x1c: {  	p1 =	slt.u32 s9, $0xF7A;
	s5 =	simm.s32 @!p2 $0x0  }
0x1d: {  	s5 =	simm.s32 @p1 $0x1;
	p0 =	seq.s32 s7, s2  }
0x1e: {  	s7 =	smul.u32 @!p0 $0xF7A, s2;
	p2 =	seq.s32 @!p0 s5, $0x0  }
0x1f: {  	s9 =	smul.u32 $0xF7A, s1;
	s8 =	simm.s32 @!p0 $0x1BF5;
	p2 =	por !p2, p0  }
0x20: {  	[sflag:s8] =	ssyncset.s32 @!p0 $0xFFFFF086;
	s6 =	sadd.s32 @!p0 s3, s7;
	s7 =	simm.s32 @!p0 $0x108  }
0x21: {  	s3 =	sadd.s32 s3, s9;
	s6 =	sadd.s32 @!p0 $0x88, s6;
	s7 =	simm.s32 @p2 $0x1082  }
0x22: {  	[simem:s7], [sflag:s8] =	dma.local @!p0 [hbm:s6], $0xF7A  }
0x23: {  	s9 =	sor.u32 $0xD0000000, s2;
	s6 =	simm.s32 $0x108;
	_ =	swait.ge @!p0 [sflag:s8], $0x0  }
0x24: {  	s3 =	sadd.s32 $0x88, s3;
	s6 =	simm.s32 @!p1 $0x1082;
	[sflag:s4] =	ssyncset.s32 $0xFFFFF086  }
0x25: {  	[simem:s6], [sflag:s4] =	dma.local [hbm:s3], $0xF7A  }
0x26: {  	[smem:$0x3F96] =	sst s1;
	(tag) =	ssettag s2;
	_ =	strace s9  }
0x27: {  	s1 =	sld [smem:$0x3FA6]  }
0x28: {  	s2 =	sld [smem:$0x3FA7]  }
0x29: {  	s4 =	sld [smem:$0x3FA9]  }
0x2a: {  	p0 =	seq.s32 s5, $0x0;
	s5 =	sld [smem:$0x3FAA]  }
0x2b: {  	s6 =	sld [smem:$0x3FAB]  }
0x2c: {  	s7 =	sld [smem:$0x3FAC]  }
0x2d: {  	s3 =	simm.s32 $0x108;
	s8 =	sld [smem:$0x3FAD]  }
0x2e: {  	s3 =	simm.s32 @!p0 $0x1082;
	s9 =	sld [smem:$0x3FAE]  }
0x2f: {  	lr =	sadd.s32 s0, s3;
	s0 =	sld [smem:$0x3FA5]  }
0x30: {  	s3 =	sld [smem:$0x3FA8]  }
0x31: {  	[smem:$0x3FB1] =	sst s10  }
0x32: {  	s10 =	sld [smem:$0x3FAF];
	_ =	sdelay $0x3  }
0x33: {  	p0 =	seq.s32 s10, $0x1;
	s10 =	sld [smem:$0x3FB1];
	_ =	sdelay $0x3  }
0x34: {  	[smem:$0x3FB1] =	sst s10  }
0x35: {  	s10 =	sld [smem:$0x3FB0];
	_ =	sdelay $0x3  }
0x36: {  	p1 =	seq.s32 s10, $0x1;
	s10 =	sld [smem:$0x3FB1];
	_ =	sdelay $0x3  }
0x37: {  	[smem:$0x3FB1] =	sst s10  }
0x38: {  	s10 =	sld [smem:$0x3FB2]  }
0x39: {  	_ = 	snop;
	(pc) =	sbr.ind lr, $3  }
0x3a: {  	_ = 	snop  }
0x3b: {  	_ = 	snop  }
0x3c: {  	p2 =	seq.s32 s10, $0x1;
	s10 =	sld [smem:$0x3FB1]  }
0x3d: {  	_ =	shalt  }
0x3e: {  	_ =	shalt  }
0x3f: {  	_ =	shalt  }
0x40: {  	_ =	shalt  }
0x41: {  	_ =	shalt  }
0x42: {  	_ =	shalt  }
0x43: {  	_ =	shalt  }
0x44: {  	_ =	shalt  }
0x45: {  	_ =	shalt  }
0x46: {  	_ =	shalt  }
0x47: {  	_ =	shalt  }
0x48: {  	_ =	shalt  }
0x49: {  	_ =	shalt  }
0x4a: {  	_ =	shalt  }
0x4b: {  	_ =	shalt  }
0x4c: {  	_ =	shalt  }
0x4d: {  	_ =	shalt  }
0x4e: {  	_ =	shalt  }
0x4f: {  	_ =	shalt  }
0x50: {  	_ =	shalt  }
0x51: {  	_ =	shalt  }
0x52: {  	_ =	shalt  }
0x53: {  	_ =	shalt  }
0x54: {  	_ =	shalt  }
0x55: {  	_ =	shalt  }
0x56: {  	_ =	shalt  }
0x57: {  	_ =	shalt  }
0x58: {  	_ =	shalt  }
0x59: {  	_ =	shalt  }
0x5a: {  	_ =	shalt  }
0x5b: {  	_ =	shalt  }
0x5c: {  	_ =	shalt  }
0x5d: {  	_ =	shalt  }
0x5e: {  	_ =	shalt  }
0x5f: {  	_ =	shalt  }
0x60: {  	_ =	shalt  }
0x61: {  	_ =	shalt  }
0x62: {  	_ =	shalt  }
0x63: {  	_ =	shalt  }
0x64: {  	_ =	shalt  }
0x65: {  	_ =	shalt  }
0x66: {  	_ =	shalt  }
0x67: {  	_ =	shalt  }
0x68: {  	_ =	shalt  }
0x69: {  	_ =	shalt  }
0x6a: {  	_ =	shalt  }
0x6b: {  	_ =	shalt  }
0x6c: {  	_ =	shalt  }
0x6d: {  	_ =	shalt  }
0x6e: {  	_ =	shalt  }
0x6f: {  	_ =	shalt  }
0x70: {  	_ =	shalt  }
0x71: {  	_ =	shalt  }
0x72: {  	_ =	shalt  }
0x73: {  	_ =	shalt  }
0x74: {  	_ =	shalt  }
0x75: {  	_ =	shalt  }
0x76: {  	_ =	shalt  }
0x77: {  	_ =	shalt  }
0x78: {  	_ =	shalt  }
0x79: {  	_ =	shalt  }
0x7a: {  	_ =	shalt  }
0x7b: {  	_ =	shalt  }
0x7c: {  	_ =	shalt  }
0x7d: {  	_ =	shalt  }
0x7e: {  	_ =	shalt  }
0x7f: {  	_ =	shalt  }
0x80: {  	_ =	shalt  }
0x81: {  	_ =	shalt  }
0x82: {  	_ =	shalt  }
0x83: {  	_ =	shalt  }
0x84: {  	_ =	shalt  }
0x85: {  	_ =	shalt  }
0x86: {  	_ =	shalt  }
0x87: {  	_ =	shalt  }
.Lfunc_end0:
.L_simem_size_0:
called_computation_lowered:
.L_overlay_start_0:
0x88: {  	s2 =	sld [smem:$0x3FD9]  }
0x89: {  	s3 =	sld [smem:$0x3FFE];
	_ =	sdelay $0x1  }
0x8a: {  	s1 =	srdreg.scid  }
0x8b: {  	s0 =	sand.u32 $0x1, s1  }
0x8c: {  	s17 =	sshll.u32 s0, $0xA;
	s2 =	sadd.s32 s3, s2  }
0x8d: {  	s2 =	sadd.s32 s2, s17  }
0x8e: {  	[smem:$0x3FBD] =	sst s2  }
0x8f: {  	_ = 	snop  }
0x90: {  	s2 =	sld [smem:$0x3FC9]  }
0x91: {  	s18 =	sld [smem:$0x3FC8]  }
0x92: {  	s4 =	sld [smem:$0x3FC7]  }
0x93: {  	s5 =	sld [smem:$0x3FD0];
	(tm) =	ssettm $0x1  }
0x94: {  	s6 =	sld [smem:$0x3FFB];
	_ =	sdelay $0x3  }
0x95: {  	_ =	strace s6  }
0x96: {  	s6 =	sld [smem:$0x3FFC];
	_ =	sdelay $0x3  }
0x97: {  	_ =	strace s6  }
0x98: {  	s6 =	sld [smem:$0x3FFD];
	_ =	sdelay $0x3  }
0x99: {  	_ =	strace s6  }
0x9a: {  	_ =	strace $0x8FFFFFFF  }
0x9b: {  	s19 =	sld [smem:$0x3FDB];
	_ =	sdelay $0x1  }
0x9c: {  	s7 =	simm.s32 $_scs_section_size  }
0x9d: {  	s8 =	simm.s32 $_size__tile_overlayer_lowered;
	s9 =	simm.s32 $_tile_overlayer_lowered  }
0x9e: {  	s22 =	simm.s32 $0x1BFF;
	s21 =	sshll.u32 s9, $0x1;
	s6 =	sadd.s32 s7, s19  }
0x9f: {  	s10 =	simm.s32 $0x0;
	s20 =	sshll.u32 s8, $0x1;
	s8 =	sadd.s32 s21, s6  }
0xa0: {  	[timem:s10], [sflag:s22] =	dma.local [hbm:s8], s20  }
0xa1: {  	_ =	swait.ge [sflag:s22], s20  }
0xa2: {  	s7 =	ssub.s32 $0x0, s20;
	[sflag:s22] =	ssyncset.done $0x0  }
0xa3: {  	[sflag:s22] =	ssyncadd.s32 s7;
	_ =	sdelay $0x1  }
0xa4: {  	s23 =	simm.s32 $0x1B8B  }
0xa5: {  	_ =	swait.ge [sflag:s23], $0x1  }
0xa6: {  	[sflag:s23] =	ssyncset.done $0x0  }
0xa7: {  	s25 =	simm.s32 $0x1B8E;
	s24 =	sld [smem:$0x3FFE];
	[sflag:s23] =	ssyncadd.s32 $0xFFFFFFFF  }
0xa8: {  	s26 =	simm.s32 $execute0_lowered;
	[smem:$0x3FD2] =	sst s25  }
0xa9: {  	s8 =	sshll.u32 s26, $0x1;
	_ =	strace $0x80000046;
	[dreg:$0x1] =	wrdreg $0xFFFFFFFF  }
0xaa: {  	s28 =	simm.s32 $_size_execute0_lowered;
	s6 =	sadd.s32 s6, s8;
	[dreg:$0x0] =	wrdreg $0x0  }
0xab: {  	s8 =	sshll.u32 s28, $0x1;
	[dreg:$0x2] =	wrdreg s6  }
0xac: {  	[dreg:$0x3] =	wrdreg s8  }
0xad: {  	[dreg:$0x4] =	wrdreg $0xC0  }
0xae: {  	_ =	task [dreg:s10], $0x5FFFF  }
0xaf: {  	[dreg:$0x1] =	wrdreg $0xFFFFFFFF  }
0xb0: {  	[dreg:$0x0] =	wrdreg $0x60  }
0xb1: {  	[dreg:$0x2] =	wrdreg s2  }
0xb2: {  	[dreg:$0x3] =	wrdreg s18  }
0xb3: {  	[dreg:$0x4] =	wrdreg s4  }
0xb4: {  	[dreg:$0x5] =	wrdreg s5  }
0xb5: {  	[dreg:$0x6] =	wrdreg s24  }
0xb6: {  	[dreg:$0x7] =	wrdreg $0x9  }
0xb7: {  	_ =	task.clear_ibuf [dreg:s10], $0x8FFFF;
	_ =	strace $0x90000046  }
0xb8: {  	s29 =	simm.s32 $0x9;
	_ =	strace $0x80000048  }
0xb9: {  	_ =	swait.ge [sflag:s29], $0x1  }
0xba: {  	[sflag:s29] =	ssyncadd.s32 $0xFFFFFFFF  }
0xbb: {  	_ =	strace $0x90000048  }
0xbc: {  	_ =	sfence  }
0xbd: {  	s30 =	sld [smem:$0x0];
	_ =	sdelay $0x2  }
0xbe: {  	s31 =	sshll.u32 s1, $0xD;
	s1 =	sshrl.u32 s1, $0x2  }
0xbf: {  	s3 =	sand.u32 $0x4000, s31;
	s1 =	sadd.s32 s1, s30  }
0xc0: {  	s0 =	sor.u32 s3, s0;
	s1 =	sshll.u32 s1, $0x11  }
0xc1: {  	s0 =	sor.u32 s1, s0  }
0xc2: {  	s0 =	sadd.s32 $0x8F2B, s0  }
0xc3: {  	[sflag:s0] =	ssyncadd.remote.s32 $0x1  }
0xc4: {  	_ =	sfence.sel $0xFFFF  }
0xc5: {  	[dreg:$0x0] =	wrdreg $0xFFFFFFFF;
	(pc) =	sbr.abs _section_cstart, $3  }
0xc6: {  	[dreg:$0x1] =	wrdreg $0xFFFFFFFF  }
0xc7: {  	_ =	task.clear_ibuf [dreg:s10], $0x2FFFF;
	_ =	strace $0x9FFFFFFF  }
0xc8: {  	(tm) =	ssettm $0x7FFFFFFF  }
0xc9: {  	_ =	shalt  }
tec
execute0_lowered:
.L_overlay_start_1:
0x0: {  	(tag) =	ssettag $0x1  }
0x1: {  	s1 =	rddreg [dreg:$0x0]  }
0x2: {  	s3 =	rddreg [dreg:$0x2]  }
0x3: {  	s5 =	rddreg [dreg:$0x3]  }
0x4: {  	s0 =	rddreg [dreg:$0x4];
	s4 =	simm.s32 $0x0  }
0x5: {  	s2 =	srdreg.scid;
	s18 =	stileid.u32;
	s28 =	simm.s32 $0x1  }
0x6: {  	s31 =	simm.s32 $0x0;
	[smem:$0x7FF] =	sst s4;
	s2 =	sand.u32 $0x1, s2  }
0x7: {  	s7 =	sshll.u32 s18, $0x3;
	s20 =	sadd.s32 $0x600, s5;
	s23 =	sshll.u32 s18, $0x7  }
0x8: {  	_ =	strace $0x80000047;
	s6 =	ssub.s32 $0x2, s2;
	s8 =	sshll.u32 s2, $0x2  }
0x9: {  	s2 =	sshll.u32 s2, $0x6;
	s9 =	sshrl.u32 s6, $0x1;
	s12 =	sor.u32 s8, s7  }
0xa: {  	s10 =	sadd.s32 s2, s0;
	s7 =	sadd.s32 $0x200, s1;
	s8 =	sadd.s32 $0x100, s3  }
0xb: {  	s2 =	simm.s32 $0x16180;
	s13 =	ssub.s32 s6, s9;
	s0 =	sor.u32 $0x1, s12  }
0xc: {  	s11 =	sor.u32 $0x2, s12;
	s19 =	sor.u32 $0x3, s12;
	s14 =	smul.u32 $0xC00, s12  }
0xd: {  	s6 =	sadd.s32 $0x100, s1;
	s9 =	sadd.s32 $0x200, s3;
	s30 =	smax.u32 s13, $0x1  }
0xe: {  	s21 =	smul.u32 $0xC00, s11;
	s16 =	sadd.s32 s5, s14;
	[dreg:$0xf] =	wrdreg s30  }
0xf: {  	s15 =	smul.u32 $0x6000, s0;
	s14 =	sadd.s32 s14, s20;
	[dreg:$0x6] =	wrdreg s16  }
0x10: {  	v0 =	vlaneseq.u32;
	s17 =	smul.u32 $0x6000, s19;
	[dreg:$0x7] =	wrdreg s14;
	s24 =	sadd.s32 s5, s21  }
0x11: {  	vm0 =	vmmov $0xffff;
	v11 =	vmul.u32 $0x80, v0;
	s15 =	sshrl.u32 s15, $0x3;
	s26 =	sadd.s32 s21, s20;
	[dreg:$0xa] =	wrdreg s24  }
0x12: {  	v13 =	vimm.f32 $0.0e+00;
	v15 =	vshrl.u32 v0, $0x3;
	v14 =	vand.u32 $0x7, v0;
	s22 =	sshrl.u32 s17, $0x3;
	s15 =	sadd.s32 s5, s15;
	[dreg:$0xc] =	wrdreg s26  }
.Ltmp0:
0x13: {  	v16 =	vor.u32 $0x8, v0;
	v15 =	vmul.u32 $0x8, v15;
	v12 =	vor.u32 $0x800, v11;
	[dreg:$0x8] =	wrdreg s15;
	s15 =	sadd.s32 $0x600, s15;
	(pc) =	sbr.rel .LBB2_1-.Ltmp0, $4  }
0x14: {  	s25 =	sadd.s32 s23, s10;
	v1 =	vmov s12;
	v2 =	vor.u32 s12, v11;
	v3 =	vor.u32 s12, v12;
	[dreg:$0x9] =	wrdreg s15;
	s15 =	sadd.s32 s5, s22  }
0x15: {  	s10 =	simm.s32 $0x1B980;
	v4 =	vmov s0;
	v5 =	vor.u32 s0, v11;
	v6 =	vor.u32 s0, v12;
	s5 =	sadd.s32 $0x1C00, s25;
	[dreg:$0xb] =	wrdreg s15  }
0x16: {  	v7 =	vmov s11;
	v8 =	vor.u32 s11, v11;
	v9 =	vor.u32 s11, v12;
	s20 =	simm.s32 $0x12;
	s29 =	sadd.s32 $0x600, s15;
	[dreg:$0xe] =	wrdreg s5  }
0x17: {  	v10 =	vmov s19;
	v11 =	vor.u32 s19, v11;
	v12 =	vor.u32 s19, v12;
	s21 =	simm.s32 $0x1B180;
	s25 =	simm.s32 $0x1A980;
	[dreg:$0xd] =	wrdreg s29  }
.LBB2_57:
0x18: {  	s0 =	rddreg [dreg:$0xd];
	s2 =	simm.s32 $0x16180  }
0x19: {  	[hbm4b:s0+s4] =	stream.linear.scatter [tilespmem:s2], [sflag:$0x11], $0x3000, $0x38;
	[tilespmem:$0x1C380] =	vst v63  }
0x1a: {  	s16 =	rddreg [dreg:$0xe];
	s5 =	simm.s32 $0x1C180  }
0x1b: {  	[hbm4b:s16+s4] =	stream.linear.scatter [tilespmem:s5], [sflag:$0x12], $0x200, $0x38;
	[tilespmem:$0x1C380] =	vst v63  }
0x1c: {  	_ =	swait.ge [sflag:s20], $0x200  }
0x1d: {  	[sflag:s20] =	ssyncset.done $0x0  }
0x1e: {  	s17 =	simm.s32 $0xA;
	[sflag:s20] =	ssyncadd.s32 $0xFFFFFE00  }
0x1f: {  	_ =	swait.ge [sflag:s17], $0x3000  }
0x20: {  	[sflag:s17] =	ssyncset.done $0x0  }
0x21: {  	s18 =	simm.s32 $0xB;
	[sflag:s17] =	ssyncadd.s32 $0xFFFFD000  }
0x22: {  	_ =	swait.ge [sflag:s18], $0x3000  }
0x23: {  	[sflag:s18] =	ssyncset.done $0x0  }
0x24: {  	s19 =	simm.s32 $0xC;
	[sflag:s18] =	ssyncadd.s32 $0xFFFFD000  }
0x25: {  	_ =	swait.ge [sflag:s19], $0x3000  }
0x26: {  	[sflag:s19] =	ssyncset.done $0x0  }
0x27: {  	s22 =	simm.s32 $0xD;
	[sflag:s19] =	ssyncadd.s32 $0xFFFFD000  }
0x28: {  	_ =	swait.ge [sflag:s22], $0x3000  }
0x29: {  	[sflag:s22] =	ssyncset.done $0x0  }
0x2a: {  	s23 =	simm.s32 $0xE;
	[sflag:s22] =	ssyncadd.s32 $0xFFFFD000  }
0x2b: {  	_ =	swait.ge [sflag:s23], $0x3000  }
0x2c: {  	[sflag:s23] =	ssyncset.done $0x0  }
0x2d: {  	s24 =	simm.s32 $0xF;
	[sflag:s23] =	ssyncadd.s32 $0xFFFFD000  }
0x2e: {  	_ =	swait.ge [sflag:s24], $0x3000  }
0x2f: {  	[sflag:s24] =	ssyncset.done $0x0  }
0x30: {  	s26 =	simm.s32 $0x10;
	[sflag:s24] =	ssyncadd.s32 $0xFFFFD000  }
0x31: {  	_ =	swait.ge [sflag:s26], $0x3000  }
0x32: {  	[sflag:s26] =	ssyncset.done $0x0  }
0x33: {  	s29 =	simm.s32 $0x11;
	[sflag:s26] =	ssyncadd.s32 $0xFFFFD000  }
0x34: {  	_ =	swait.ge [sflag:s29], $0x3000  }
0x35: {  	s31 =	sadd.s32 $0x1, s31;
	s30 =	rddreg [dreg:$0xf]  }
0x36: {  	p0 =	sne.s32 s31, s30  }
.Ltmp1:
0x37: {  	_ = 	snop;
	(pc) =	sbr.rel @!p0 .LBB2_58-.Ltmp1, $3  }
0x38: {  	_ =	sdelay $0x1  }
0x39: {  	[sflag:s29] =	ssyncset.done $0x0  }
0x3a: {  	[sflag:s29] =	ssyncadd.s32 $0xFFFFD000  }
.LBB2_1:
0x3b: {  	s0 =	rddreg [dreg:$0x1]  }
0x3c: {  	[tilespmem:s4], [sflag:$0x12] =	stream.linear.gather [hbm4b:s0+s4], $0x1000, $0x38;
	[tilespmem:$0x1C380] =	vst v63  }
0x3d: {  	_ =	swait.ge [sflag:s20], $0x1000  }
0x3e: {  	[sflag:s20] =	ssyncset.done $0x0  }
0x3f: {  	[sflag:s20] =	ssyncadd.s32 $0xFFFFF000  }
0x40: {  	v17 =	vld.idx.msk [tilespmem:v2+s4+$0x0], $0xffff;
	_ =	sdelay $0x4  }
0x41: {  	v18 =	vadd.s32 $0xFFFFEC78, v17  }
0x42: {  	vm1 =	vgt.s32 v18, $0x0  }
0x43: {  	v18 =	vnsel vm1, $0x0, v18  }
0x44: {  	vm1 =	vgt.s32 v17, $0x1387;
	v18 =	vmin.u32 v18, $0x31  }
0x45: {  	[tilespmem:$0x1000] =	vst v17;
	v17 =	vsel vm1, $0x1387, v17;
	v18 =	vshll.u32 v18, $0x7  }
0x46: {  	[tilespmem:$0x1080] =	vst v17;
	v17 =	vor.u32 v1, v18  }
0x47: {  	[tilespmem:$0x1100] =	vst v17;
	v17 =	vsel vm1, $0x3F800000, v13  }
0x48: {  	[tilespmem:$0x1C180] =	vst v17  }
0x49: {  	v17 =	vld.idx.msk [tilespmem:v3+s4+$0x0], $0xffff;
	_ =	sdelay $0x4  }
0x4a: {  	v18 =	vadd.s32 $0xFFFFEC78, v17  }
0x4b: {  	vm1 =	vgt.s32 v18, $0x0  }
0x4c: {  	v18 =	vnsel vm1, $0x0, v18  }
0x4d: {  	vm1 =	vgt.s32 v17, $0x1387;
	v18 =	vmin.u32 v18, $0x31  }
0x4e: {  	[tilespmem:$0x1010] =	vst v17;
	v17 =	vsel vm1, $0x1387, v17;
	v18 =	vshll.u32 v18, $0x7  }
0x4f: {  	[tilespmem:$0x1090] =	vst v17;
	v17 =	vor.u32 v1, v18  }
0x50: {  	[tilespmem:$0x1110] =	vst v17;
	v17 =	vsel vm1, $0x3F800000, v13  }
0x51: {  	[tilespmem:$0x1C190] =	vst v17  }
0x52: {  	v17 =	vld.idx.msk [tilespmem:v5+s4+$0x0], $0xffff;
	_ =	sdelay $0x4  }
0x53: {  	v18 =	vadd.s32 $0xFFFFEC78, v17  }
0x54: {  	vm1 =	vgt.s32 v18, $0x0  }
0x55: {  	v18 =	vnsel vm1, $0x0, v18  }
0x56: {  	vm1 =	vgt.s32 v17, $0x1387;
	v18 =	vmin.u32 v18, $0x31  }
0x57: {  	[tilespmem:$0x1020] =	vst v17;
	v17 =	vsel vm1, $0x1387, v17;
	v18 =	vshll.u32 v18, $0x7  }
0x58: {  	[tilespmem:$0x10A0] =	vst v17;
	v17 =	vor.u32 v4, v18  }
0x59: {  	[tilespmem:$0x1120] =	vst v17;
	v17 =	vsel vm1, $0x3F800000, v13  }
0x5a: {  	[tilespmem:$0x1C200] =	vst v17  }
0x5b: {  	v17 =	vld.idx.msk [tilespmem:v6+s4+$0x0], $0xffff;
	_ =	sdelay $0x4  }
0x5c: {  	v18 =	vadd.s32 $0xFFFFEC78, v17  }
0x5d: {  	vm1 =	vgt.s32 v18, $0x0  }
0x5e: {  	v18 =	vnsel vm1, $0x0, v18  }
0x5f: {  	vm1 =	vgt.s32 v17, $0x1387;
	v18 =	vmin.u32 v18, $0x31  }
0x60: {  	[tilespmem:$0x1030] =	vst v17;
	v17 =	vsel vm1, $0x1387, v17;
	v18 =	vshll.u32 v18, $0x7  }
0x61: {  	[tilespmem:$0x10B0] =	vst v17;
	v17 =	vor.u32 v4, v18  }
0x62: {  	[tilespmem:$0x1130] =	vst v17;
	v17 =	vsel vm1, $0x3F800000, v13  }
0x63: {  	[tilespmem:$0x1C210] =	vst v17  }
0x64: {  	v17 =	vld.idx.msk [tilespmem:v8+s4+$0x0], $0xffff;
	_ =	sdelay $0x4  }
0x65: {  	v18 =	vadd.s32 $0xFFFFEC78, v17  }
0x66: {  	vm1 =	vgt.s32 v18, $0x0  }
0x67: {  	v18 =	vnsel vm1, $0x0, v18  }
0x68: {  	vm1 =	vgt.s32 v17, $0x1387;
	v18 =	vmin.u32 v18, $0x31  }
0x69: {  	[tilespmem:$0x1040] =	vst v17;
	v17 =	vsel vm1, $0x1387, v17;
	v18 =	vshll.u32 v18, $0x7  }
0x6a: {  	[tilespmem:$0x10C0] =	vst v17;
	v17 =	vor.u32 v7, v18  }
0x6b: {  	[tilespmem:$0x1140] =	vst v17;
	v17 =	vsel vm1, $0x3F800000, v13  }
0x6c: {  	[tilespmem:$0x1C280] =	vst v17  }
0x6d: {  	v17 =	vld.idx.msk [tilespmem:v9+s4+$0x0], $0xffff;
	_ =	sdelay $0x4  }
0x6e: {  	v18 =	vadd.s32 $0xFFFFEC78, v17  }
0x6f: {  	vm1 =	vgt.s32 v18, $0x0  }
0x70: {  	v18 =	vnsel vm1, $0x0, v18  }
0x71: {  	vm1 =	vgt.s32 v17, $0x1387;
	v18 =	vmin.u32 v18, $0x31  }
0x72: {  	[tilespmem:$0x1050] =	vst v17;
	v17 =	vsel vm1, $0x1387, v17;
	v18 =	vshll.u32 v18, $0x7  }
0x73: {  	[tilespmem:$0x10D0] =	vst v17;
	v17 =	vor.u32 v7, v18  }
0x74: {  	[tilespmem:$0x1150] =	vst v17;
	v17 =	vsel vm1, $0x3F800000, v13  }
0x75: {  	[tilespmem:$0x1C290] =	vst v17  }
0x76: {  	v17 =	vld.idx.msk [tilespmem:v11+s4+$0x0], $0xffff;
	_ =	sdelay $0x4  }
0x77: {  	v18 =	vadd.s32 $0xFFFFEC78, v17  }
0x78: {  	vm1 =	vgt.s32 v18, $0x0  }
0x79: {  	v18 =	vnsel vm1, $0x0, v18  }
0x7a: {  	vm1 =	vgt.s32 v17, $0x1387;
	v18 =	vmin.u32 v18, $0x31  }
0x7b: {  	[tilespmem:$0x1060] =	vst v17;
	v17 =	vsel vm1, $0x1387, v17;
	v18 =	vshll.u32 v18, $0x7  }
0x7c: {  	[tilespmem:$0x10E0] =	vst v17;
	v17 =	vor.u32 v10, v18;
	v18 =	vld [tilespmem:$0x1080]  }
0x7d: {  	[tilespmem:$0x1160] =	vst v17;
	v17 =	vsel vm1, $0x3F800000, v13  }
0x7e: {  	[tilespmem:$0x1C300] =	vst v17  }
0x7f: {  	v17 =	vld.idx.msk [tilespmem:v12+s4+$0x0], $0xffff;
	_ =	sdelay $0x1  }
0x80: {  	v19 =	vshrl.u32 v18, $0x3  }
0x81: {  	v19 =	vmul.u32 $0x30, v19  }
0x82: {  	v18 =	vand.u32 $0x7, v18  }
0x83: {  	v20 =	vadd.s32 $0xFFFFEC78, v17;
	v18 =	vor.u32 v18, v19  }
0x84: {  	vm1 =	vgt.s32 v20, $0x0;
	v19 =	vperm.xlane v18, v14  }
0x85: {  	v20 =	vnsel vm1, $0x0, v20  }
0x86: {  	vm1 =	vgt.s32 v17, $0x1387;
	v20 =	vmin.u32 v20, $0x31;
	v19 =	vadd.s32 v15, v19  }
0x87: {  	[tilespmem:$0x1070] =	vst v17;
	v17 =	vsel vm1, $0x1387, v17;
	v20 =	vshll.u32 v20, $0x7  }
0x88: {  	[tilespmem:$0x10F0] =	vst v17;
	v17 =	vor.u32 v10, v20  }
0x89: {  	[tilespmem:$0x1170] =	vst v17;
	v17 =	vsel vm1, $0x3F800000, v13  }
0x8a: {  	s30 =	simm.s32 $0x1180;
	[tilespmem:$0x1C310] =	vst v17;
	v17 =	vperm.xlane v18, v16  }
0x8b: {  	[tilespmem:s30], [sflag:$0x2] =	stream.indirect_vreg.gather [hbm4b:s1+s4], $0x80, v19, vm0, $0xb8;
	[tilespmem:$0x1C380] =	vst v63  }
0x8c: {  	s5 =	simm.s32 $0x1980;
	v17 =	vadd.s32 v15, v17  }
0x8d: {  	[tilespmem:s5], [sflag:$0x2] =	stream.indirect_vreg.gather [hbm4b:s6+s4], $0x80, v19, vm0, $0xb8;
	[tilespmem:$0x1C380] =	vst v63  }
0x8e: {  	s11 =	simm.s32 $0x2180  }
0x8f: {  	[tilespmem:s11], [sflag:$0x2] =	stream.indirect_vreg.gather [hbm4b:s7+s4], $0x80, v19, vm0, $0xb8;
	[tilespmem:$0x1C380] =	vst v63  }
0x90: {  	s12 =	simm.s32 $0x2980  }
0x91: {  	[tilespmem:s12], [sflag:$0x2] =	stream.indirect_vreg.gather [hbm4b:s1+s4], $0x80, v17, vm0, $0xb8;
	[tilespmem:$0x1C380] =	vst v63  }
0x92: {  	s13 =	simm.s32 $0x3180  }
0x93: {  	[tilespmem:s13], [sflag:$0x2] =	stream.indirect_vreg.gather [hbm4b:s6+s4], $0x80, v17, vm0, $0xb8;
	[tilespmem:$0x1C380] =	vst v63  }
0x94: {  	s14 =	simm.s32 $0x3980  }
0x95: {  	[tilespmem:s14], [sflag:$0x2] =	stream.indirect_vreg.gather [hbm4b:s7+s4], $0x80, v17, vm0, $0xb8;
	[tilespmem:$0x1C380] =	vst v63  }
0x96: {  	v17 =	vld [tilespmem:$0x1090];
	_ =	sdelay $0x4  }
0x97: {  	v18 =	vshrl.u32 v17, $0x3  }
0x98: {  	v18 =	vmul.u32 $0x30, v18  }
0x99: {  	v17 =	vand.u32 $0x7, v17  }
0x9a: {  	v17 =	vor.u32 v17, v18  }
0x9b: {  	v18 =	vperm.xlane v17, v14;
	_ =	sdelay $0x1  }
0x9c: {  	v18 =	vadd.s32 v15, v18;
	_ =	sdelay $0x3  }
0x9d: {  	s15 =	simm.s32 $0x4180;
	v17 =	vperm.xlane v17, v16  }
0x9e: {  	[tilespmem:s15], [sflag:$0x3] =	stream.indirect_vreg.gather [hbm4b:s1+s4], $0x80, v18, vm0, $0xb8;
	[tilespmem:$0x1C380] =	vst v63  }
0x9f: {  	s16 =	simm.s32 $0x4980;
	v17 =	vadd.s32 v15, v17  }
0xa0: {  	[tilespmem:s16], [sflag:$0x3] =	stream.indirect_vreg.gather [hbm4b:s6+s4], $0x80, v18, vm0, $0xb8;
	[tilespmem:$0x1C380] =	vst v63  }
0xa1: {  	s17 =	simm.s32 $0x5180  }
0xa2: {  	[tilespmem:s17], [sflag:$0x3] =	stream.indirect_vreg.gather [hbm4b:s7+s4], $0x80, v18, vm0, $0xb8;
	[tilespmem:$0x1C380] =	vst v63  }
0xa3: {  	s18 =	simm.s32 $0x5980  }
0xa4: {  	[tilespmem:s18], [sflag:$0x3] =	stream.indirect_vreg.gather [hbm4b:s1+s4], $0x80, v17, vm0, $0xb8;
	[tilespmem:$0x1C380] =	vst v63  }
0xa5: {  	s19 =	simm.s32 $0x6180  }
0xa6: {  	[tilespmem:s19], [sflag:$0x3] =	stream.indirect_vreg.gather [hbm4b:s6+s4], $0x80, v17, vm0, $0xb8;
	[tilespmem:$0x1C380] =	vst v63  }
0xa7: {  	s22 =	simm.s32 $0x6980  }
0xa8: {  	[tilespmem:s22], [sflag:$0x3] =	stream.indirect_vreg.gather [hbm4b:s7+s4], $0x80, v17, vm0, $0xb8;
	[tilespmem:$0x1C380] =	vst v63  }
0xa9: {  	v17 =	vld [tilespmem:$0x10A0];
	_ =	sdelay $0x4  }
0xaa: {  	v18 =	vshrl.u32 v17, $0x3  }
0xab: {  	v18 =	vmul.u32 $0x30, v18  }
0xac: {  	v17 =	vand.u32 $0x7, v17  }
0xad: {  	v17 =	vor.u32 v17, v18  }
0xae: {  	v18 =	vperm.xlane v17, v14;
	_ =	sdelay $0x1  }
0xaf: {  	v18 =	vadd.s32 v15, v18;
	_ =	sdelay $0x3  }
0xb0: {  	s23 =	simm.s32 $0x7180;
	v17 =	vperm.xlane v17, v16  }
0xb1: {  	[tilespmem:s23], [sflag:$0x4] =	stream.indirect_vreg.gather [hbm4b:s1+s4], $0x80, v18, vm0, $0xb8;
	[tilespmem:$0x1C380] =	vst v63  }
0xb2: {  	s24 =	simm.s32 $0x7980;
	v17 =	vadd.s32 v15, v17  }
0xb3: {  	[tilespmem:s24], [sflag:$0x4] =	stream.indirect_vreg.gather [hbm4b:s6+s4], $0x80, v18, vm0, $0xb8;
	[tilespmem:$0x1C380] =	vst v63  }
0xb4: {  	s26 =	simm.s32 $0x8180  }
0xb5: {  	[tilespmem:s26], [sflag:$0x4] =	stream.indirect_vreg.gather [hbm4b:s7+s4], $0x80, v18, vm0, $0xb8;
	[tilespmem:$0x1C380] =	vst v63  }
0xb6: {  	s29 =	simm.s32 $0x8980  }
0xb7: {  	[tilespmem:s29], [sflag:$0x4] =	stream.indirect_vreg.gather [hbm4b:s1+s4], $0x80, v17, vm0, $0xb8;
	[tilespmem:$0x1C380] =	vst v63  }
0xb8: {  	s30 =	simm.s32 $0x9180  }
0xb9: {  	[tilespmem:s30], [sflag:$0x4] =	stream.indirect_vreg.gather [hbm4b:s6+s4], $0x80, v17, vm0, $0xb8;
	[tilespmem:$0x1C380] =	vst v63  }
0xba: {  	s5 =	simm.s32 $0x9980  }
0xbb: {  	[tilespmem:s5], [sflag:$0x4] =	stream.indirect_vreg.gather [hbm4b:s7+s4], $0x80, v17, vm0, $0xb8;
	[tilespmem:$0x1C380] =	vst v63  }
0xbc: {  	v17 =	vld [tilespmem:$0x10B0];
	_ =	sdelay $0x4  }
0xbd: {  	v18 =	vshrl.u32 v17, $0x3  }
0xbe: {  	v18 =	vmul.u32 $0x30, v18  }
0xbf: {  	v17 =	vand.u32 $0x7, v17  }
0xc0: {  	v17 =	vor.u32 v17, v18  }
0xc1: {  	v18 =	vperm.xlane v17, v14;
	_ =	sdelay $0x1  }
0xc2: {  	v18 =	vadd.s32 v15, v18;
	_ =	sdelay $0x3  }
0xc3: {  	s11 =	simm.s32 $0xA180;
	v17 =	vperm.xlane v17, v16  }
0xc4: {  	[tilespmem:s11], [sflag:$0x5] =	stream.indirect_vreg.gather [hbm4b:s1+s4], $0x80, v18, vm0, $0xb8;
	[tilespmem:$0x1C380] =	vst v63  }
0xc5: {  	s12 =	simm.s32 $0xA980;
	v17 =	vadd.s32 v15, v17  }
0xc6: {  	[tilespmem:s12], [sflag:$0x5] =	stream.indirect_vreg.gather [hbm4b:s6+s4], $0x80, v18, vm0, $0xb8;
	[tilespmem:$0x1C380] =	vst v63  }
0xc7: {  	s13 =	simm.s32 $0xB180  }
0xc8: {  	[tilespmem:s13], [sflag:$0x5] =	stream.indirect_vreg.gather [hbm4b:s7+s4], $0x80, v18, vm0, $0xb8;
	[tilespmem:$0x1C380] =	vst v63  }
0xc9: {  	s14 =	simm.s32 $0xB980  }
0xca: {  	[tilespmem:s14], [sflag:$0x5] =	stream.indirect_vreg.gather [hbm4b:s1+s4], $0x80, v17, vm0, $0xb8;
	[tilespmem:$0x1C380] =	vst v63  }
0xcb: {  	s15 =	simm.s32 $0xC180  }
0xcc: {  	[tilespmem:s15], [sflag:$0x5] =	stream.indirect_vreg.gather [hbm4b:s6+s4], $0x80, v17, vm0, $0xb8;
	[tilespmem:$0x1C380] =	vst v63  }
0xcd: {  	s16 =	simm.s32 $0xC980  }
0xce: {  	[tilespmem:s16], [sflag:$0x5] =	stream.indirect_vreg.gather [hbm4b:s7+s4], $0x80, v17, vm0, $0xb8;
	[tilespmem:$0x1C380] =	vst v63  }
0xcf: {  	v17 =	vld [tilespmem:$0x10C0];
	_ =	sdelay $0x4  }
0xd0: {  	v18 =	vshrl.u32 v17, $0x3  }
0xd1: {  	v18 =	vmul.u32 $0x30, v18  }
0xd2: {  	v17 =	vand.u32 $0x7, v17  }
0xd3: {  	v17 =	vor.u32 v17, v18  }
0xd4: {  	v18 =	vperm.xlane v17, v14;
	_ =	sdelay $0x1  }
0xd5: {  	v18 =	vadd.s32 v15, v18;
	_ =	sdelay $0x3  }
0xd6: {  	s17 =	simm.s32 $0xD180;
	v17 =	vperm.xlane v17, v16  }
0xd7: {  	[tilespmem:s17], [sflag:$0x6] =	stream.indirect_vreg.gather [hbm4b:s1+s4], $0x80, v18, vm0, $0xb8;
	[tilespmem:$0x1C380] =	vst v63  }
0xd8: {  	s18 =	simm.s32 $0xD980;
	v17 =	vadd.s32 v15, v17  }
0xd9: {  	[tilespmem:s18], [sflag:$0x6] =	stream.indirect_vreg.gather [hbm4b:s6+s4], $0x80, v18, vm0, $0xb8;
	[tilespmem:$0x1C380] =	vst v63  }
0xda: {  	s19 =	simm.s32 $0xE180  }
0xdb: {  	[tilespmem:s19], [sflag:$0x6] =	stream.indirect_vreg.gather [hbm4b:s7+s4], $0x80, v18, vm0, $0xb8;
	[tilespmem:$0x1C380] =	vst v63  }
0xdc: {  	s22 =	simm.s32 $0xE980  }
0xdd: {  	[tilespmem:s22], [sflag:$0x6] =	stream.indirect_vreg.gather [hbm4b:s1+s4], $0x80, v17, vm0, $0xb8;
	[tilespmem:$0x1C380] =	vst v63  }
0xde: {  	s23 =	simm.s32 $0xF180  }
0xdf: {  	[tilespmem:s23], [sflag:$0x6] =	stream.indirect_vreg.gather [hbm4b:s6+s4], $0x80, v17, vm0, $0xb8;
	[tilespmem:$0x1C380] =	vst v63  }
0xe0: {  	s24 =	simm.s32 $0xF980  }
0xe1: {  	[tilespmem:s24], [sflag:$0x6] =	stream.indirect_vreg.gather [hbm4b:s7+s4], $0x80, v17, vm0, $0xb8;
	[tilespmem:$0x1C380] =	vst v63  }
0xe2: {  	v17 =	vld [tilespmem:$0x10D0];
	_ =	sdelay $0x4  }
0xe3: {  	v18 =	vshrl.u32 v17, $0x3  }
0xe4: {  	v18 =	vmul.u32 $0x30, v18  }
0xe5: {  	v17 =	vand.u32 $0x7, v17  }
0xe6: {  	v17 =	vor.u32 v17, v18  }
0xe7: {  	v18 =	vperm.xlane v17, v14;
	_ =	sdelay $0x1  }
0xe8: {  	v18 =	vadd.s32 v15, v18;
	_ =	sdelay $0x3  }
0xe9: {  	s26 =	simm.s32 $0x10180;
	v17 =	vperm.xlane v17, v16  }
0xea: {  	[tilespmem:s26], [sflag:$0x7] =	stream.indirect_vreg.gather [hbm4b:s1+s4], $0x80, v18, vm0, $0xb8;
	[tilespmem:$0x1C380] =	vst v63  }
0xeb: {  	s29 =	simm.s32 $0x10980;
	v17 =	vadd.s32 v15, v17  }
0xec: {  	[tilespmem:s29], [sflag:$0x7] =	stream.indirect_vreg.gather [hbm4b:s6+s4], $0x80, v18, vm0, $0xb8;
	[tilespmem:$0x1C380] =	vst v63  }
0xed: {  	s30 =	simm.s32 $0x11180  }
0xee: {  	[tilespmem:s30], [sflag:$0x7] =	stream.indirect_vreg.gather [hbm4b:s7+s4], $0x80, v18, vm0, $0xb8;
	[tilespmem:$0x1C380] =	vst v63  }
0xef: {  	s5 =	simm.s32 $0x11980  }
0xf0: {  	[tilespmem:s5], [sflag:$0x7] =	stream.indirect_vreg.gather [hbm4b:s1+s4], $0x80, v17, vm0, $0xb8;
	[tilespmem:$0x1C380] =	vst v63  }
0xf1: {  	s11 =	simm.s32 $0x12180  }
0xf2: {  	[tilespmem:s11], [sflag:$0x7] =	stream.indirect_vreg.gather [hbm4b:s6+s4], $0x80, v17, vm0, $0xb8;
	[tilespmem:$0x1C380] =	vst v63  }
0xf3: {  	s12 =	simm.s32 $0x12980  }
0xf4: {  	[tilespmem:s12], [sflag:$0x7] =	stream.indirect_vreg.gather [hbm4b:s7+s4], $0x80, v17, vm0, $0xb8;
	[tilespmem:$0x1C380] =	vst v63  }
0xf5: {  	v17 =	vld [tilespmem:$0x10E0];
	_ =	sdelay $0x4  }
0xf6: {  	v18 =	vshrl.u32 v17, $0x3  }
0xf7: {  	v18 =	vmul.u32 $0x30, v18  }
0xf8: {  	v17 =	vand.u32 $0x7, v17  }
0xf9: {  	v17 =	vor.u32 v17, v18  }
0xfa: {  	v18 =	vperm.xlane v17, v14;
	_ =	sdelay $0x1  }
0xfb: {  	v18 =	vadd.s32 v15, v18;
	_ =	sdelay $0x3  }
0xfc: {  	s13 =	simm.s32 $0x13180;
	v17 =	vperm.xlane v17, v16  }
0xfd: {  	[tilespmem:s13], [sflag:$0x8] =	stream.indirect_vreg.gather [hbm4b:s1+s4], $0x80, v18, vm0, $0xb8;
	[tilespmem:$0x1C380] =	vst v63  }
0xfe: {  	s14 =	simm.s32 $0x13980;
	v17 =	vadd.s32 v15, v17  }
0xff: {  	[tilespmem:s14], [sflag:$0x8] =	stream.indirect_vreg.gather [hbm4b:s6+s4], $0x80, v18, vm0, $0xb8;
	[tilespmem:$0x1C380] =	vst v63  }
0x100: {  	s15 =	simm.s32 $0x14180  }
0x101: {  	[tilespmem:s15], [sflag:$0x8] =	stream.indirect_vreg.gather [hbm4b:s7+s4], $0x80, v18, vm0, $0xb8;
	[tilespmem:$0x1C380] =	vst v63  }
0x102: {  	s16 =	simm.s32 $0x14980  }
0x103: {  	[tilespmem:s16], [sflag:$0x8] =	stream.indirect_vreg.gather [hbm4b:s1+s4], $0x80, v17, vm0, $0xb8;
	[tilespmem:$0x1C380] =	vst v63  }
0x104: {  	s17 =	simm.s32 $0x15180  }
0x105: {  	[tilespmem:s17], [sflag:$0x8] =	stream.indirect_vreg.gather [hbm4b:s6+s4], $0x80, v17, vm0, $0xb8;
	[tilespmem:$0x1C380] =	vst v63  }
0x106: {  	s18 =	simm.s32 $0x15980  }
0x107: {  	[tilespmem:s18], [sflag:$0x8] =	stream.indirect_vreg.gather [hbm4b:s7+s4], $0x80, v17, vm0, $0xb8;
	[tilespmem:$0x1C380] =	vst v63  }
0x108: {  	v17 =	vld [tilespmem:$0x10F0];
	_ =	sdelay $0x4  }
0x109: {  	v18 =	vshrl.u32 v17, $0x3  }
0x10a: {  	v18 =	vmul.u32 $0x30, v18  }
0x10b: {  	v17 =	vand.u32 $0x7, v17  }
0x10c: {  	v17 =	vor.u32 v17, v18  }
0x10d: {  	v18 =	vperm.xlane v17, v14;
	_ =	sdelay $0x1  }
0x10e: {  	v18 =	vadd.s32 v15, v18;
	_ =	sdelay $0x3  }
0x10f: {  	v17 =	vperm.xlane v17, v16  }
0x110: {  	[tilespmem:s2], [sflag:$0x9] =	stream.indirect_vreg.gather [hbm4b:s1+s4], $0x80, v18, vm0, $0xb8;
	[tilespmem:$0x1C380] =	vst v63  }
0x111: {  	s19 =	simm.s32 $0x16980;
	v17 =	vadd.s32 v15, v17  }
0x112: {  	[tilespmem:s19], [sflag:$0x9] =	stream.indirect_vreg.gather [hbm4b:s6+s4], $0x80, v18, vm0, $0xb8;
	[tilespmem:$0x1C380] =	vst v63  }
0x113: {  	s22 =	simm.s32 $0x17180  }
0x114: {  	[tilespmem:s22], [sflag:$0x9] =	stream.indirect_vreg.gather [hbm4b:s7+s4], $0x80, v18, vm0, $0xb8;
	[tilespmem:$0x1C380] =	vst v63  }
0x115: {  	s23 =	simm.s32 $0x17980  }
0x116: {  	[tilespmem:s23], [sflag:$0x9] =	stream.indirect_vreg.gather [hbm4b:s1+s4], $0x80, v17, vm0, $0xb8;
	[tilespmem:$0x1C380] =	vst v63  }
0x117: {  	s24 =	simm.s32 $0x18180  }
0x118: {  	[tilespmem:s24], [sflag:$0x9] =	stream.indirect_vreg.gather [hbm4b:s6+s4], $0x80, v17, vm0, $0xb8;
	[tilespmem:$0x1C380] =	vst v63  }
0x119: {  	s26 =	simm.s32 $0x18980;
	s29 =	simm.s32 $0x2  }
0x11a: {  	[tilespmem:s26], [sflag:$0x9] =	stream.indirect_vreg.gather [hbm4b:s7+s4], $0x80, v17, vm0, $0xb8;
	[tilespmem:$0x1C380] =	vst v63  }
0x11b: {  	_ =	swait.ge [sflag:s29], $0x3000  }
0x11c: {  	[sflag:s29] =	ssyncset.done $0x0  }
0x11d: {  	[sflag:s29] =	ssyncadd.s32 $0xFFFFD000  }
0x11e: {  	v17 =	vld [tilespmem:$0x1000];
	_ =	sdelay $0x4  }
0x11f: {  	vm1 =	vgt.s32 v17, $0x1387  }
0x120: {  	v18 =	vsel vm1, $0x3F800000, v13  }
0x121: {  	(xrf2) =	vadd.scan.msk.f32 $0xffff, v18;
	_ =	sdelay $0x9  }
0x122: {  	v18, _, _ =	vpop (xrf2)  }
0x123: {  	(v2sf) =	vpush v18, $0xF;
	_ =	sdelay $0xe  }
0x124: {  	s30 =	spop (v2sf)  }
0x125: {  	p0 =	sgt.f32 s30, $5.000000000e-01  }
.Ltmp2:
0x126: {  	_ = 	snop;
	(pc) =	sbr.rel @!p0 .LBB2_8-.Ltmp2, $1  }
0x127: {  	_ =	sdelay $0x3  }
0x128: {  	v18 =	vld [tilespmem:$0x1100];
	_ =	sdelay $0x4  }
0x129: {  	v19 =	vshrl.u32 v18, $0x3  }
0x12a: {  	v19 =	vmul.u32 $0x30, v19  }
0x12b: {  	v18 =	vand.u32 $0x7, v18  }
0x12c: {  	v18 =	vor.u32 v18, v19  }
0x12d: {  	v19 =	vperm.xlane v18, v14;
	_ =	sdelay $0x1  }
0x12e: {  	v19 =	vadd.s32 v15, v19;
	_ =	sdelay $0x3  }
0x12f: {  	s11 =	simm.s32 $0x0;
	s0 =	simm.s32 $0x19180;
	v18 =	vperm.xlane v18, v16  }
0x130: {  	[tilespmem:s0], [sflag:$0x1] =	stream.indirect_vreg.gather [hbm4b:s3+s11], $0x80, v19, vm0, $0xb8;
	[tilespmem:$0x1C380] =	vst v63  }
0x131: {  	s29 =	simm.s32 $0x19980;
	v18 =	vadd.s32 v15, v18  }
0x132: {  	[tilespmem:s29], [sflag:$0x1] =	stream.indirect_vreg.gather [hbm4b:s8+s11], $0x80, v19, vm0, $0xb8;
	[tilespmem:$0x1C380] =	vst v63  }
0x133: {  	s30 =	simm.s32 $0x1A180  }
0x134: {  	[tilespmem:s30], [sflag:$0x1] =	stream.indirect_vreg.gather [hbm4b:s9+s11], $0x80, v19, vm0, $0xb8;
	[tilespmem:$0x1C380] =	vst v63  }
0x135: {  	_ = 	snop  }
0x136: {  	[tilespmem:s25], [sflag:$0x1] =	stream.indirect_vreg.gather [hbm4b:s3+s11], $0x80, v18, vm0, $0xb8;
	[tilespmem:$0x1C380] =	vst v63  }
0x137: {  	_ = 	snop  }
0x138: {  	[tilespmem:s21], [sflag:$0x1] =	stream.indirect_vreg.gather [hbm4b:s8+s11], $0x80, v18, vm0, $0xb8;
	[tilespmem:$0x1C380] =	vst v63  }
.Ltmp3:
0x139: {  	_ = 	snop;
	(pc) =	sbr.rel .LBB2_3-.Ltmp3, $4  }
0x13a: {  	[tilespmem:s10], [sflag:$0x1] =	stream.indirect_vreg.gather [hbm4b:s9+s11], $0x80, v18, vm0, $0xb8;
	[tilespmem:$0x1C380] =	vst v63  }
0x13b: {  	_ =	swait.ge [sflag:s28], $0x3000  }
0x13c: {  	[sflag:s28] =	ssyncset.done $0x0  }
0x13d: {  	v17 =	vcvt.s32.f32 v17;
	[sflag:s28] =	ssyncadd.s32 $0xFFFFD000  }
.LBB2_7:
0x13e: {  	s11 =	sadd.s32 $0x1, s11  }
0x13f: {  	p0 =	sne.s32 s11, $0x10  }
.Ltmp4:
0x140: {  	_ = 	snop;
	(pc) =	sbr.rel @!p0 .LBB2_8-.Ltmp4, $1  }
0x141: {  	_ =	sdelay $0x3  }
.LBB2_3:
0x142: {  	v18 =	vmov s11  }
0x143: {  	vm1 =	veq.s32 v18, v0  }
0x144: {  	v18 =	vnsel vm1, $0x0, v17  }
0x145: {  	(xrf2) =	vadd.scan.msk.f32 $0xffff, v18;
	_ =	sdelay $0x9  }
0x146: {  	v18, _, _ =	vpop (xrf2)  }
0x147: {  	(v2sf) =	vpush v18, $0xF;
	_ =	sdelay $0xe  }
0x148: {  	s0 =	spop (v2sf)  }
0x149: {  	p0 =	sge.f32 s0, $5.000000000e+03  }
.Ltmp5:
0x14a: {  	_ = 	snop;
	(pc) =	sbr.rel @!p0 .LBB2_7-.Ltmp5, $1  }
0x14b: {  	_ =	sdelay $0x3  }
0x14c: {  	s0 =	sshll.u32 s11, $0x7;
	s5 =	sshrl.u32 s11, $0x3;
	s18 =	simm.s32 $0x0  }
0x14d: {  	s30 =	simm.s32 $0x40;
	s2 =	sand.u32 $0x380, s0;
	s16 =	smul.u32 $0x1800, s5  }
0x14e: {  	s19 =	sand.u32 $0x40, s18;
	s0 =	sand.u32 $0x1C00, s18;
	s13 =	sor.u32 $0x10, s2  }
0x14f: {  	s14 =	sor.u32 $0x20, s2;
	s12 =	sor.u32 s2, s19;
	s0 =	sadd.s32 s16, s0  }
0x150: {  	s23 =	sor.u32 $0x30, s2;
	s22 =	sor.u32 s13, s19;
	s29 =	sor.u32 s0, s12  }
0x151: {  	s15 =	sor.u32 s23, s19;
	s5 =	sor.u32 s14, s19;
	s17 =	sor.u32 s0, s22;
	v18 =	vld [tilespmem:s29+$0x19180]  }
0x152: {  	s18 =	sor.u32 s0, s15;
	s19 =	sor.u32 s0, s5;
	s0 =	simm.s32 $0x200;
	v19 =	vld [tilespmem:s17+$0x19180]  }
0x153: {  	s26 =	simm.s32 $0x4;
	s15 =	sand.u32 $0x40, s30;
	v20 =	vld [tilespmem:s19+$0x19180];
	s24 =	sand.u32 $0x1C00, s0  }
0x154: {  	v21 =	vld [tilespmem:s18+$0x19180];
	s22 =	sor.u32 s2, s15;
	s5 =	sor.u32 s23, s15;
	s12 =	sadd.s32 s16, s24  }
.LBB2_5:
0x155: {  	s24 =	sor.u32 s13, s15;
	s26 =	sadd.s32 $0x4, s26  }
0x156: {  	s15 =	sor.u32 s14, s15;
	[tilespmem:s29+$0x1180] =	vst v18;
	s29 =	sor.u32 s12, s22;
	p0 =	slt.u32 s26, $0x2C  }
.Ltmp6:
0x157: {  	s5 =	sor.u32 s12, s5;
	v18 =	vld [tilespmem:s29+$0x19180];
	[tilespmem:s17+$0x1180] =	vst v19;
	s17 =	sor.u32 s12, s24;
	(pc) =	sbr.rel @p0 .LBB2_5-.Ltmp6, $4  }
0x158: {  	v19 =	vld [tilespmem:s17+$0x19180];
	[tilespmem:s19+$0x1180] =	vst v20;
	s19 =	sor.u32 s12, s15  }
0x159: {  	s0 =	sadd.s32 $0x200, s0;
	s30 =	sadd.s32 $0x40, s30;
	v20 =	vld [tilespmem:s19+$0x19180];
	[tilespmem:s18+$0x1180] =	vst v21  }
0x15a: {  	s15 =	sand.u32 $0x40, s30;
	s12 =	sand.u32 $0x1C00, s0;
	s18 =	smov.u32 s5;
	v21 =	vld [tilespmem:s5+$0x19180]  }
0x15b: {  	s12 =	sadd.s32 s16, s12;
	s22 =	sor.u32 s2, s15;
	s5 =	sor.u32 s23, s15  }
0x15c: {  	s0 =	sor.u32 s12, s22  }
0x15d: {  	s2 =	sor.u32 s13, s15;
	s5 =	sor.u32 s12, s5;
	v22 =	vld [tilespmem:s0+$0x19180]  }
0x15e: {  	s30 =	sor.u32 s14, s15;
	[tilespmem:s29+$0x1180] =	vst v18;
	s2 =	sor.u32 s12, s2;
	v63 =	vld [tilespmem:s5+$0x19180]  }
0x15f: {  	s13 =	sor.u32 s12, s30;
	[tilespmem:s17+$0x1180] =	vst v19;
	v18 =	vld [tilespmem:s2+$0x19180]  }
0x160: {  	v19 =	vld [tilespmem:s13+$0x19180];
	[tilespmem:s19+$0x1180] =	vst v20  }
.Ltmp7:
0x161: {  	[tilespmem:s18+$0x1180] =	vst v21;
	(pc) =	sbr.rel .LBB2_7-.Ltmp7, $4  }
0x162: {  	[tilespmem:s0+$0x1180] =	vst v22  }
0x163: {  	[tilespmem:s5+$0x1180] =	vst v63  }
0x164: {  	[tilespmem:s2+$0x1180] =	vst v18  }
0x165: {  	[tilespmem:s13+$0x1180] =	vst v19  }
.LBB2_8:
0x166: {  	s0 =	rddreg [dreg:$0x6];
	s2 =	simm.s32 $0x1180;
	s29 =	simm.s32 $0x3  }
0x167: {  	[hbm4b:s0+s4] =	stream.linear.scatter [tilespmem:s2], [sflag:$0xA], $0x3000, $0x38;
	[tilespmem:$0x1C380] =	vst v63  }
0x168: {  	_ =	swait.ge [sflag:s29], $0x3000  }
0x169: {  	[sflag:s29] =	ssyncset.done $0x0  }
0x16a: {  	[sflag:s29] =	ssyncadd.s32 $0xFFFFD000  }
0x16b: {  	v17 =	vld [tilespmem:$0x1010];
	_ =	sdelay $0x4  }
0x16c: {  	vm1 =	vgt.s32 v17, $0x1387  }
0x16d: {  	v18 =	vsel vm1, $0x3F800000, v13  }
0x16e: {  	(xrf2) =	vadd.scan.msk.f32 $0xffff, v18;
	_ =	sdelay $0x9  }
0x16f: {  	v18, _, _ =	vpop (xrf2)  }
0x170: {  	(v2sf) =	vpush v18, $0xF;
	_ =	sdelay $0xe  }
0x171: {  	s30 =	spop (v2sf)  }
0x172: {  	p0 =	sgt.f32 s30, $5.000000000e-01  }
.Ltmp8:
0x173: {  	_ = 	snop;
	(pc) =	sbr.rel @!p0 .LBB2_15-.Ltmp8, $1  }
0x174: {  	_ =	sdelay $0x3  }
0x175: {  	v18 =	vld [tilespmem:$0x1110];
	_ =	sdelay $0x4  }
0x176: {  	v19 =	vshrl.u32 v18, $0x3  }
0x177: {  	v19 =	vmul.u32 $0x30, v19  }
0x178: {  	v18 =	vand.u32 $0x7, v18  }
0x179: {  	v18 =	vor.u32 v18, v19  }
0x17a: {  	v19 =	vperm.xlane v18, v14;
	_ =	sdelay $0x1  }
0x17b: {  	v19 =	vadd.s32 v15, v19;
	_ =	sdelay $0x3  }
0x17c: {  	s11 =	simm.s32 $0x0;
	s0 =	simm.s32 $0x19180;
	v18 =	vperm.xlane v18, v16  }
0x17d: {  	[tilespmem:s0], [sflag:$0x1] =	stream.indirect_vreg.gather [hbm4b:s3+s11], $0x80, v19, vm0, $0xb8;
	[tilespmem:$0x1C380] =	vst v63  }
0x17e: {  	s29 =	simm.s32 $0x19980;
	v18 =	vadd.s32 v15, v18  }
0x17f: {  	[tilespmem:s29], [sflag:$0x1] =	stream.indirect_vreg.gather [hbm4b:s8+s11], $0x80, v19, vm0, $0xb8;
	[tilespmem:$0x1C380] =	vst v63  }
0x180: {  	s30 =	simm.s32 $0x1A180  }
0x181: {  	[tilespmem:s30], [sflag:$0x1] =	stream.indirect_vreg.gather [hbm4b:s9+s11], $0x80, v19, vm0, $0xb8;
	[tilespmem:$0x1C380] =	vst v63  }
0x182: {  	_ = 	snop  }
0x183: {  	[tilespmem:s25], [sflag:$0x1] =	stream.indirect_vreg.gather [hbm4b:s3+s11], $0x80, v18, vm0, $0xb8;
	[tilespmem:$0x1C380] =	vst v63  }
0x184: {  	_ = 	snop  }
0x185: {  	[tilespmem:s21], [sflag:$0x1] =	stream.indirect_vreg.gather [hbm4b:s8+s11], $0x80, v18, vm0, $0xb8;
	[tilespmem:$0x1C380] =	vst v63  }
.Ltmp9:
0x186: {  	_ = 	snop;
	(pc) =	sbr.rel .LBB2_10-.Ltmp9, $4  }
0x187: {  	[tilespmem:s10], [sflag:$0x1] =	stream.indirect_vreg.gather [hbm4b:s9+s11], $0x80, v18, vm0, $0xb8;
	[tilespmem:$0x1C380] =	vst v63  }
0x188: {  	_ =	swait.ge [sflag:s28], $0x3000  }
0x189: {  	[sflag:s28] =	ssyncset.done $0x0  }
0x18a: {  	v17 =	vcvt.s32.f32 v17;
	[sflag:s28] =	ssyncadd.s32 $0xFFFFD000  }
.LBB2_14:
0x18b: {  	s11 =	sadd.s32 $0x1, s11  }
0x18c: {  	p0 =	sne.s32 s11, $0x10  }
.Ltmp10:
0x18d: {  	_ = 	snop;
	(pc) =	sbr.rel @!p0 .LBB2_15-.Ltmp10, $1  }
0x18e: {  	_ =	sdelay $0x3  }
.LBB2_10:
0x18f: {  	v18 =	vmov s11  }
0x190: {  	vm1 =	veq.s32 v18, v0  }
0x191: {  	v18 =	vnsel vm1, $0x0, v17  }
0x192: {  	(xrf2) =	vadd.scan.msk.f32 $0xffff, v18;
	_ =	sdelay $0x9  }
0x193: {  	v18, _, _ =	vpop (xrf2)  }
0x194: {  	(v2sf) =	vpush v18, $0xF;
	_ =	sdelay $0xe  }
0x195: {  	s0 =	spop (v2sf)  }
0x196: {  	p0 =	sge.f32 s0, $5.000000000e+03  }
.Ltmp11:
0x197: {  	_ = 	snop;
	(pc) =	sbr.rel @!p0 .LBB2_14-.Ltmp11, $1  }
0x198: {  	_ =	sdelay $0x3  }
0x199: {  	s0 =	sshll.u32 s11, $0x7;
	s5 =	sshrl.u32 s11, $0x3;
	s18 =	simm.s32 $0x0  }
0x19a: {  	s30 =	simm.s32 $0x40;
	s2 =	sand.u32 $0x380, s0;
	s16 =	smul.u32 $0x1800, s5  }
0x19b: {  	s19 =	sand.u32 $0x40, s18;
	s0 =	sand.u32 $0x1C00, s18;
	s13 =	sor.u32 $0x10, s2  }
0x19c: {  	s14 =	sor.u32 $0x20, s2;
	s12 =	sor.u32 s2, s19;
	s0 =	sadd.s32 s16, s0  }
0x19d: {  	s23 =	sor.u32 $0x30, s2;
	s22 =	sor.u32 s13, s19;
	s17 =	sor.u32 s0, s12  }
0x19e: {  	s15 =	sor.u32 s23, s19;
	s5 =	sor.u32 s14, s19;
	s29 =	sor.u32 s0, s22;
	v18 =	vld [tilespmem:s17+$0x19180]  }
0x19f: {  	s18 =	sor.u32 s0, s15;
	s19 =	sor.u32 s0, s5;
	s0 =	simm.s32 $0x200;
	v19 =	vld [tilespmem:s29+$0x19180]  }
0x1a0: {  	s26 =	simm.s32 $0x4;
	s15 =	sand.u32 $0x40, s30;
	v20 =	vld [tilespmem:s19+$0x19180];
	s24 =	sand.u32 $0x1C00, s0  }
0x1a1: {  	v21 =	vld [tilespmem:s18+$0x19180];
	s22 =	sor.u32 s2, s15;
	s5 =	sor.u32 s23, s15;
	s12 =	sadd.s32 s16, s24  }
.LBB2_12:
0x1a2: {  	s24 =	sor.u32 s13, s15;
	s26 =	sadd.s32 $0x4, s26  }
0x1a3: {  	s15 =	sor.u32 s14, s15;
	[tilespmem:s17+$0x4180] =	vst v18;
	s17 =	sor.u32 s12, s22;
	p0 =	slt.u32 s26, $0x2C  }
.Ltmp12:
0x1a4: {  	s5 =	sor.u32 s12, s5;
	v18 =	vld [tilespmem:s17+$0x19180];
	[tilespmem:s29+$0x4180] =	vst v19;
	s29 =	sor.u32 s12, s24;
	(pc) =	sbr.rel @p0 .LBB2_12-.Ltmp12, $4  }
0x1a5: {  	v19 =	vld [tilespmem:s29+$0x19180];
	[tilespmem:s19+$0x4180] =	vst v20;
	s19 =	sor.u32 s12, s15  }
0x1a6: {  	s0 =	sadd.s32 $0x200, s0;
	s30 =	sadd.s32 $0x40, s30;
	v20 =	vld [tilespmem:s19+$0x19180];
	[tilespmem:s18+$0x4180] =	vst v21  }
0x1a7: {  	s15 =	sand.u32 $0x40, s30;
	s12 =	sand.u32 $0x1C00, s0;
	s18 =	smov.u32 s5;
	v21 =	vld [tilespmem:s5+$0x19180]  }
0x1a8: {  	s12 =	sadd.s32 s16, s12;
	s22 =	sor.u32 s2, s15;
	s5 =	sor.u32 s23, s15  }
0x1a9: {  	s0 =	sor.u32 s12, s22  }
0x1aa: {  	s2 =	sor.u32 s13, s15;
	s5 =	sor.u32 s12, s5;
	v22 =	vld [tilespmem:s0+$0x19180]  }
0x1ab: {  	s30 =	sor.u32 s14, s15;
	[tilespmem:s17+$0x4180] =	vst v18;
	s2 =	sor.u32 s12, s2;
	v63 =	vld [tilespmem:s5+$0x19180]  }
0x1ac: {  	s13 =	sor.u32 s12, s30;
	[tilespmem:s29+$0x4180] =	vst v19;
	v18 =	vld [tilespmem:s2+$0x19180]  }
0x1ad: {  	v19 =	vld [tilespmem:s13+$0x19180];
	[tilespmem:s19+$0x4180] =	vst v20  }
.Ltmp13:
0x1ae: {  	[tilespmem:s18+$0x4180] =	vst v21;
	(pc) =	sbr.rel .LBB2_14-.Ltmp13, $4  }
0x1af: {  	[tilespmem:s0+$0x4180] =	vst v22  }
0x1b0: {  	[tilespmem:s5+$0x4180] =	vst v63  }
0x1b1: {  	[tilespmem:s2+$0x4180] =	vst v18  }
0x1b2: {  	[tilespmem:s13+$0x4180] =	vst v19  }
.LBB2_15:
0x1b3: {  	s0 =	rddreg [dreg:$0x7];
	s2 =	simm.s32 $0x4180;
	s29 =	simm.s32 $0x4  }
0x1b4: {  	[hbm4b:s0+s4] =	stream.linear.scatter [tilespmem:s2], [sflag:$0xB], $0x3000, $0x38;
	[tilespmem:$0x1C380] =	vst v63  }
0x1b5: {  	_ =	swait.ge [sflag:s29], $0x3000  }
0x1b6: {  	[sflag:s29] =	ssyncset.done $0x0  }
0x1b7: {  	[sflag:s29] =	ssyncadd.s32 $0xFFFFD000  }
0x1b8: {  	v17 =	vld [tilespmem:$0x1020];
	_ =	sdelay $0x4  }
0x1b9: {  	vm1 =	vgt.s32 v17, $0x1387  }
0x1ba: {  	v18 =	vsel vm1, $0x3F800000, v13  }
0x1bb: {  	(xrf2) =	vadd.scan.msk.f32 $0xffff, v18;
	_ =	sdelay $0x9  }
0x1bc: {  	v18, _, _ =	vpop (xrf2)  }
0x1bd: {  	(v2sf) =	vpush v18, $0xF;
	_ =	sdelay $0xe  }
0x1be: {  	s30 =	spop (v2sf)  }
0x1bf: {  	p0 =	sgt.f32 s30, $5.000000000e-01  }
.Ltmp14:
0x1c0: {  	_ = 	snop;
	(pc) =	sbr.rel @!p0 .LBB2_22-.Ltmp14, $1  }
0x1c1: {  	_ =	sdelay $0x3  }
0x1c2: {  	v18 =	vld [tilespmem:$0x1120];
	_ =	sdelay $0x4  }
0x1c3: {  	v19 =	vshrl.u32 v18, $0x3  }
0x1c4: {  	v19 =	vmul.u32 $0x30, v19  }
0x1c5: {  	v18 =	vand.u32 $0x7, v18  }
0x1c6: {  	v18 =	vor.u32 v18, v19  }
0x1c7: {  	v19 =	vperm.xlane v18, v14;
	_ =	sdelay $0x1  }
0x1c8: {  	v19 =	vadd.s32 v15, v19;
	_ =	sdelay $0x3  }
0x1c9: {  	s11 =	simm.s32 $0x0;
	s0 =	simm.s32 $0x19180;
	v18 =	vperm.xlane v18, v16  }
0x1ca: {  	[tilespmem:s0], [sflag:$0x1] =	stream.indirect_vreg.gather [hbm4b:s3+s11], $0x80, v19, vm0, $0xb8;
	[tilespmem:$0x1C380] =	vst v63  }
0x1cb: {  	s29 =	simm.s32 $0x19980;
	v18 =	vadd.s32 v15, v18  }
0x1cc: {  	[tilespmem:s29], [sflag:$0x1] =	stream.indirect_vreg.gather [hbm4b:s8+s11], $0x80, v19, vm0, $0xb8;
	[tilespmem:$0x1C380] =	vst v63  }
0x1cd: {  	s30 =	simm.s32 $0x1A180  }
0x1ce: {  	[tilespmem:s30], [sflag:$0x1] =	stream.indirect_vreg.gather [hbm4b:s9+s11], $0x80, v19, vm0, $0xb8;
	[tilespmem:$0x1C380] =	vst v63  }
0x1cf: {  	_ = 	snop  }
0x1d0: {  	[tilespmem:s25], [sflag:$0x1] =	stream.indirect_vreg.gather [hbm4b:s3+s11], $0x80, v18, vm0, $0xb8;
	[tilespmem:$0x1C380] =	vst v63  }
0x1d1: {  	_ = 	snop  }
0x1d2: {  	[tilespmem:s21], [sflag:$0x1] =	stream.indirect_vreg.gather [hbm4b:s8+s11], $0x80, v18, vm0, $0xb8;
	[tilespmem:$0x1C380] =	vst v63  }
.Ltmp15:
0x1d3: {  	_ = 	snop;
	(pc) =	sbr.rel .LBB2_17-.Ltmp15, $4  }
0x1d4: {  	[tilespmem:s10], [sflag:$0x1] =	stream.indirect_vreg.gather [hbm4b:s9+s11], $0x80, v18, vm0, $0xb8;
	[tilespmem:$0x1C380] =	vst v63  }
0x1d5: {  	_ =	swait.ge [sflag:s28], $0x3000  }
0x1d6: {  	[sflag:s28] =	ssyncset.done $0x0  }
0x1d7: {  	v17 =	vcvt.s32.f32 v17;
	[sflag:s28] =	ssyncadd.s32 $0xFFFFD000  }
.LBB2_21:
0x1d8: {  	s11 =	sadd.s32 $0x1, s11  }
0x1d9: {  	p0 =	sne.s32 s11, $0x10  }
.Ltmp16:
0x1da: {  	_ = 	snop;
	(pc) =	sbr.rel @!p0 .LBB2_22-.Ltmp16, $1  }
0x1db: {  	_ =	sdelay $0x3  }
.LBB2_17:
0x1dc: {  	v18 =	vmov s11  }
0x1dd: {  	vm1 =	veq.s32 v18, v0  }
0x1de: {  	v18 =	vnsel vm1, $0x0, v17  }
0x1df: {  	(xrf2) =	vadd.scan.msk.f32 $0xffff, v18;
	_ =	sdelay $0x9  }
0x1e0: {  	v18, _, _ =	vpop (xrf2)  }
0x1e1: {  	(v2sf) =	vpush v18, $0xF;
	_ =	sdelay $0xe  }
0x1e2: {  	s0 =	spop (v2sf)  }
0x1e3: {  	p0 =	sge.f32 s0, $5.000000000e+03  }
.Ltmp17:
0x1e4: {  	_ = 	snop;
	(pc) =	sbr.rel @!p0 .LBB2_21-.Ltmp17, $1  }
0x1e5: {  	_ =	sdelay $0x3  }
0x1e6: {  	s0 =	sshll.u32 s11, $0x7;
	s5 =	sshrl.u32 s11, $0x3;
	s18 =	simm.s32 $0x0  }
0x1e7: {  	s30 =	simm.s32 $0x40;
	s2 =	sand.u32 $0x380, s0;
	s16 =	smul.u32 $0x1800, s5  }
0x1e8: {  	s19 =	sand.u32 $0x40, s18;
	s0 =	sand.u32 $0x1C00, s18;
	s13 =	sor.u32 $0x10, s2  }
0x1e9: {  	s14 =	sor.u32 $0x20, s2;
	s12 =	sor.u32 s2, s19;
	s0 =	sadd.s32 s16, s0  }
0x1ea: {  	s23 =	sor.u32 $0x30, s2;
	s22 =	sor.u32 s13, s19;
	s17 =	sor.u32 s0, s12  }
0x1eb: {  	s15 =	sor.u32 s23, s19;
	s5 =	sor.u32 s14, s19;
	s29 =	sor.u32 s0, s22;
	v18 =	vld [tilespmem:s17+$0x19180]  }
0x1ec: {  	s18 =	sor.u32 s0, s15;
	s19 =	sor.u32 s0, s5;
	s0 =	simm.s32 $0x200;
	v19 =	vld [tilespmem:s29+$0x19180]  }
0x1ed: {  	s26 =	simm.s32 $0x4;
	s15 =	sand.u32 $0x40, s30;
	v20 =	vld [tilespmem:s19+$0x19180];
	s24 =	sand.u32 $0x1C00, s0  }
0x1ee: {  	v21 =	vld [tilespmem:s18+$0x19180];
	s22 =	sor.u32 s2, s15;
	s5 =	sor.u32 s23, s15;
	s12 =	sadd.s32 s16, s24  }
.LBB2_19:
0x1ef: {  	s24 =	sor.u32 s13, s15;
	s26 =	sadd.s32 $0x4, s26  }
0x1f0: {  	s15 =	sor.u32 s14, s15;
	[tilespmem:s17+$0x7180] =	vst v18;
	s17 =	sor.u32 s12, s22;
	p0 =	slt.u32 s26, $0x2C  }
.Ltmp18:
0x1f1: {  	s5 =	sor.u32 s12, s5;
	v18 =	vld [tilespmem:s17+$0x19180];
	[tilespmem:s29+$0x7180] =	vst v19;
	s29 =	sor.u32 s12, s24;
	(pc) =	sbr.rel @p0 .LBB2_19-.Ltmp18, $4  }
0x1f2: {  	v19 =	vld [tilespmem:s29+$0x19180];
	[tilespmem:s19+$0x7180] =	vst v20;
	s19 =	sor.u32 s12, s15  }
0x1f3: {  	s0 =	sadd.s32 $0x200, s0;
	s30 =	sadd.s32 $0x40, s30;
	v20 =	vld [tilespmem:s19+$0x19180];
	[tilespmem:s18+$0x7180] =	vst v21  }
0x1f4: {  	s15 =	sand.u32 $0x40, s30;
	s12 =	sand.u32 $0x1C00, s0;
	s18 =	smov.u32 s5;
	v21 =	vld [tilespmem:s5+$0x19180]  }
0x1f5: {  	s12 =	sadd.s32 s16, s12;
	s22 =	sor.u32 s2, s15;
	s5 =	sor.u32 s23, s15  }
0x1f6: {  	s0 =	sor.u32 s12, s22  }
0x1f7: {  	s2 =	sor.u32 s13, s15;
	s5 =	sor.u32 s12, s5;
	v22 =	vld [tilespmem:s0+$0x19180]  }
0x1f8: {  	s30 =	sor.u32 s14, s15;
	[tilespmem:s17+$0x7180] =	vst v18;
	s2 =	sor.u32 s12, s2;
	v63 =	vld [tilespmem:s5+$0x19180]  }
0x1f9: {  	s13 =	sor.u32 s12, s30;
	[tilespmem:s29+$0x7180] =	vst v19;
	v18 =	vld [tilespmem:s2+$0x19180]  }
0x1fa: {  	v19 =	vld [tilespmem:s13+$0x19180];
	[tilespmem:s19+$0x7180] =	vst v20  }
.Ltmp19:
0x1fb: {  	[tilespmem:s18+$0x7180] =	vst v21;
	(pc) =	sbr.rel .LBB2_21-.Ltmp19, $4  }
0x1fc: {  	[tilespmem:s0+$0x7180] =	vst v22  }
0x1fd: {  	[tilespmem:s5+$0x7180] =	vst v63  }
0x1fe: {  	[tilespmem:s2+$0x7180] =	vst v18  }
0x1ff: {  	[tilespmem:s13+$0x7180] =	vst v19  }
.LBB2_22:
0x200: {  	s0 =	rddreg [dreg:$0x8];
	s2 =	simm.s32 $0x7180;
	s29 =	simm.s32 $0x5  }
0x201: {  	[hbm4b:s0+s4] =	stream.linear.scatter [tilespmem:s2], [sflag:$0xC], $0x3000, $0x38;
	[tilespmem:$0x1C380] =	vst v63  }
0x202: {  	_ =	swait.ge [sflag:s29], $0x3000  }
0x203: {  	[sflag:s29] =	ssyncset.done $0x0  }
0x204: {  	[sflag:s29] =	ssyncadd.s32 $0xFFFFD000  }
0x205: {  	v17 =	vld [tilespmem:$0x1030];
	_ =	sdelay $0x4  }
0x206: {  	vm1 =	vgt.s32 v17, $0x1387  }
0x207: {  	v18 =	vsel vm1, $0x3F800000, v13  }
0x208: {  	(xrf2) =	vadd.scan.msk.f32 $0xffff, v18;
	_ =	sdelay $0x9  }
0x209: {  	v18, _, _ =	vpop (xrf2)  }
0x20a: {  	(v2sf) =	vpush v18, $0xF;
	_ =	sdelay $0xe  }
0x20b: {  	s30 =	spop (v2sf)  }
0x20c: {  	p0 =	sgt.f32 s30, $5.000000000e-01  }
.Ltmp20:
0x20d: {  	_ = 	snop;
	(pc) =	sbr.rel @!p0 .LBB2_29-.Ltmp20, $1  }
0x20e: {  	_ =	sdelay $0x3  }
0x20f: {  	v18 =	vld [tilespmem:$0x1130];
	_ =	sdelay $0x4  }
0x210: {  	v19 =	vshrl.u32 v18, $0x3  }
0x211: {  	v19 =	vmul.u32 $0x30, v19  }
0x212: {  	v18 =	vand.u32 $0x7, v18  }
0x213: {  	v18 =	vor.u32 v18, v19  }
0x214: {  	v19 =	vperm.xlane v18, v14;
	_ =	sdelay $0x1  }
0x215: {  	v19 =	vadd.s32 v15, v19;
	_ =	sdelay $0x3  }
0x216: {  	s11 =	simm.s32 $0x0;
	s0 =	simm.s32 $0x19180;
	v18 =	vperm.xlane v18, v16  }
0x217: {  	[tilespmem:s0], [sflag:$0x1] =	stream.indirect_vreg.gather [hbm4b:s3+s11], $0x80, v19, vm0, $0xb8;
	[tilespmem:$0x1C380] =	vst v63  }
0x218: {  	s29 =	simm.s32 $0x19980;
	v18 =	vadd.s32 v15, v18  }
0x219: {  	[tilespmem:s29], [sflag:$0x1] =	stream.indirect_vreg.gather [hbm4b:s8+s11], $0x80, v19, vm0, $0xb8;
	[tilespmem:$0x1C380] =	vst v63  }
0x21a: {  	s30 =	simm.s32 $0x1A180  }
0x21b: {  	[tilespmem:s30], [sflag:$0x1] =	stream.indirect_vreg.gather [hbm4b:s9+s11], $0x80, v19, vm0, $0xb8;
	[tilespmem:$0x1C380] =	vst v63  }
0x21c: {  	_ = 	snop  }
0x21d: {  	[tilespmem:s25], [sflag:$0x1] =	stream.indirect_vreg.gather [hbm4b:s3+s11], $0x80, v18, vm0, $0xb8;
	[tilespmem:$0x1C380] =	vst v63  }
0x21e: {  	_ = 	snop  }
0x21f: {  	[tilespmem:s21], [sflag:$0x1] =	stream.indirect_vreg.gather [hbm4b:s8+s11], $0x80, v18, vm0, $0xb8;
	[tilespmem:$0x1C380] =	vst v63  }
.Ltmp21:
0x220: {  	_ = 	snop;
	(pc) =	sbr.rel .LBB2_24-.Ltmp21, $4  }
0x221: {  	[tilespmem:s10], [sflag:$0x1] =	stream.indirect_vreg.gather [hbm4b:s9+s11], $0x80, v18, vm0, $0xb8;
	[tilespmem:$0x1C380] =	vst v63  }
0x222: {  	_ =	swait.ge [sflag:s28], $0x3000  }
0x223: {  	[sflag:s28] =	ssyncset.done $0x0  }
0x224: {  	v17 =	vcvt.s32.f32 v17;
	[sflag:s28] =	ssyncadd.s32 $0xFFFFD000  }
.LBB2_28:
0x225: {  	s11 =	sadd.s32 $0x1, s11  }
0x226: {  	p0 =	sne.s32 s11, $0x10  }
.Ltmp22:
0x227: {  	_ = 	snop;
	(pc) =	sbr.rel @!p0 .LBB2_29-.Ltmp22, $1  }
0x228: {  	_ =	sdelay $0x3  }
.LBB2_24:
0x229: {  	v18 =	vmov s11  }
0x22a: {  	vm1 =	veq.s32 v18, v0  }
0x22b: {  	v18 =	vnsel vm1, $0x0, v17  }
0x22c: {  	(xrf2) =	vadd.scan.msk.f32 $0xffff, v18;
	_ =	sdelay $0x9  }
0x22d: {  	v18, _, _ =	vpop (xrf2)  }
0x22e: {  	(v2sf) =	vpush v18, $0xF;
	_ =	sdelay $0xe  }
0x22f: {  	s0 =	spop (v2sf)  }
0x230: {  	p0 =	sge.f32 s0, $5.000000000e+03  }
.Ltmp23:
0x231: {  	_ = 	snop;
	(pc) =	sbr.rel @!p0 .LBB2_28-.Ltmp23, $1  }
0x232: {  	_ =	sdelay $0x3  }
0x233: {  	s0 =	sshll.u32 s11, $0x7;
	s5 =	sshrl.u32 s11, $0x3;
	s18 =	simm.s32 $0x0  }
0x234: {  	s30 =	simm.s32 $0x40;
	s2 =	sand.u32 $0x380, s0;
	s16 =	smul.u32 $0x1800, s5  }
0x235: {  	s19 =	sand.u32 $0x40, s18;
	s0 =	sand.u32 $0x1C00, s18;
	s13 =	sor.u32 $0x10, s2  }
0x236: {  	s14 =	sor.u32 $0x20, s2;
	s12 =	sor.u32 s2, s19;
	s0 =	sadd.s32 s16, s0  }
0x237: {  	s23 =	sor.u32 $0x30, s2;
	s22 =	sor.u32 s13, s19;
	s17 =	sor.u32 s0, s12  }
0x238: {  	s15 =	sor.u32 s23, s19;
	s5 =	sor.u32 s14, s19;
	s29 =	sor.u32 s0, s22;
	v18 =	vld [tilespmem:s17+$0x19180]  }
0x239: {  	s18 =	sor.u32 s0, s15;
	s19 =	sor.u32 s0, s5;
	s0 =	simm.s32 $0x200;
	v19 =	vld [tilespmem:s29+$0x19180]  }
0x23a: {  	s26 =	simm.s32 $0x4;
	s15 =	sand.u32 $0x40, s30;
	v20 =	vld [tilespmem:s19+$0x19180];
	s24 =	sand.u32 $0x1C00, s0  }
0x23b: {  	v21 =	vld [tilespmem:s18+$0x19180];
	s22 =	sor.u32 s2, s15;
	s5 =	sor.u32 s23, s15;
	s12 =	sadd.s32 s16, s24  }
.LBB2_26:
0x23c: {  	s24 =	sor.u32 s13, s15;
	s26 =	sadd.s32 $0x4, s26  }
0x23d: {  	s15 =	sor.u32 s14, s15;
	[tilespmem:s17+$0xA180] =	vst v18;
	s17 =	sor.u32 s12, s22;
	p0 =	slt.u32 s26, $0x2C  }
.Ltmp24:
0x23e: {  	s5 =	sor.u32 s12, s5;
	v18 =	vld [tilespmem:s17+$0x19180];
	[tilespmem:s29+$0xA180] =	vst v19;
	s29 =	sor.u32 s12, s24;
	(pc) =	sbr.rel @p0 .LBB2_26-.Ltmp24, $4  }
0x23f: {  	v19 =	vld [tilespmem:s29+$0x19180];
	[tilespmem:s19+$0xA180] =	vst v20;
	s19 =	sor.u32 s12, s15  }
0x240: {  	s0 =	sadd.s32 $0x200, s0;
	s30 =	sadd.s32 $0x40, s30;
	v20 =	vld [tilespmem:s19+$0x19180];
	[tilespmem:s18+$0xA180] =	vst v21  }
0x241: {  	s15 =	sand.u32 $0x40, s30;
	s12 =	sand.u32 $0x1C00, s0;
	s18 =	smov.u32 s5;
	v21 =	vld [tilespmem:s5+$0x19180]  }
0x242: {  	s12 =	sadd.s32 s16, s12;
	s22 =	sor.u32 s2, s15;
	s5 =	sor.u32 s23, s15  }
0x243: {  	s0 =	sor.u32 s12, s22  }
0x244: {  	s2 =	sor.u32 s13, s15;
	s5 =	sor.u32 s12, s5;
	v22 =	vld [tilespmem:s0+$0x19180]  }
0x245: {  	s30 =	sor.u32 s14, s15;
	[tilespmem:s17+$0xA180] =	vst v18;
	s2 =	sor.u32 s12, s2;
	v63 =	vld [tilespmem:s5+$0x19180]  }
0x246: {  	s13 =	sor.u32 s12, s30;
	[tilespmem:s29+$0xA180] =	vst v19;
	v18 =	vld [tilespmem:s2+$0x19180]  }
0x247: {  	v19 =	vld [tilespmem:s13+$0x19180];
	[tilespmem:s19+$0xA180] =	vst v20  }
.Ltmp25:
0x248: {  	[tilespmem:s18+$0xA180] =	vst v21;
	(pc) =	sbr.rel .LBB2_28-.Ltmp25, $4  }
0x249: {  	[tilespmem:s0+$0xA180] =	vst v22  }
0x24a: {  	[tilespmem:s5+$0xA180] =	vst v63  }
0x24b: {  	[tilespmem:s2+$0xA180] =	vst v18  }
0x24c: {  	[tilespmem:s13+$0xA180] =	vst v19  }
.LBB2_29:
0x24d: {  	s0 =	rddreg [dreg:$0x9];
	s2 =	simm.s32 $0xA180;
	s29 =	simm.s32 $0x6  }
0x24e: {  	[hbm4b:s0+s4] =	stream.linear.scatter [tilespmem:s2], [sflag:$0xD], $0x3000, $0x38;
	[tilespmem:$0x1C380] =	vst v63  }
0x24f: {  	_ =	swait.ge [sflag:s29], $0x3000  }
0x250: {  	[sflag:s29] =	ssyncset.done $0x0  }
0x251: {  	[sflag:s29] =	ssyncadd.s32 $0xFFFFD000  }
0x252: {  	v17 =	vld [tilespmem:$0x1040];
	_ =	sdelay $0x4  }
0x253: {  	vm1 =	vgt.s32 v17, $0x1387  }
0x254: {  	v18 =	vsel vm1, $0x3F800000, v13  }
0x255: {  	(xrf2) =	vadd.scan.msk.f32 $0xffff, v18;
	_ =	sdelay $0x9  }
0x256: {  	v18, _, _ =	vpop (xrf2)  }
0x257: {  	(v2sf) =	vpush v18, $0xF;
	_ =	sdelay $0xe  }
0x258: {  	s30 =	spop (v2sf)  }
0x259: {  	p0 =	sgt.f32 s30, $5.000000000e-01  }
.Ltmp26:
0x25a: {  	_ = 	snop;
	(pc) =	sbr.rel @!p0 .LBB2_36-.Ltmp26, $1  }
0x25b: {  	_ =	sdelay $0x3  }
0x25c: {  	v18 =	vld [tilespmem:$0x1140];
	_ =	sdelay $0x4  }
0x25d: {  	v19 =	vshrl.u32 v18, $0x3  }
0x25e: {  	v19 =	vmul.u32 $0x30, v19  }
0x25f: {  	v18 =	vand.u32 $0x7, v18  }
0x260: {  	v18 =	vor.u32 v18, v19  }
0x261: {  	v19 =	vperm.xlane v18, v14;
	_ =	sdelay $0x1  }
0x262: {  	v19 =	vadd.s32 v15, v19;
	_ =	sdelay $0x3  }
0x263: {  	s11 =	simm.s32 $0x0;
	s0 =	simm.s32 $0x19180;
	v18 =	vperm.xlane v18, v16  }
0x264: {  	[tilespmem:s0], [sflag:$0x1] =	stream.indirect_vreg.gather [hbm4b:s3+s11], $0x80, v19, vm0, $0xb8;
	[tilespmem:$0x1C380] =	vst v63  }
0x265: {  	s29 =	simm.s32 $0x19980;
	v18 =	vadd.s32 v15, v18  }
0x266: {  	[tilespmem:s29], [sflag:$0x1] =	stream.indirect_vreg.gather [hbm4b:s8+s11], $0x80, v19, vm0, $0xb8;
	[tilespmem:$0x1C380] =	vst v63  }
0x267: {  	s30 =	simm.s32 $0x1A180  }
0x268: {  	[tilespmem:s30], [sflag:$0x1] =	stream.indirect_vreg.gather [hbm4b:s9+s11], $0x80, v19, vm0, $0xb8;
	[tilespmem:$0x1C380] =	vst v63  }
0x269: {  	_ = 	snop  }
0x26a: {  	[tilespmem:s25], [sflag:$0x1] =	stream.indirect_vreg.gather [hbm4b:s3+s11], $0x80, v18, vm0, $0xb8;
	[tilespmem:$0x1C380] =	vst v63  }
0x26b: {  	_ = 	snop  }
0x26c: {  	[tilespmem:s21], [sflag:$0x1] =	stream.indirect_vreg.gather [hbm4b:s8+s11], $0x80, v18, vm0, $0xb8;
	[tilespmem:$0x1C380] =	vst v63  }
.Ltmp27:
0x26d: {  	_ = 	snop;
	(pc) =	sbr.rel .LBB2_31-.Ltmp27, $4  }
0x26e: {  	[tilespmem:s10], [sflag:$0x1] =	stream.indirect_vreg.gather [hbm4b:s9+s11], $0x80, v18, vm0, $0xb8;
	[tilespmem:$0x1C380] =	vst v63  }
0x26f: {  	_ =	swait.ge [sflag:s28], $0x3000  }
0x270: {  	[sflag:s28] =	ssyncset.done $0x0  }
0x271: {  	v17 =	vcvt.s32.f32 v17;
	[sflag:s28] =	ssyncadd.s32 $0xFFFFD000  }
.LBB2_35:
0x272: {  	s11 =	sadd.s32 $0x1, s11  }
0x273: {  	p0 =	sne.s32 s11, $0x10  }
.Ltmp28:
0x274: {  	_ = 	snop;
	(pc) =	sbr.rel @!p0 .LBB2_36-.Ltmp28, $1  }
0x275: {  	_ =	sdelay $0x3  }
.LBB2_31:
0x276: {  	v18 =	vmov s11  }
0x277: {  	vm1 =	veq.s32 v18, v0  }
0x278: {  	v18 =	vnsel vm1, $0x0, v17  }
0x279: {  	(xrf2) =	vadd.scan.msk.f32 $0xffff, v18;
	_ =	sdelay $0x9  }
0x27a: {  	v18, _, _ =	vpop (xrf2)  }
0x27b: {  	(v2sf) =	vpush v18, $0xF;
	_ =	sdelay $0xe  }
0x27c: {  	s0 =	spop (v2sf)  }
0x27d: {  	p0 =	sge.f32 s0, $5.000000000e+03  }
.Ltmp29:
0x27e: {  	_ = 	snop;
	(pc) =	sbr.rel @!p0 .LBB2_35-.Ltmp29, $1  }
0x27f: {  	_ =	sdelay $0x3  }
0x280: {  	s0 =	sshll.u32 s11, $0x7;
	s5 =	sshrl.u32 s11, $0x3;
	s18 =	simm.s32 $0x0  }
0x281: {  	s30 =	simm.s32 $0x40;
	s2 =	sand.u32 $0x380, s0;
	s16 =	smul.u32 $0x1800, s5  }
0x282: {  	s19 =	sand.u32 $0x40, s18;
	s0 =	sand.u32 $0x1C00, s18;
	s13 =	sor.u32 $0x10, s2  }
0x283: {  	s14 =	sor.u32 $0x20, s2;
	s12 =	sor.u32 s2, s19;
	s0 =	sadd.s32 s16, s0  }
0x284: {  	s23 =	sor.u32 $0x30, s2;
	s22 =	sor.u32 s13, s19;
	s17 =	sor.u32 s0, s12  }
0x285: {  	s15 =	sor.u32 s23, s19;
	s5 =	sor.u32 s14, s19;
	s29 =	sor.u32 s0, s22;
	v18 =	vld [tilespmem:s17+$0x19180]  }
0x286: {  	s18 =	sor.u32 s0, s15;
	s19 =	sor.u32 s0, s5;
	s0 =	simm.s32 $0x200;
	v19 =	vld [tilespmem:s29+$0x19180]  }
0x287: {  	s26 =	simm.s32 $0x4;
	s15 =	sand.u32 $0x40, s30;
	v20 =	vld [tilespmem:s19+$0x19180];
	s24 =	sand.u32 $0x1C00, s0  }
0x288: {  	v21 =	vld [tilespmem:s18+$0x19180];
	s22 =	sor.u32 s2, s15;
	s5 =	sor.u32 s23, s15;
	s12 =	sadd.s32 s16, s24  }
.LBB2_33:
0x289: {  	s24 =	sor.u32 s13, s15;
	s26 =	sadd.s32 $0x4, s26  }
0x28a: {  	s15 =	sor.u32 s14, s15;
	[tilespmem:s17+$0xD180] =	vst v18;
	s17 =	sor.u32 s12, s22;
	p0 =	slt.u32 s26, $0x2C  }
.Ltmp30:
0x28b: {  	s5 =	sor.u32 s12, s5;
	v18 =	vld [tilespmem:s17+$0x19180];
	[tilespmem:s29+$0xD180] =	vst v19;
	s29 =	sor.u32 s12, s24;
	(pc) =	sbr.rel @p0 .LBB2_33-.Ltmp30, $4  }
0x28c: {  	v19 =	vld [tilespmem:s29+$0x19180];
	[tilespmem:s19+$0xD180] =	vst v20;
	s19 =	sor.u32 s12, s15  }
0x28d: {  	s0 =	sadd.s32 $0x200, s0;
	s30 =	sadd.s32 $0x40, s30;
	v20 =	vld [tilespmem:s19+$0x19180];
	[tilespmem:s18+$0xD180] =	vst v21  }
0x28e: {  	s15 =	sand.u32 $0x40, s30;
	s12 =	sand.u32 $0x1C00, s0;
	s18 =	smov.u32 s5;
	v21 =	vld [tilespmem:s5+$0x19180]  }
0x28f: {  	s12 =	sadd.s32 s16, s12;
	s22 =	sor.u32 s2, s15;
	s5 =	sor.u32 s23, s15  }
0x290: {  	s0 =	sor.u32 s12, s22  }
0x291: {  	s2 =	sor.u32 s13, s15;
	s5 =	sor.u32 s12, s5;
	v22 =	vld [tilespmem:s0+$0x19180]  }
0x292: {  	s30 =	sor.u32 s14, s15;
	[tilespmem:s17+$0xD180] =	vst v18;
	s2 =	sor.u32 s12, s2;
	v63 =	vld [tilespmem:s5+$0x19180]  }
0x293: {  	s13 =	sor.u32 s12, s30;
	[tilespmem:s29+$0xD180] =	vst v19;
	v18 =	vld [tilespmem:s2+$0x19180]  }
0x294: {  	v19 =	vld [tilespmem:s13+$0x19180];
	[tilespmem:s19+$0xD180] =	vst v20  }
.Ltmp31:
0x295: {  	[tilespmem:s18+$0xD180] =	vst v21;
	(pc) =	sbr.rel .LBB2_35-.Ltmp31, $4  }
0x296: {  	[tilespmem:s0+$0xD180] =	vst v22  }
0x297: {  	[tilespmem:s5+$0xD180] =	vst v63  }
0x298: {  	[tilespmem:s2+$0xD180] =	vst v18  }
0x299: {  	[tilespmem:s13+$0xD180] =	vst v19  }
.LBB2_36:
0x29a: {  	s0 =	rddreg [dreg:$0xa];
	s2 =	simm.s32 $0xD180;
	s29 =	simm.s32 $0x7  }
0x29b: {  	[hbm4b:s0+s4] =	stream.linear.scatter [tilespmem:s2], [sflag:$0xE], $0x3000, $0x38;
	[tilespmem:$0x1C380] =	vst v63  }
0x29c: {  	_ =	swait.ge [sflag:s29], $0x3000  }
0x29d: {  	[sflag:s29] =	ssyncset.done $0x0  }
0x29e: {  	[sflag:s29] =	ssyncadd.s32 $0xFFFFD000  }
0x29f: {  	v17 =	vld [tilespmem:$0x1050];
	_ =	sdelay $0x4  }
0x2a0: {  	vm1 =	vgt.s32 v17, $0x1387  }
0x2a1: {  	v18 =	vsel vm1, $0x3F800000, v13  }
0x2a2: {  	(xrf2) =	vadd.scan.msk.f32 $0xffff, v18;
	_ =	sdelay $0x9  }
0x2a3: {  	v18, _, _ =	vpop (xrf2)  }
0x2a4: {  	(v2sf) =	vpush v18, $0xF;
	_ =	sdelay $0xe  }
0x2a5: {  	s30 =	spop (v2sf)  }
0x2a6: {  	p0 =	sgt.f32 s30, $5.000000000e-01  }
.Ltmp32:
0x2a7: {  	_ = 	snop;
	(pc) =	sbr.rel @!p0 .LBB2_43-.Ltmp32, $1  }
0x2a8: {  	_ =	sdelay $0x3  }
0x2a9: {  	v18 =	vld [tilespmem:$0x1150];
	_ =	sdelay $0x4  }
0x2aa: {  	v19 =	vshrl.u32 v18, $0x3  }
0x2ab: {  	v19 =	vmul.u32 $0x30, v19  }
0x2ac: {  	v18 =	vand.u32 $0x7, v18  }
0x2ad: {  	v18 =	vor.u32 v18, v19  }
0x2ae: {  	v19 =	vperm.xlane v18, v14;
	_ =	sdelay $0x1  }
0x2af: {  	v19 =	vadd.s32 v15, v19;
	_ =	sdelay $0x3  }
0x2b0: {  	s11 =	simm.s32 $0x0;
	s0 =	simm.s32 $0x19180;
	v18 =	vperm.xlane v18, v16  }
0x2b1: {  	[tilespmem:s0], [sflag:$0x1] =	stream.indirect_vreg.gather [hbm4b:s3+s11], $0x80, v19, vm0, $0xb8;
	[tilespmem:$0x1C380] =	vst v63  }
0x2b2: {  	s29 =	simm.s32 $0x19980;
	v18 =	vadd.s32 v15, v18  }
0x2b3: {  	[tilespmem:s29], [sflag:$0x1] =	stream.indirect_vreg.gather [hbm4b:s8+s11], $0x80, v19, vm0, $0xb8;
	[tilespmem:$0x1C380] =	vst v63  }
0x2b4: {  	s30 =	simm.s32 $0x1A180  }
0x2b5: {  	[tilespmem:s30], [sflag:$0x1] =	stream.indirect_vreg.gather [hbm4b:s9+s11], $0x80, v19, vm0, $0xb8;
	[tilespmem:$0x1C380] =	vst v63  }
0x2b6: {  	_ = 	snop  }
0x2b7: {  	[tilespmem:s25], [sflag:$0x1] =	stream.indirect_vreg.gather [hbm4b:s3+s11], $0x80, v18, vm0, $0xb8;
	[tilespmem:$0x1C380] =	vst v63  }
0x2b8: {  	_ = 	snop  }
0x2b9: {  	[tilespmem:s21], [sflag:$0x1] =	stream.indirect_vreg.gather [hbm4b:s8+s11], $0x80, v18, vm0, $0xb8;
	[tilespmem:$0x1C380] =	vst v63  }
.Ltmp33:
0x2ba: {  	_ = 	snop;
	(pc) =	sbr.rel .LBB2_38-.Ltmp33, $4  }
0x2bb: {  	[tilespmem:s10], [sflag:$0x1] =	stream.indirect_vreg.gather [hbm4b:s9+s11], $0x80, v18, vm0, $0xb8;
	[tilespmem:$0x1C380] =	vst v63  }
0x2bc: {  	_ =	swait.ge [sflag:s28], $0x3000  }
0x2bd: {  	[sflag:s28] =	ssyncset.done $0x0  }
0x2be: {  	v17 =	vcvt.s32.f32 v17;
	[sflag:s28] =	ssyncadd.s32 $0xFFFFD000  }
.LBB2_42:
0x2bf: {  	s11 =	sadd.s32 $0x1, s11  }
0x2c0: {  	p0 =	sne.s32 s11, $0x10  }
.Ltmp34:
0x2c1: {  	_ = 	snop;
	(pc) =	sbr.rel @!p0 .LBB2_43-.Ltmp34, $1  }
0x2c2: {  	_ =	sdelay $0x3  }
.LBB2_38:
0x2c3: {  	v18 =	vmov s11  }
0x2c4: {  	vm1 =	veq.s32 v18, v0  }
0x2c5: {  	v18 =	vnsel vm1, $0x0, v17  }
0x2c6: {  	(xrf2) =	vadd.scan.msk.f32 $0xffff, v18;
	_ =	sdelay $0x9  }
0x2c7: {  	v18, _, _ =	vpop (xrf2)  }
0x2c8: {  	(v2sf) =	vpush v18, $0xF;
	_ =	sdelay $0xe  }
0x2c9: {  	s0 =	spop (v2sf)  }
0x2ca: {  	p0 =	sge.f32 s0, $5.000000000e+03  }
.Ltmp35:
0x2cb: {  	_ = 	snop;
	(pc) =	sbr.rel @!p0 .LBB2_42-.Ltmp35, $1  }
0x2cc: {  	_ =	sdelay $0x3  }
0x2cd: {  	s0 =	sshll.u32 s11, $0x7;
	s5 =	sshrl.u32 s11, $0x3;
	s18 =	simm.s32 $0x0  }
0x2ce: {  	s30 =	simm.s32 $0x40;
	s2 =	sand.u32 $0x380, s0;
	s16 =	smul.u32 $0x1800, s5  }
0x2cf: {  	s19 =	sand.u32 $0x40, s18;
	s0 =	sand.u32 $0x1C00, s18;
	s13 =	sor.u32 $0x10, s2  }
0x2d0: {  	s14 =	sor.u32 $0x20, s2;
	s12 =	sor.u32 s2, s19;
	s0 =	sadd.s32 s16, s0  }
0x2d1: {  	s23 =	sor.u32 $0x30, s2;
	s22 =	sor.u32 s13, s19;
	s17 =	sor.u32 s0, s12  }
0x2d2: {  	s15 =	sor.u32 s23, s19;
	s5 =	sor.u32 s14, s19;
	s29 =	sor.u32 s0, s22;
	v18 =	vld [tilespmem:s17+$0x19180]  }
0x2d3: {  	s18 =	sor.u32 s0, s15;
	s19 =	sor.u32 s0, s5;
	s0 =	simm.s32 $0x200;
	v19 =	vld [tilespmem:s29+$0x19180]  }
0x2d4: {  	s26 =	simm.s32 $0x4;
	s15 =	sand.u32 $0x40, s30;
	v20 =	vld [tilespmem:s19+$0x19180];
	s24 =	sand.u32 $0x1C00, s0  }
0x2d5: {  	v21 =	vld [tilespmem:s18+$0x19180];
	s22 =	sor.u32 s2, s15;
	s5 =	sor.u32 s23, s15;
	s12 =	sadd.s32 s16, s24  }
.LBB2_40:
0x2d6: {  	s24 =	sor.u32 s13, s15;
	s26 =	sadd.s32 $0x4, s26  }
0x2d7: {  	s15 =	sor.u32 s14, s15;
	[tilespmem:s17+$0x10180] =	vst v18;
	s17 =	sor.u32 s12, s22;
	p0 =	slt.u32 s26, $0x2C  }
.Ltmp36:
0x2d8: {  	s5 =	sor.u32 s12, s5;
	v18 =	vld [tilespmem:s17+$0x19180];
	[tilespmem:s29+$0x10180] =	vst v19;
	s29 =	sor.u32 s12, s24;
	(pc) =	sbr.rel @p0 .LBB2_40-.Ltmp36, $4  }
0x2d9: {  	v19 =	vld [tilespmem:s29+$0x19180];
	[tilespmem:s19+$0x10180] =	vst v20;
	s19 =	sor.u32 s12, s15  }
0x2da: {  	s0 =	sadd.s32 $0x200, s0;
	s30 =	sadd.s32 $0x40, s30;
	v20 =	vld [tilespmem:s19+$0x19180];
	[tilespmem:s18+$0x10180] =	vst v21  }
0x2db: {  	s15 =	sand.u32 $0x40, s30;
	s12 =	sand.u32 $0x1C00, s0;
	s18 =	smov.u32 s5;
	v21 =	vld [tilespmem:s5+$0x19180]  }
0x2dc: {  	s12 =	sadd.s32 s16, s12;
	s22 =	sor.u32 s2, s15;
	s5 =	sor.u32 s23, s15  }
0x2dd: {  	s0 =	sor.u32 s12, s22  }
0x2de: {  	s2 =	sor.u32 s13, s15;
	s5 =	sor.u32 s12, s5;
	v22 =	vld [tilespmem:s0+$0x19180]  }
0x2df: {  	s30 =	sor.u32 s14, s15;
	[tilespmem:s17+$0x10180] =	vst v18;
	s2 =	sor.u32 s12, s2;
	v63 =	vld [tilespmem:s5+$0x19180]  }
0x2e0: {  	s13 =	sor.u32 s12, s30;
	[tilespmem:s29+$0x10180] =	vst v19;
	v18 =	vld [tilespmem:s2+$0x19180]  }
0x2e1: {  	v19 =	vld [tilespmem:s13+$0x19180];
	[tilespmem:s19+$0x10180] =	vst v20  }
.Ltmp37:
0x2e2: {  	[tilespmem:s18+$0x10180] =	vst v21;
	(pc) =	sbr.rel .LBB2_42-.Ltmp37, $4  }
0x2e3: {  	[tilespmem:s0+$0x10180] =	vst v22  }
0x2e4: {  	[tilespmem:s5+$0x10180] =	vst v63  }
0x2e5: {  	[tilespmem:s2+$0x10180] =	vst v18  }
0x2e6: {  	[tilespmem:s13+$0x10180] =	vst v19  }
.LBB2_43:
0x2e7: {  	s0 =	rddreg [dreg:$0xc];
	s2 =	simm.s32 $0x10180;
	s29 =	simm.s32 $0x8  }
0x2e8: {  	[hbm4b:s0+s4] =	stream.linear.scatter [tilespmem:s2], [sflag:$0xF], $0x3000, $0x38;
	[tilespmem:$0x1C380] =	vst v63  }
0x2e9: {  	_ =	swait.ge [sflag:s29], $0x3000  }
0x2ea: {  	[sflag:s29] =	ssyncset.done $0x0  }
0x2eb: {  	[sflag:s29] =	ssyncadd.s32 $0xFFFFD000  }
0x2ec: {  	v17 =	vld [tilespmem:$0x1060];
	_ =	sdelay $0x4  }
0x2ed: {  	vm1 =	vgt.s32 v17, $0x1387  }
0x2ee: {  	v18 =	vsel vm1, $0x3F800000, v13  }
0x2ef: {  	(xrf2) =	vadd.scan.msk.f32 $0xffff, v18;
	_ =	sdelay $0x9  }
0x2f0: {  	v18, _, _ =	vpop (xrf2)  }
0x2f1: {  	(v2sf) =	vpush v18, $0xF;
	_ =	sdelay $0xe  }
0x2f2: {  	s30 =	spop (v2sf)  }
0x2f3: {  	p0 =	sgt.f32 s30, $5.000000000e-01  }
.Ltmp38:
0x2f4: {  	_ = 	snop;
	(pc) =	sbr.rel @!p0 .LBB2_50-.Ltmp38, $1  }
0x2f5: {  	_ =	sdelay $0x3  }
0x2f6: {  	v18 =	vld [tilespmem:$0x1160];
	_ =	sdelay $0x4  }
0x2f7: {  	v19 =	vshrl.u32 v18, $0x3  }
0x2f8: {  	v19 =	vmul.u32 $0x30, v19  }
0x2f9: {  	v18 =	vand.u32 $0x7, v18  }
0x2fa: {  	v18 =	vor.u32 v18, v19  }
0x2fb: {  	v19 =	vperm.xlane v18, v14;
	_ =	sdelay $0x1  }
0x2fc: {  	v19 =	vadd.s32 v15, v19;
	_ =	sdelay $0x3  }
0x2fd: {  	s11 =	simm.s32 $0x0;
	s0 =	simm.s32 $0x19180;
	v18 =	vperm.xlane v18, v16  }
0x2fe: {  	[tilespmem:s0], [sflag:$0x1] =	stream.indirect_vreg.gather [hbm4b:s3+s11], $0x80, v19, vm0, $0xb8;
	[tilespmem:$0x1C380] =	vst v63  }
0x2ff: {  	s29 =	simm.s32 $0x19980;
	v18 =	vadd.s32 v15, v18  }
0x300: {  	[tilespmem:s29], [sflag:$0x1] =	stream.indirect_vreg.gather [hbm4b:s8+s11], $0x80, v19, vm0, $0xb8;
	[tilespmem:$0x1C380] =	vst v63  }
0x301: {  	s30 =	simm.s32 $0x1A180  }
0x302: {  	[tilespmem:s30], [sflag:$0x1] =	stream.indirect_vreg.gather [hbm4b:s9+s11], $0x80, v19, vm0, $0xb8;
	[tilespmem:$0x1C380] =	vst v63  }
0x303: {  	_ = 	snop  }
0x304: {  	[tilespmem:s25], [sflag:$0x1] =	stream.indirect_vreg.gather [hbm4b:s3+s11], $0x80, v18, vm0, $0xb8;
	[tilespmem:$0x1C380] =	vst v63  }
0x305: {  	_ = 	snop  }
0x306: {  	[tilespmem:s21], [sflag:$0x1] =	stream.indirect_vreg.gather [hbm4b:s8+s11], $0x80, v18, vm0, $0xb8;
	[tilespmem:$0x1C380] =	vst v63  }
.Ltmp39:
0x307: {  	_ = 	snop;
	(pc) =	sbr.rel .LBB2_45-.Ltmp39, $4  }
0x308: {  	[tilespmem:s10], [sflag:$0x1] =	stream.indirect_vreg.gather [hbm4b:s9+s11], $0x80, v18, vm0, $0xb8;
	[tilespmem:$0x1C380] =	vst v63  }
0x309: {  	_ =	swait.ge [sflag:s28], $0x3000  }
0x30a: {  	[sflag:s28] =	ssyncset.done $0x0  }
0x30b: {  	v17 =	vcvt.s32.f32 v17;
	[sflag:s28] =	ssyncadd.s32 $0xFFFFD000  }
.LBB2_49:
0x30c: {  	s11 =	sadd.s32 $0x1, s11  }
0x30d: {  	p0 =	sne.s32 s11, $0x10  }
.Ltmp40:
0x30e: {  	_ = 	snop;
	(pc) =	sbr.rel @!p0 .LBB2_50-.Ltmp40, $1  }
0x30f: {  	_ =	sdelay $0x3  }
.LBB2_45:
0x310: {  	v18 =	vmov s11  }
0x311: {  	vm1 =	veq.s32 v18, v0  }
0x312: {  	v18 =	vnsel vm1, $0x0, v17  }
0x313: {  	(xrf2) =	vadd.scan.msk.f32 $0xffff, v18;
	_ =	sdelay $0x9  }
0x314: {  	v18, _, _ =	vpop (xrf2)  }
0x315: {  	(v2sf) =	vpush v18, $0xF;
	_ =	sdelay $0xe  }
0x316: {  	s0 =	spop (v2sf)  }
0x317: {  	p0 =	sge.f32 s0, $5.000000000e+03  }
.Ltmp41:
0x318: {  	_ = 	snop;
	(pc) =	sbr.rel @!p0 .LBB2_49-.Ltmp41, $1  }
0x319: {  	_ =	sdelay $0x3  }
0x31a: {  	s0 =	sshll.u32 s11, $0x7;
	s5 =	sshrl.u32 s11, $0x3;
	s18 =	simm.s32 $0x0  }
0x31b: {  	s30 =	simm.s32 $0x40;
	s2 =	sand.u32 $0x380, s0;
	s16 =	smul.u32 $0x1800, s5  }
0x31c: {  	s19 =	sand.u32 $0x40, s18;
	s0 =	sand.u32 $0x1C00, s18;
	s13 =	sor.u32 $0x10, s2  }
0x31d: {  	s14 =	sor.u32 $0x20, s2;
	s12 =	sor.u32 s2, s19;
	s0 =	sadd.s32 s16, s0  }
0x31e: {  	s23 =	sor.u32 $0x30, s2;
	s22 =	sor.u32 s13, s19;
	s17 =	sor.u32 s0, s12  }
0x31f: {  	s15 =	sor.u32 s23, s19;
	s5 =	sor.u32 s14, s19;
	s29 =	sor.u32 s0, s22;
	v18 =	vld [tilespmem:s17+$0x19180]  }
0x320: {  	s18 =	sor.u32 s0, s15;
	s19 =	sor.u32 s0, s5;
	s0 =	simm.s32 $0x200;
	v19 =	vld [tilespmem:s29+$0x19180]  }
0x321: {  	s26 =	simm.s32 $0x4;
	s15 =	sand.u32 $0x40, s30;
	v20 =	vld [tilespmem:s19+$0x19180];
	s24 =	sand.u32 $0x1C00, s0  }
0x322: {  	v21 =	vld [tilespmem:s18+$0x19180];
	s22 =	sor.u32 s2, s15;
	s5 =	sor.u32 s23, s15;
	s12 =	sadd.s32 s16, s24  }
.LBB2_47:
0x323: {  	s24 =	sor.u32 s13, s15;
	s26 =	sadd.s32 $0x4, s26  }
0x324: {  	s15 =	sor.u32 s14, s15;
	[tilespmem:s17+$0x13180] =	vst v18;
	s17 =	sor.u32 s12, s22;
	p0 =	slt.u32 s26, $0x2C  }
.Ltmp42:
0x325: {  	s5 =	sor.u32 s12, s5;
	v18 =	vld [tilespmem:s17+$0x19180];
	[tilespmem:s29+$0x13180] =	vst v19;
	s29 =	sor.u32 s12, s24;
	(pc) =	sbr.rel @p0 .LBB2_47-.Ltmp42, $4  }
0x326: {  	v19 =	vld [tilespmem:s29+$0x19180];
	[tilespmem:s19+$0x13180] =	vst v20;
	s19 =	sor.u32 s12, s15  }
0x327: {  	s0 =	sadd.s32 $0x200, s0;
	s30 =	sadd.s32 $0x40, s30;
	v20 =	vld [tilespmem:s19+$0x19180];
	[tilespmem:s18+$0x13180] =	vst v21  }
0x328: {  	s15 =	sand.u32 $0x40, s30;
	s12 =	sand.u32 $0x1C00, s0;
	s18 =	smov.u32 s5;
	v21 =	vld [tilespmem:s5+$0x19180]  }
0x329: {  	s12 =	sadd.s32 s16, s12;
	s22 =	sor.u32 s2, s15;
	s5 =	sor.u32 s23, s15  }
0x32a: {  	s0 =	sor.u32 s12, s22  }
0x32b: {  	s2 =	sor.u32 s13, s15;
	s5 =	sor.u32 s12, s5;
	v22 =	vld [tilespmem:s0+$0x19180]  }
0x32c: {  	s30 =	sor.u32 s14, s15;
	[tilespmem:s17+$0x13180] =	vst v18;
	s2 =	sor.u32 s12, s2;
	v63 =	vld [tilespmem:s5+$0x19180]  }
0x32d: {  	s13 =	sor.u32 s12, s30;
	[tilespmem:s29+$0x13180] =	vst v19;
	v18 =	vld [tilespmem:s2+$0x19180]  }
0x32e: {  	v19 =	vld [tilespmem:s13+$0x19180];
	[tilespmem:s19+$0x13180] =	vst v20  }
.Ltmp43:
0x32f: {  	[tilespmem:s18+$0x13180] =	vst v21;
	(pc) =	sbr.rel .LBB2_49-.Ltmp43, $4  }
0x330: {  	[tilespmem:s0+$0x13180] =	vst v22  }
0x331: {  	[tilespmem:s5+$0x13180] =	vst v63  }
0x332: {  	[tilespmem:s2+$0x13180] =	vst v18  }
0x333: {  	[tilespmem:s13+$0x13180] =	vst v19  }
.LBB2_50:
0x334: {  	s0 =	rddreg [dreg:$0xb];
	s2 =	simm.s32 $0x13180;
	s29 =	simm.s32 $0x9  }
0x335: {  	[hbm4b:s0+s4] =	stream.linear.scatter [tilespmem:s2], [sflag:$0x10], $0x3000, $0x38;
	[tilespmem:$0x1C380] =	vst v63  }
0x336: {  	_ =	swait.ge [sflag:s29], $0x3000  }
0x337: {  	[sflag:s29] =	ssyncset.done $0x0  }
0x338: {  	[sflag:s29] =	ssyncadd.s32 $0xFFFFD000  }
0x339: {  	v17 =	vld [tilespmem:$0x1070];
	_ =	sdelay $0x4  }
0x33a: {  	vm1 =	vgt.s32 v17, $0x1387  }
0x33b: {  	v18 =	vsel vm1, $0x3F800000, v13  }
0x33c: {  	(xrf2) =	vadd.scan.msk.f32 $0xffff, v18;
	_ =	sdelay $0x9  }
0x33d: {  	v18, _, _ =	vpop (xrf2)  }
0x33e: {  	(v2sf) =	vpush v18, $0xF;
	_ =	sdelay $0xe  }
0x33f: {  	s30 =	spop (v2sf)  }
0x340: {  	p0 =	sgt.f32 s30, $5.000000000e-01  }
.Ltmp44:
0x341: {  	_ = 	snop;
	(pc) =	sbr.rel @!p0 .LBB2_57-.Ltmp44, $1  }
0x342: {  	_ =	sdelay $0x3  }
0x343: {  	v18 =	vld [tilespmem:$0x1170];
	_ =	sdelay $0x4  }
0x344: {  	v19 =	vshrl.u32 v18, $0x3  }
0x345: {  	v19 =	vmul.u32 $0x30, v19  }
0x346: {  	v18 =	vand.u32 $0x7, v18  }
0x347: {  	v18 =	vor.u32 v18, v19  }
0x348: {  	v19 =	vperm.xlane v18, v14;
	_ =	sdelay $0x1  }
0x349: {  	v19 =	vadd.s32 v15, v19;
	_ =	sdelay $0x3  }
0x34a: {  	s11 =	simm.s32 $0x0;
	s0 =	simm.s32 $0x19180;
	v18 =	vperm.xlane v18, v16  }
0x34b: {  	[tilespmem:s0], [sflag:$0x1] =	stream.indirect_vreg.gather [hbm4b:s3+s11], $0x80, v19, vm0, $0xb8;
	[tilespmem:$0x1C380] =	vst v63  }
0x34c: {  	s29 =	simm.s32 $0x19980;
	v18 =	vadd.s32 v15, v18  }
0x34d: {  	[tilespmem:s29], [sflag:$0x1] =	stream.indirect_vreg.gather [hbm4b:s8+s11], $0x80, v19, vm0, $0xb8;
	[tilespmem:$0x1C380] =	vst v63  }
0x34e: {  	s30 =	simm.s32 $0x1A180  }
0x34f: {  	[tilespmem:s30], [sflag:$0x1] =	stream.indirect_vreg.gather [hbm4b:s9+s11], $0x80, v19, vm0, $0xb8;
	[tilespmem:$0x1C380] =	vst v63  }
0x350: {  	_ = 	snop  }
0x351: {  	[tilespmem:s25], [sflag:$0x1] =	stream.indirect_vreg.gather [hbm4b:s3+s11], $0x80, v18, vm0, $0xb8;
	[tilespmem:$0x1C380] =	vst v63  }
0x352: {  	_ = 	snop  }
0x353: {  	[tilespmem:s21], [sflag:$0x1] =	stream.indirect_vreg.gather [hbm4b:s8+s11], $0x80, v18, vm0, $0xb8;
	[tilespmem:$0x1C380] =	vst v63  }
.Ltmp45:
0x354: {  	_ = 	snop;
	(pc) =	sbr.rel .LBB2_52-.Ltmp45, $4  }
0x355: {  	[tilespmem:s10], [sflag:$0x1] =	stream.indirect_vreg.gather [hbm4b:s9+s11], $0x80, v18, vm0, $0xb8;
	[tilespmem:$0x1C380] =	vst v63  }
0x356: {  	_ =	swait.ge [sflag:s28], $0x3000  }
0x357: {  	[sflag:s28] =	ssyncset.done $0x0  }
0x358: {  	v17 =	vcvt.s32.f32 v17;
	[sflag:s28] =	ssyncadd.s32 $0xFFFFD000  }
.LBB2_56:
0x359: {  	s11 =	sadd.s32 $0x1, s11  }
0x35a: {  	p0 =	sne.s32 s11, $0x10  }
.Ltmp46:
0x35b: {  	_ = 	snop;
	(pc) =	sbr.rel @!p0 .LBB2_57-.Ltmp46, $1  }
0x35c: {  	_ =	sdelay $0x3  }
.LBB2_52:
0x35d: {  	v18 =	vmov s11  }
0x35e: {  	vm1 =	veq.s32 v18, v0  }
0x35f: {  	v18 =	vnsel vm1, $0x0, v17  }
0x360: {  	(xrf2) =	vadd.scan.msk.f32 $0xffff, v18;
	_ =	sdelay $0x9  }
0x361: {  	v18, _, _ =	vpop (xrf2)  }
0x362: {  	(v2sf) =	vpush v18, $0xF;
	_ =	sdelay $0xe  }
0x363: {  	s0 =	spop (v2sf)  }
0x364: {  	p0 =	sge.f32 s0, $5.000000000e+03  }
.Ltmp47:
0x365: {  	_ = 	snop;
	(pc) =	sbr.rel @!p0 .LBB2_56-.Ltmp47, $1  }
0x366: {  	_ =	sdelay $0x3  }
0x367: {  	s0 =	sshll.u32 s11, $0x7;
	s5 =	sshrl.u32 s11, $0x3;
	s18 =	simm.s32 $0x0  }
0x368: {  	s30 =	simm.s32 $0x40;
	s2 =	sand.u32 $0x380, s0;
	s16 =	smul.u32 $0x1800, s5  }
0x369: {  	s19 =	sand.u32 $0x40, s18;
	s0 =	sand.u32 $0x1C00, s18;
	s13 =	sor.u32 $0x10, s2  }
0x36a: {  	s14 =	sor.u32 $0x20, s2;
	s12 =	sor.u32 s2, s19;
	s0 =	sadd.s32 s16, s0  }
0x36b: {  	s23 =	sor.u32 $0x30, s2;
	s22 =	sor.u32 s13, s19;
	s17 =	sor.u32 s0, s12  }
0x36c: {  	s15 =	sor.u32 s23, s19;
	s5 =	sor.u32 s14, s19;
	s29 =	sor.u32 s0, s22;
	v18 =	vld [tilespmem:s17+$0x19180]  }
0x36d: {  	s18 =	sor.u32 s0, s15;
	s19 =	sor.u32 s0, s5;
	s0 =	simm.s32 $0x200;
	v19 =	vld [tilespmem:s29+$0x19180]  }
0x36e: {  	s26 =	simm.s32 $0x4;
	s15 =	sand.u32 $0x40, s30;
	v20 =	vld [tilespmem:s19+$0x19180];
	s24 =	sand.u32 $0x1C00, s0  }
0x36f: {  	v21 =	vld [tilespmem:s18+$0x19180];
	s22 =	sor.u32 s2, s15;
	s5 =	sor.u32 s23, s15;
	s12 =	sadd.s32 s16, s24  }
.LBB2_54:
0x370: {  	s24 =	sor.u32 s13, s15;
	s26 =	sadd.s32 $0x4, s26  }
0x371: {  	s15 =	sor.u32 s14, s15;
	[tilespmem:s17+$0x16180] =	vst v18;
	s17 =	sor.u32 s12, s22;
	p0 =	slt.u32 s26, $0x2C  }
.Ltmp48:
0x372: {  	s5 =	sor.u32 s12, s5;
	v18 =	vld [tilespmem:s17+$0x19180];
	[tilespmem:s29+$0x16180] =	vst v19;
	s29 =	sor.u32 s12, s24;
	(pc) =	sbr.rel @p0 .LBB2_54-.Ltmp48, $4  }
0x373: {  	v19 =	vld [tilespmem:s29+$0x19180];
	[tilespmem:s19+$0x16180] =	vst v20;
	s19 =	sor.u32 s12, s15  }
0x374: {  	s0 =	sadd.s32 $0x200, s0;
	s30 =	sadd.s32 $0x40, s30;
	v20 =	vld [tilespmem:s19+$0x19180];
	[tilespmem:s18+$0x16180] =	vst v21  }
0x375: {  	s15 =	sand.u32 $0x40, s30;
	s12 =	sand.u32 $0x1C00, s0;
	s18 =	smov.u32 s5;
	v21 =	vld [tilespmem:s5+$0x19180]  }
0x376: {  	s12 =	sadd.s32 s16, s12;
	s22 =	sor.u32 s2, s15;
	s5 =	sor.u32 s23, s15  }
0x377: {  	s0 =	sor.u32 s12, s22  }
0x378: {  	s2 =	sor.u32 s13, s15;
	s5 =	sor.u32 s12, s5;
	v22 =	vld [tilespmem:s0+$0x19180]  }
0x379: {  	s30 =	sor.u32 s14, s15;
	[tilespmem:s17+$0x16180] =	vst v18;
	s2 =	sor.u32 s12, s2;
	v63 =	vld [tilespmem:s5+$0x19180]  }
0x37a: {  	s13 =	sor.u32 s12, s30;
	[tilespmem:s29+$0x16180] =	vst v19;
	v18 =	vld [tilespmem:s2+$0x19180]  }
0x37b: {  	v19 =	vld [tilespmem:s13+$0x19180];
	[tilespmem:s19+$0x16180] =	vst v20  }
.Ltmp49:
0x37c: {  	[tilespmem:s18+$0x16180] =	vst v21;
	(pc) =	sbr.rel .LBB2_56-.Ltmp49, $4  }
0x37d: {  	[tilespmem:s0+$0x16180] =	vst v22  }
0x37e: {  	[tilespmem:s5+$0x16180] =	vst v63  }
0x37f: {  	[tilespmem:s2+$0x16180] =	vst v18  }
0x380: {  	[tilespmem:s13+$0x16180] =	vst v19  }
.LBB2_58:
0x381: {  	_ =	sfence.sel $0x180000  }
0x382: {  	[bflag:$0x0] =	sbarrier.arrive $0xFFFF  }
0x383: {  	_ =	strace $0x90000047  }
0x384: {  	s0 =	stileid.u32;
	[bflag:$0x2] =	sbarrier.arrive $0xFFFF  }
0x385: {  	p0 =	sne.s32 s0, $0x0;
	s0 =	rddreg [dreg:$0x5]  }
0x386: {  	s0 =	sadd.s32 @!p0 $0x100000, s0  }
0x387: {  	[sflag:s0] =	ssyncadd.tile.s32 @!p0 $0x1;
	_ =	shalt  }
.Lfunc_end2:
_tile_overlayer_lowered:
.L_overlay_start_2:
0x388: {  	(tag) =	ssettag $0x2  }
0x389: {  	s0 =	rddreg [dreg:$0x0];
	s2 =	stileid.u32  }
0x38a: {  	s1 =	rddreg [dreg:$0x1];
	p0 =	sne.s32 s2, $0x0  }
0x38b: {  	s3 =	rddreg [dreg:$0x2];
	[bflag:$0x3] =	sbarrier.arrive $0xFFFF;
	s2 =	simm.s32 @!p0 $0x1C12  }
0x38c: {  	[timem:s3], [sflag:s2] =	dma.local @!p0 [hbm:s0], s1  }
0x38d: {  	s0 =	simm.s32 @!p0 $0x12  }
0x38e: {  	_ =	swait.ge @!p0 [sflag:s0], s1  }
0x38f: {  	s1 =	ssub.s32 @!p0 $0x0, s1;
	[sflag:s0] =	ssyncset.done @!p0 $0x0  }
0x390: {  	[sflag:s0] =	ssyncadd.s32 @!p0 s1  }
0x391: {  	[bflag:$0x3] =	sbarrier.arrive $0xFFFF  }
0x392: {  	_ =	shalt  }

</sc_bundles>
